<compile_context>
chip_gen: v7x
topology: tpu7x:2x2x1
jax: 0.10.2.dev20260603
libtpu: 0.0.44.dev20260713+nightly
codegen_flags: <defaults>
</compile_context>

<pallas_src>
import functools

import jax
import jax.numpy as jnp
from jax.experimental import pallas as pl
from jax.experimental.pallas import tpu as pltpu
from jax.experimental.pallas import tpu_sc as plsc

LAYERS = 6
HEADS = 8
LH = LAYERS * HEADS
L = 2048
T = 512

SC_HEADS = 8
TC_HEADS = LH - SC_HEADS
NTILES = 32
ROWS_PER_TILE = L // NTILES
LANES = 16

SCAN_BLOCK = 4


def _scan_kernel(x_ref, score_ref):
    rmax = jnp.max(x_ref[...], axis=-1, keepdims=True)
    score_ref[...] = jnp.mean(rmax, axis=1, keepdims=True)


def _lane_shuffle(v, idx):
    return jax.lax.gather(
        v, idx[:, None],
        jax.lax.GatherDimensionNumbers(
            offset_dims=(), collapsed_slice_dims=(0,), start_index_map=(0,)),
        slice_sizes=(1,),
        mode=jax.lax.GatherScatterMode.PROMISE_IN_BOUNDS)


def _sc_scan_body(a_hbm, out_hbm, buf, outvec):
    c = jax.lax.axis_index("c")
    s = jax.lax.axis_index("s")
    wid = s * 2 + c
    base = wid * ROWS_PER_TILE
    res = jnp.zeros((LANES,), jnp.float32)
    lane = jax.lax.iota(jnp.int32, LANES)
    for h in range(SC_HEADS):
        pltpu.sync_copy(
            a_hbm.at[TC_HEADS + h, pl.ds(base, ROWS_PER_TILE), :], buf)

        def row_body(r, acc, _buf=buf, _lane=lane):
            m = _buf[r, pl.ds(0, LANES)]
            for i in range(1, T // LANES):
                m = jnp.maximum(m, _buf[r, pl.ds(i * LANES, LANES)])
            for k in (8, 4, 2, 1):
                m = jnp.maximum(m, _lane_shuffle(m, _lane ^ k))
            return acc + m

        acc = jax.lax.fori_loop(0, ROWS_PER_TILE, row_body,
                                jnp.zeros((LANES,), jnp.float32))
        res = jnp.where(lane == h, acc, res)
    outvec[...] = res
    pltpu.sync_copy(outvec, out_hbm.at[wid])


def _finalize_kernel(widx_ref, x_ref, score_ref, part_ref, dur_ref, focus_ref):
    del widx_ref
    x = x_ref[0]
    rmax = jnp.max(x, axis=-1, keepdims=True)
    iota_t = jax.lax.broadcasted_iota(jnp.int32, (L, T), 1)
    ridx = jnp.min(jnp.where(x == rmax, iota_t, T), axis=-1, keepdims=True)
    eq = (ridx == iota_t).astype(jnp.int32)
    dur_ref[0, :] = jnp.sum(eq, axis=0)
    scores_tc = score_ref[:, :, 0]
    scores_sc = jnp.sum(part_ref[:, :SC_HEADS], axis=0, keepdims=True) / L
    m_tc = jnp.max(scores_tc, axis=(0, 1), keepdims=True)
    m_sc = jnp.max(scores_sc, axis=(0, 1), keepdims=True)
    focus_ref[:, :] = jnp.maximum(m_tc, m_sc)


_sc_scan = functools.partial(
    pl.kernel,
    out_type=jax.ShapeDtypeStruct((NTILES, LANES), jnp.float32),
    mesh=plsc.VectorSubcoreMesh(core_axis_name="c", subcore_axis_name="s",
                                num_cores=2, num_subcores=16),
    scratch_types=[
        pltpu.VMEM((ROWS_PER_TILE, T), jnp.float32),
        pltpu.VMEM((LANES,), jnp.float32),
    ],
    compiler_params=pltpu.CompilerParams(use_tc_tiling_on_sc=True),
)(_sc_scan_body)


def kernel(att_ws):
    a = att_ws.reshape(LH, L, T)
    partials = _sc_scan(a)
    scores_tc = pl.pallas_call(
        _scan_kernel,
        grid=(TC_HEADS // SCAN_BLOCK,),
        in_specs=[pl.BlockSpec((SCAN_BLOCK, L, T), lambda i: (i, 0, 0))],
        out_specs=pl.BlockSpec((SCAN_BLOCK, 1, 1), lambda i: (i, 0, 0)),
        out_shape=jax.ShapeDtypeStruct((TC_HEADS, 1, 1), jnp.float32),
    )(a)
    scores_all = jnp.concatenate(
        [scores_tc.reshape(TC_HEADS),
         jnp.sum(partials[:, :SC_HEADS], axis=0) / L])
    widx = jnp.argmax(scores_all).astype(jnp.int32).reshape(1)
    durations, focus = pl.pallas_call(
        _finalize_kernel,
        grid_spec=pltpu.PrefetchScalarGridSpec(
            num_scalar_prefetch=1,
            grid=(1,),
            in_specs=[
                pl.BlockSpec((1, L, T), lambda i, w: (w[0], 0, 0)),
                pl.BlockSpec((TC_HEADS, 1, 1), lambda i, w: (0, 0, 0)),
                pl.BlockSpec((NTILES, LANES), lambda i, w: (0, 0)),
            ],
            out_specs=[
                pl.BlockSpec((1, T), lambda i, w: (0, 0)),
                pl.BlockSpec((1, 1), lambda i, w: (0, 0)),
            ],
        ),
        out_shape=[
            jax.ShapeDtypeStruct((1, T), jnp.int32),
            jax.ShapeDtypeStruct((1, 1), jnp.float32),
        ],
    )(widx, a, scores_tc, partials)
    return durations.reshape(T), focus.reshape(())

# --- scband reference (transcript-rebuilt; emitter-appended) ---
"""Pipeline reference for scband-duration-calculator-15917148799481 (READ-ONLY COPY).

The authoritative reference and input builder live on the scoring server;
editing this copy changes nothing except your own understanding.
"""

import jax, jax.numpy as jnp
import numpy as np

REDUCTION_FACTOR = 1

def setup_inputs(seed: int = 0) -> dict:
    key = jax.random.key(seed)
    att_ws = jax.random.uniform(key, (6, 8, 2048, 512), dtype=jnp.float32)
    return {"att_ws": att_ws}

def reference(att_ws):
    # focus rate: max over T, mean over L, max over (layers, heads)
    focus_rate = jnp.max(jnp.mean(jnp.max(att_ws, axis=-1), axis=-1))
    # duration: concatenate layers*heads, pick most diagonal head
    a = att_ws.reshape((-1, att_ws.shape[-2], att_ws.shape[-1]))  # (LH, L, T)
    diagonal_scores = jnp.mean(jnp.max(a, axis=-1), axis=-1)  # (LH,)
    diagonal_head_idx = jnp.argmax(diagonal_scores)
    sel = a[diagonal_head_idx]  # (L, T)
    am = jnp.argmax(sel, axis=-1)  # (L,) values in [0, T)
    # histogram: durations[i] = count of decoder frames whose argmax == i
    durations = jnp.bincount(am, length=sel.shape[1]) * REDUCTION_FACTOR  # (T,)
    return durations, focus_rate

if __name__ == "__main__":
    import jax
    _d = setup_inputs()
    print(jax.jit(kernel)(*tuple(_d.values())))

</pallas_src>

<mosaic_0001>
#map = affine_map<(d0, d1) -> (0, 0, 0)>
#map1 = affine_map<(d0, d1) -> (0, 0)>
module attributes {stable_mosaic.version = 14 : i64} {
  func.func @_sc_scan_body(%arg0: i32, %arg1: i32, %arg2: memref<48x2048x512xf32, #tpu.memory_space<hbm>>, %arg3: memref<32x16xf32, #tpu.memory_space<hbm>>, %arg4: memref<64x512xf32, #tpu.memory_space<vmem>>, %arg5: memref<16xf32, #tpu.memory_space<vmem>>) attributes {dimension_semantics = [#tpu.dimension_semantics<core_parallel>, #tpu.dimension_semantics<subcore_parallel>], iteration_bounds = array<i64: 2, 16>, scalar_prefetch = 0 : i64, scratch_operands = 2 : i64, tpu.core_type = #tpu.core_type<sc_vector_subcore>, window_params = [{transform_indices = #map}, {transform_indices = #map1}]} {
    %mul3A = arith.constant 2 : i32
    %mul3A_0 = arith.muli %arg1, %mul3A : i32
    %add3A = arith.addi %mul3A_0, %arg0 : i32
    %mul3A_1 = arith.constant 64 : i32
    %mul3A_2 = arith.muli %add3A, %mul3A_1 : i32
    %broadcast_in_dim3A = arith.constant 0.000000e+00 : f32
    %broadcast_in_dim3A_3 = vector.broadcast %broadcast_in_dim3A : f32 to vector<16xf32>
    %iota3A = tpu.iota {dimensions = array<i32: 0>} : vector<16xi32>
    %run_scoped3A = arith.constant 40 : i32
    "tpu.region"() ({
      %run_scoped3A_107 = tpu.sem_alloc : memref<!tpu.dma_semaphore, #tpu.memory_space<semaphore_mem>>
      %dma_start3A = arith.constant 0 : i32
      %dma_start3A_108 = tpu.memref_slice %arg2[%run_scoped3A, %mul3A_2, %dma_start3A] : memref<48x2048x512xf32, #tpu.memory_space<hbm>> -> memref<1x64x512xf32, #tpu.memory_space<hbm>>
      %dma_start3A_109 = tpu.memref_squeeze %dma_start3A_108 : memref<1x64x512xf32, #tpu.memory_space<hbm>> -> memref<64x512xf32, #tpu.memory_space<hbm>>
      %dma_start3A_110 = arith.constant 0 : i32
      %dma_start3A_111 = tpu.memref_slice %arg2[%run_scoped3A, %mul3A_2, %dma_start3A_110] : memref<48x2048x512xf32, #tpu.memory_space<hbm>> -> memref<1x64x512xf32, #tpu.memory_space<hbm>>
      %dma_start3A_112 = tpu.memref_squeeze %dma_start3A_111 : memref<1x64x512xf32, #tpu.memory_space<hbm>> -> memref<64x512xf32, #tpu.memory_space<hbm>>
      tpu.enqueue_dma source(%dma_start3A_112 : memref<64x512xf32, #tpu.memory_space<hbm>>) target(%arg4 : memref<64x512xf32, #tpu.memory_space<vmem>>) target_semaphore(%run_scoped3A_107 : memref<!tpu.dma_semaphore, #tpu.memory_space<semaphore_mem>>)
      %dma_wait3A = arith.constant 0 : i32
      %dma_wait3A_113 = tpu.memref_slice %arg2[%run_scoped3A, %mul3A_2, %dma_wait3A] : memref<48x2048x512xf32, #tpu.memory_space<hbm>> -> memref<1x64x512xf32, #tpu.memory_space<hbm>>
      %dma_wait3A_114 = tpu.memref_squeeze %dma_wait3A_113 : memref<1x64x512xf32, #tpu.memory_space<hbm>> -> memref<64x512xf32, #tpu.memory_space<hbm>>
      %dma_wait3A_115 = arith.constant 0 : i32
      %dma_wait3A_116 = tpu.memref_slice %arg2[%run_scoped3A, %mul3A_2, %dma_wait3A_115] : memref<48x2048x512xf32, #tpu.memory_space<hbm>> -> memref<1x64x512xf32, #tpu.memory_space<hbm>>
      %dma_wait3A_117 = tpu.memref_squeeze %dma_wait3A_116 : memref<1x64x512xf32, #tpu.memory_space<hbm>> -> memref<64x512xf32, #tpu.memory_space<hbm>>
      tpu.wait_dma2 semaphore(%run_scoped3A_107 : memref<!tpu.dma_semaphore, #tpu.memory_space<semaphore_mem>>) src(%dma_wait3A_117 : memref<64x512xf32, #tpu.memory_space<hbm>>) dst(%arg4 : memref<64x512xf32, #tpu.memory_space<vmem>>)
      tpu.yield
    }) : () -> ()
    %broadcast_in_dim3A_4 = arith.constant 0.000000e+00 : f32
    %broadcast_in_dim3A_5 = vector.broadcast %broadcast_in_dim3A_4 : f32 to vector<16xf32>
    %scan3A = arith.constant 0 : i32
    %scan3A_6 = arith.constant 64 : i32
    %scan3A_7 = arith.addi %scan3A, %scan3A_6 : i32
    %scan3A_8 = arith.constant 1 : i32
    %scan3A_9 = scf.for %scan3A_107 = %scan3A to %scan3A_7 step %scan3A_8 iter_args(%scan3A_108 = %broadcast_in_dim3A_5) -> (vector<16xf32>)  : i32 {
      %get3A = arith.index_cast %scan3A_107 : i32 to index
      %get3A_109 = arith.constant 0 : index
      %get3A_110 = tpu.vector_load %arg4[%get3A, %get3A_109] {strides = array<i32>} : memref<64x512xf32, #tpu.memory_space<vmem>>, vector<1x16xf32>,
      %get3A_111 = vector.shape_cast %get3A_110 : vector<1x16xf32> to vector<16xf32>
      %get3A_112 = arith.index_cast %scan3A_107 : i32 to index
      %get3A_113 = arith.constant 16 : index
      %get3A_114 = tpu.vector_load %arg4[%get3A_112, %get3A_113] {strides = array<i32>} : memref<64x512xf32, #tpu.memory_space<vmem>>, vector<1x16xf32>,
      %get3A_115 = vector.shape_cast %get3A_114 : vector<1x16xf32> to vector<16xf32>
      %max3A = arith.maximumf %get3A_111, %get3A_115 : vector<16xf32>
      %get3A_116 = arith.index_cast %scan3A_107 : i32 to index
      %get3A_117 = arith.constant 32 : index
      %get3A_118 = tpu.vector_load %arg4[%get3A_116, %get3A_117] {strides = array<i32>} : memref<64x512xf32, #tpu.memory_space<vmem>>, vector<1x16xf32>,
      %get3A_119 = vector.shape_cast %get3A_118 : vector<1x16xf32> to vector<16xf32>
      %max3A_120 = arith.maximumf %max3A, %get3A_119 : vector<16xf32>
      %get3A_121 = arith.index_cast %scan3A_107 : i32 to index
      %get3A_122 = arith.constant 48 : index
      %get3A_123 = tpu.vector_load %arg4[%get3A_121, %get3A_122] {strides = array<i32>} : memref<64x512xf32, #tpu.memory_space<vmem>>, vector<1x16xf32>,
      %get3A_124 = vector.shape_cast %get3A_123 : vector<1x16xf32> to vector<16xf32>
      %max3A_125 = arith.maximumf %max3A_120, %get3A_124 : vector<16xf32>
      %get3A_126 = arith.index_cast %scan3A_107 : i32 to index
      %get3A_127 = arith.constant 64 : index
      %get3A_128 = tpu.vector_load %arg4[%get3A_126, %get3A_127] {strides = array<i32>} : memref<64x512xf32, #tpu.memory_space<vmem>>, vector<1x16xf32>,
      %get3A_129 = vector.shape_cast %get3A_128 : vector<1x16xf32> to vector<16xf32>
      %max3A_130 = arith.maximumf %max3A_125, %get3A_129 : vector<16xf32>
      %get3A_131 = arith.index_cast %scan3A_107 : i32 to index
      %get3A_132 = arith.constant 80 : index
      %get3A_133 = tpu.vector_load %arg4[%get3A_131, %get3A_132] {strides = array<i32>} : memref<64x512xf32, #tpu.memory_space<vmem>>, vector<1x16xf32>,
      %get3A_134 = vector.shape_cast %get3A_133 : vector<1x16xf32> to vector<16xf32>
      %max3A_135 = arith.maximumf %max3A_130, %get3A_134 : vector<16xf32>
      %get3A_136 = arith.index_cast %scan3A_107 : i32 to index
      %get3A_137 = arith.constant 96 : index
      %get3A_138 = tpu.vector_load %arg4[%get3A_136, %get3A_137] {strides = array<i32>} : memref<64x512xf32, #tpu.memory_space<vmem>>, vector<1x16xf32>,
      %get3A_139 = vector.shape_cast %get3A_138 : vector<1x16xf32> to vector<16xf32>
      %max3A_140 = arith.maximumf %max3A_135, %get3A_139 : vector<16xf32>
      %get3A_141 = arith.index_cast %scan3A_107 : i32 to index
      %get3A_142 = arith.constant 112 : index
      %get3A_143 = tpu.vector_load %arg4[%get3A_141, %get3A_142] {strides = array<i32>} : memref<64x512xf32, #tpu.memory_space<vmem>>, vector<1x16xf32>,
      %get3A_144 = vector.shape_cast %get3A_143 : vector<1x16xf32> to vector<16xf32>
      %max3A_145 = arith.maximumf %max3A_140, %get3A_144 : vector<16xf32>
      %get3A_146 = arith.index_cast %scan3A_107 : i32 to index
      %get3A_147 = arith.constant 128 : index
      %get3A_148 = tpu.vector_load %arg4[%get3A_146, %get3A_147] {strides = array<i32>} : memref<64x512xf32, #tpu.memory_space<vmem>>, vector<1x16xf32>,
      %get3A_149 = vector.shape_cast %get3A_148 : vector<1x16xf32> to vector<16xf32>
      %max3A_150 = arith.maximumf %max3A_145, %get3A_149 : vector<16xf32>
      %get3A_151 = arith.index_cast %scan3A_107 : i32 to index
      %get3A_152 = arith.constant 144 : index
      %get3A_153 = tpu.vector_load %arg4[%get3A_151, %get3A_152] {strides = array<i32>} : memref<64x512xf32, #tpu.memory_space<vmem>>, vector<1x16xf32>,
      %get3A_154 = vector.shape_cast %get3A_153 : vector<1x16xf32> to vector<16xf32>
      %max3A_155 = arith.maximumf %max3A_150, %get3A_154 : vector<16xf32>
      %get3A_156 = arith.index_cast %scan3A_107 : i32 to index
      %get3A_157 = arith.constant 160 : index
      %get3A_158 = tpu.vector_load %arg4[%get3A_156, %get3A_157] {strides = array<i32>} : memref<64x512xf32, #tpu.memory_space<vmem>>, vector<1x16xf32>,
      %get3A_159 = vector.shape_cast %get3A_158 : vector<1x16xf32> to vector<16xf32>
      %max3A_160 = arith.maximumf %max3A_155, %get3A_159 : vector<16xf32>
      %get3A_161 = arith.index_cast %scan3A_107 : i32 to index
      %get3A_162 = arith.constant 176 : index
      %get3A_163 = tpu.vector_load %arg4[%get3A_161, %get3A_162] {strides = array<i32>} : memref<64x512xf32, #tpu.memory_space<vmem>>, vector<1x16xf32>,
      %get3A_164 = vector.shape_cast %get3A_163 : vector<1x16xf32> to vector<16xf32>
      %max3A_165 = arith.maximumf %max3A_160, %get3A_164 : vector<16xf32>
      %get3A_166 = arith.index_cast %scan3A_107 : i32 to index
      %get3A_167 = arith.constant 192 : index
      %get3A_168 = tpu.vector_load %arg4[%get3A_166, %get3A_167] {strides = array<i32>} : memref<64x512xf32, #tpu.memory_space<vmem>>, vector<1x16xf32>,
      %get3A_169 = vector.shape_cast %get3A_168 : vector<1x16xf32> to vector<16xf32>
      %max3A_170 = arith.maximumf %max3A_165, %get3A_169 : vector<16xf32>
      %get3A_171 = arith.index_cast %scan3A_107 : i32 to index
      %get3A_172 = arith.constant 208 : index
      %get3A_173 = tpu.vector_load %arg4[%get3A_171, %get3A_172] {strides = array<i32>} : memref<64x512xf32, #tpu.memory_space<vmem>>, vector<1x16xf32>,
      %get3A_174 = vector.shape_cast %get3A_173 : vector<1x16xf32> to vector<16xf32>
      %max3A_175 = arith.maximumf %max3A_170, %get3A_174 : vector<16xf32>
      %get3A_176 = arith.index_cast %scan3A_107 : i32 to index
      %get3A_177 = arith.constant 224 : index
      %get3A_178 = tpu.vector_load %arg4[%get3A_176, %get3A_177] {strides = array<i32>} : memref<64x512xf32, #tpu.memory_space<vmem>>, vector<1x16xf32>,
      %get3A_179 = vector.shape_cast %get3A_178 : vector<1x16xf32> to vector<16xf32>
      %max3A_180 = arith.maximumf %max3A_175, %get3A_179 : vector<16xf32>
      %get3A_181 = arith.index_cast %scan3A_107 : i32 to index
      %get3A_182 = arith.constant 240 : index
      %get3A_183 = tpu.vector_load %arg4[%get3A_181, %get3A_182] {strides = array<i32>} : memref<64x512xf32, #tpu.memory_space<vmem>>, vector<1x16xf32>,
      %get3A_184 = vector.shape_cast %get3A_183 : vector<1x16xf32> to vector<16xf32>
      %max3A_185 = arith.maximumf %max3A_180, %get3A_184 : vector<16xf32>
      %get3A_186 = arith.index_cast %scan3A_107 : i32 to index
      %get3A_187 = arith.constant 256 : index
      %get3A_188 = tpu.vector_load %arg4[%get3A_186, %get3A_187] {strides = array<i32>} : memref<64x512xf32, #tpu.memory_space<vmem>>, vector<1x16xf32>,
      %get3A_189 = vector.shape_cast %get3A_188 : vector<1x16xf32> to vector<16xf32>
      %max3A_190 = arith.maximumf %max3A_185, %get3A_189 : vector<16xf32>
      %get3A_191 = arith.index_cast %scan3A_107 : i32 to index
      %get3A_192 = arith.constant 272 : index
      %get3A_193 = tpu.vector_load %arg4[%get3A_191, %get3A_192] {strides = array<i32>} : memref<64x512xf32, #tpu.memory_space<vmem>>, vector<1x16xf32>,
      %get3A_194 = vector.shape_cast %get3A_193 : vector<1x16xf32> to vector<16xf32>
      %max3A_195 = arith.maximumf %max3A_190, %get3A_194 : vector<16xf32>
      %get3A_196 = arith.index_cast %scan3A_107 : i32 to index
      %get3A_197 = arith.constant 288 : index
      %get3A_198 = tpu.vector_load %arg4[%get3A_196, %get3A_197] {strides = array<i32>} : memref<64x512xf32, #tpu.memory_space<vmem>>, vector<1x16xf32>,
      %get3A_199 = vector.shape_cast %get3A_198 : vector<1x16xf32> to vector<16xf32>
      %max3A_200 = arith.maximumf %max3A_195, %get3A_199 : vector<16xf32>
      %get3A_201 = arith.index_cast %scan3A_107 : i32 to index
      %get3A_202 = arith.constant 304 : index
      %get3A_203 = tpu.vector_load %arg4[%get3A_201, %get3A_202] {strides = array<i32>} : memref<64x512xf32, #tpu.memory_space<vmem>>, vector<1x16xf32>,
      %get3A_204 = vector.shape_cast %get3A_203 : vector<1x16xf32> to vector<16xf32>
      %max3A_205 = arith.maximumf %max3A_200, %get3A_204 : vector<16xf32>
      %get3A_206 = arith.index_cast %scan3A_107 : i32 to index
      %get3A_207 = arith.constant 320 : index
      %get3A_208 = tpu.vector_load %arg4[%get3A_206, %get3A_207] {strides = array<i32>} : memref<64x512xf32, #tpu.memory_space<vmem>>, vector<1x16xf32>,
      %get3A_209 = vector.shape_cast %get3A_208 : vector<1x16xf32> to vector<16xf32>
      %max3A_210 = arith.maximumf %max3A_205, %get3A_209 : vector<16xf32>
      %get3A_211 = arith.index_cast %scan3A_107 : i32 to index
      %get3A_212 = arith.constant 336 : index
      %get3A_213 = tpu.vector_load %arg4[%get3A_211, %get3A_212] {strides = array<i32>} : memref<64x512xf32, #tpu.memory_space<vmem>>, vector<1x16xf32>,
      %get3A_214 = vector.shape_cast %get3A_213 : vector<1x16xf32> to vector<16xf32>
      %max3A_215 = arith.maximumf %max3A_210, %get3A_214 : vector<16xf32>
      %get3A_216 = arith.index_cast %scan3A_107 : i32 to index
      %get3A_217 = arith.constant 352 : index
      %get3A_218 = tpu.vector_load %arg4[%get3A_216, %get3A_217] {strides = array<i32>} : memref<64x512xf32, #tpu.memory_space<vmem>>, vector<1x16xf32>,
      %get3A_219 = vector.shape_cast %get3A_218 : vector<1x16xf32> to vector<16xf32>
      %max3A_220 = arith.maximumf %max3A_215, %get3A_219 : vector<16xf32>
      %get3A_221 = arith.index_cast %scan3A_107 : i32 to index
      %get3A_222 = arith.constant 368 : index
      %get3A_223 = tpu.vector_load %arg4[%get3A_221, %get3A_222] {strides = array<i32>} : memref<64x512xf32, #tpu.memory_space<vmem>>, vector<1x16xf32>,
      %get3A_224 = vector.shape_cast %get3A_223 : vector<1x16xf32> to vector<16xf32>
      %max3A_225 = arith.maximumf %max3A_220, %get3A_224 : vector<16xf32>
      %get3A_226 = arith.index_cast %scan3A_107 : i32 to index
      %get3A_227 = arith.constant 384 : index
      %get3A_228 = tpu.vector_load %arg4[%get3A_226, %get3A_227] {strides = array<i32>} : memref<64x512xf32, #tpu.memory_space<vmem>>, vector<1x16xf32>,
      %get3A_229 = vector.shape_cast %get3A_228 : vector<1x16xf32> to vector<16xf32>
      %max3A_230 = arith.maximumf %max3A_225, %get3A_229 : vector<16xf32>
      %get3A_231 = arith.index_cast %scan3A_107 : i32 to index
      %get3A_232 = arith.constant 400 : index
      %get3A_233 = tpu.vector_load %arg4[%get3A_231, %get3A_232] {strides = array<i32>} : memref<64x512xf32, #tpu.memory_space<vmem>>, vector<1x16xf32>,
      %get3A_234 = vector.shape_cast %get3A_233 : vector<1x16xf32> to vector<16xf32>
      %max3A_235 = arith.maximumf %max3A_230, %get3A_234 : vector<16xf32>
      %get3A_236 = arith.index_cast %scan3A_107 : i32 to index
      %get3A_237 = arith.constant 416 : index
      %get3A_238 = tpu.vector_load %arg4[%get3A_236, %get3A_237] {strides = array<i32>} : memref<64x512xf32, #tpu.memory_space<vmem>>, vector<1x16xf32>,
      %get3A_239 = vector.shape_cast %get3A_238 : vector<1x16xf32> to vector<16xf32>
      %max3A_240 = arith.maximumf %max3A_235, %get3A_239 : vector<16xf32>
      %get3A_241 = arith.index_cast %scan3A_107 : i32 to index
      %get3A_242 = arith.constant 432 : index
      %get3A_243 = tpu.vector_load %arg4[%get3A_241, %get3A_242] {strides = array<i32>} : memref<64x512xf32, #tpu.memory_space<vmem>>, vector<1x16xf32>,
      %get3A_244 = vector.shape_cast %get3A_243 : vector<1x16xf32> to vector<16xf32>
      %max3A_245 = arith.maximumf %max3A_240, %get3A_244 : vector<16xf32>
      %get3A_246 = arith.index_cast %scan3A_107 : i32 to index
      %get3A_247 = arith.constant 448 : index
      %get3A_248 = tpu.vector_load %arg4[%get3A_246, %get3A_247] {strides = array<i32>} : memref<64x512xf32, #tpu.memory_space<vmem>>, vector<1x16xf32>,
      %get3A_249 = vector.shape_cast %get3A_248 : vector<1x16xf32> to vector<16xf32>
      %max3A_250 = arith.maximumf %max3A_245, %get3A_249 : vector<16xf32>
      %get3A_251 = arith.index_cast %scan3A_107 : i32 to index
      %get3A_252 = arith.constant 464 : index
      %get3A_253 = tpu.vector_load %arg4[%get3A_251, %get3A_252] {strides = array<i32>} : memref<64x512xf32, #tpu.memory_space<vmem>>, vector<1x16xf32>,
      %get3A_254 = vector.shape_cast %get3A_253 : vector<1x16xf32> to vector<16xf32>
      %max3A_255 = arith.maximumf %max3A_250, %get3A_254 : vector<16xf32>
      %get3A_256 = arith.index_cast %scan3A_107 : i32 to index
      %get3A_257 = arith.constant 480 : index
      %get3A_258 = tpu.vector_load %arg4[%get3A_256, %get3A_257] {strides = array<i32>} : memref<64x512xf32, #tpu.memory_space<vmem>>, vector<1x16xf32>,
      %get3A_259 = vector.shape_cast %get3A_258 : vector<1x16xf32> to vector<16xf32>
      %max3A_260 = arith.maximumf %max3A_255, %get3A_259 : vector<16xf32>
      %get3A_261 = arith.index_cast %scan3A_107 : i32 to index
      %get3A_262 = arith.constant 496 : index
      %get3A_263 = tpu.vector_load %arg4[%get3A_261, %get3A_262] {strides = array<i32>} : memref<64x512xf32, #tpu.memory_space<vmem>>, vector<1x16xf32>,
      %get3A_264 = vector.shape_cast %get3A_263 : vector<1x16xf32> to vector<16xf32>
      %max3A_265 = arith.maximumf %max3A_260, %get3A_264 : vector<16xf32>
      %xor3A = arith.constant 8 : i32
      %xor3A_266 = vector.broadcast %xor3A : i32 to vector<16xi32>
      %xor3A_267 = arith.xori %iota3A, %xor3A_266 : vector<16xi32>
      %broadcast_in_dim3A_268 = vector.shape_cast %xor3A_267 : vector<16xi32> to vector<16x1xi32>
      %gather3A = vector.shape_cast %broadcast_in_dim3A_268 : vector<16x1xi32> to vector<16xi32>
      %gather3A_269 = tpu.dynamic_gather %max3A_265[%gather3A] in [0] : vector<16xf32>, vector<16xi32> -> vector<16xf32>
      %max3A_270 = arith.maximumf %max3A_265, %gather3A_269 : vector<16xf32>
      %xor3A_271 = arith.constant 4 : i32
      %xor3A_272 = vector.broadcast %xor3A_271 : i32 to vector<16xi32>
      %xor3A_273 = arith.xori %iota3A, %xor3A_272 : vector<16xi32>
      %broadcast_in_dim3A_274 = vector.shape_cast %xor3A_273 : vector<16xi32> to vector<16x1xi32>
      %gather3A_275 = vector.shape_cast %broadcast_in_dim3A_274 : vector<16x1xi32> to vector<16xi32>
      %gather3A_276 = tpu.dynamic_gather %max3A_270[%gather3A_275] in [0] : vector<16xf32>, vector<16xi32> -> vector<16xf32>
      %max3A_277 = arith.maximumf %max3A_270, %gather3A_276 : vector<16xf32>
      %xor3A_278 = arith.constant 2 : i32
      %xor3A_279 = vector.broadcast %xor3A_278 : i32 to vector<16xi32>
      %xor3A_280 = arith.xori %iota3A, %xor3A_279 : vector<16xi32>
      %broadcast_in_dim3A_281 = vector.shape_cast %xor3A_280 : vector<16xi32> to vector<16x1xi32>
      %gather3A_282 = vector.shape_cast %broadcast_in_dim3A_281 : vector<16x1xi32> to vector<16xi32>
      %gather3A_283 = tpu.dynamic_gather %max3A_277[%gather3A_282] in [0] : vector<16xf32>, vector<16xi32> -> vector<16xf32>
      %max3A_284 = arith.maximumf %max3A_277, %gather3A_283 : vector<16xf32>
      %xor3A_285 = arith.constant 1 : i32
      %xor3A_286 = vector.broadcast %xor3A_285 : i32 to vector<16xi32>
      %xor3A_287 = arith.xori %iota3A, %xor3A_286 : vector<16xi32>
      %broadcast_in_dim3A_288 = vector.shape_cast %xor3A_287 : vector<16xi32> to vector<16x1xi32>
      %gather3A_289 = vector.shape_cast %broadcast_in_dim3A_288 : vector<16x1xi32> to vector<16xi32>
      %gather3A_290 = tpu.dynamic_gather %max3A_284[%gather3A_289] in [0] : vector<16xf32>, vector<16xi32> -> vector<16xf32>
      %max3A_291 = arith.maximumf %max3A_284, %gather3A_290 : vector<16xf32>
      %add3A_292 = arith.addf %scan3A_108, %max3A_291 : vector<16xf32>
      scf.yield %add3A_292 : vector<16xf32>
    }
    %scan3A_10 = arith.constant 64 : i32
    %eq3A = arith.constant 0 : i32
    %eq3A_11 = vector.broadcast %eq3A : i32 to vector<16xi32>
    %eq3A_12 = arith.cmpi eq, %iota3A, %eq3A_11 : vector<16xi32>
    %select_n3A = arith.select %eq3A_12, %scan3A_9, %broadcast_in_dim3A_3 : vector<16xi1>, vector<16xf32>
    %run_scoped3A_13 = arith.constant 41 : i32
    "tpu.region"() ({
      %run_scoped3A_107 = tpu.sem_alloc : memref<!tpu.dma_semaphore, #tpu.memory_space<semaphore_mem>>
      %dma_start3A = arith.constant 0 : i32
      %dma_start3A_108 = tpu.memref_slice %arg2[%run_scoped3A_13, %mul3A_2, %dma_start3A] : memref<48x2048x512xf32, #tpu.memory_space<hbm>> -> memref<1x64x512xf32, #tpu.memory_space<hbm>>
      %dma_start3A_109 = tpu.memref_squeeze %dma_start3A_108 : memref<1x64x512xf32, #tpu.memory_space<hbm>> -> memref<64x512xf32, #tpu.memory_space<hbm>>
      %dma_start3A_110 = arith.constant 0 : i32
      %dma_start3A_111 = tpu.memref_slice %arg2[%run_scoped3A_13, %mul3A_2, %dma_start3A_110] : memref<48x2048x512xf32, #tpu.memory_space<hbm>> -> memref<1x64x512xf32, #tpu.memory_space<hbm>>
      %dma_start3A_112 = tpu.memref_squeeze %dma_start3A_111 : memref<1x64x512xf32, #tpu.memory_space<hbm>> -> memref<64x512xf32, #tpu.memory_space<hbm>>
      tpu.enqueue_dma source(%dma_start3A_112 : memref<64x512xf32, #tpu.memory_space<hbm>>) target(%arg4 : memref<64x512xf32, #tpu.memory_space<vmem>>) target_semaphore(%run_scoped3A_107 : memref<!tpu.dma_semaphore, #tpu.memory_space<semaphore_mem>>)
      %dma_wait3A = arith.constant 0 : i32
      %dma_wait3A_113 = tpu.memref_slice %arg2[%run_scoped3A_13, %mul3A_2, %dma_wait3A] : memref<48x2048x512xf32, #tpu.memory_space<hbm>> -> memref<1x64x512xf32, #tpu.memory_space<hbm>>
      %dma_wait3A_114 = tpu.memref_squeeze %dma_wait3A_113 : memref<1x64x512xf32, #tpu.memory_space<hbm>> -> memref<64x512xf32, #tpu.memory_space<hbm>>
      %dma_wait3A_115 = arith.constant 0 : i32
      %dma_wait3A_116 = tpu.memref_slice %arg2[%run_scoped3A_13, %mul3A_2, %dma_wait3A_115] : memref<48x2048x512xf32, #tpu.memory_space<hbm>> -> memref<1x64x512xf32, #tpu.memory_space<hbm>>
      %dma_wait3A_117 = tpu.memref_squeeze %dma_wait3A_116 : memref<1x64x512xf32, #tpu.memory_space<hbm>> -> memref<64x512xf32, #tpu.memory_space<hbm>>
      tpu.wait_dma2 semaphore(%run_scoped3A_107 : memref<!tpu.dma_semaphore, #tpu.memory_space<semaphore_mem>>) src(%dma_wait3A_117 : memref<64x512xf32, #tpu.memory_space<hbm>>) dst(%arg4 : memref<64x512xf32, #tpu.memory_space<vmem>>)
      tpu.yield
    }) : () -> ()
    %broadcast_in_dim3A_14 = arith.constant 0.000000e+00 : f32
    %broadcast_in_dim3A_15 = vector.broadcast %broadcast_in_dim3A_14 : f32 to vector<16xf32>
    %scan3A_16 = arith.constant 0 : i32
    %scan3A_17 = arith.constant 64 : i32
    %scan3A_18 = arith.addi %scan3A_16, %scan3A_17 : i32
    %scan3A_19 = arith.constant 1 : i32
    %scan3A_20 = scf.for %scan3A_107 = %scan3A_16 to %scan3A_18 step %scan3A_19 iter_args(%scan3A_108 = %broadcast_in_dim3A_15) -> (vector<16xf32>)  : i32 {
      %get3A = arith.index_cast %scan3A_107 : i32 to index
      %get3A_109 = arith.constant 0 : index
      %get3A_110 = tpu.vector_load %arg4[%get3A, %get3A_109] {strides = array<i32>} : memref<64x512xf32, #tpu.memory_space<vmem>>, vector<1x16xf32>,
      %get3A_111 = vector.shape_cast %get3A_110 : vector<1x16xf32> to vector<16xf32>
      %get3A_112 = arith.index_cast %scan3A_107 : i32 to index
      %get3A_113 = arith.constant 16 : index
      %get3A_114 = tpu.vector_load %arg4[%get3A_112, %get3A_113] {strides = array<i32>} : memref<64x512xf32, #tpu.memory_space<vmem>>, vector<1x16xf32>,
      %get3A_115 = vector.shape_cast %get3A_114 : vector<1x16xf32> to vector<16xf32>
      %max3A = arith.maximumf %get3A_111, %get3A_115 : vector<16xf32>
      %get3A_116 = arith.index_cast %scan3A_107 : i32 to index
      %get3A_117 = arith.constant 32 : index
      %get3A_118 = tpu.vector_load %arg4[%get3A_116, %get3A_117] {strides = array<i32>} : memref<64x512xf32, #tpu.memory_space<vmem>>, vector<1x16xf32>,
      %get3A_119 = vector.shape_cast %get3A_118 : vector<1x16xf32> to vector<16xf32>
      %max3A_120 = arith.maximumf %max3A, %get3A_119 : vector<16xf32>
      %get3A_121 = arith.index_cast %scan3A_107 : i32 to index
      %get3A_122 = arith.constant 48 : index
      %get3A_123 = tpu.vector_load %arg4[%get3A_121, %get3A_122] {strides = array<i32>} : memref<64x512xf32, #tpu.memory_space<vmem>>, vector<1x16xf32>,
      %get3A_124 = vector.shape_cast %get3A_123 : vector<1x16xf32> to vector<16xf32>
      %max3A_125 = arith.maximumf %max3A_120, %get3A_124 : vector<16xf32>
      %get3A_126 = arith.index_cast %scan3A_107 : i32 to index
      %get3A_127 = arith.constant 64 : index
      %get3A_128 = tpu.vector_load %arg4[%get3A_126, %get3A_127] {strides = array<i32>} : memref<64x512xf32, #tpu.memory_space<vmem>>, vector<1x16xf32>,
      %get3A_129 = vector.shape_cast %get3A_128 : vector<1x16xf32> to vector<16xf32>
      %max3A_130 = arith.maximumf %max3A_125, %get3A_129 : vector<16xf32>
      %get3A_131 = arith.index_cast %scan3A_107 : i32 to index
      %get3A_132 = arith.constant 80 : index
      %get3A_133 = tpu.vector_load %arg4[%get3A_131, %get3A_132] {strides = array<i32>} : memref<64x512xf32, #tpu.memory_space<vmem>>, vector<1x16xf32>,
      %get3A_134 = vector.shape_cast %get3A_133 : vector<1x16xf32> to vector<16xf32>
      %max3A_135 = arith.maximumf %max3A_130, %get3A_134 : vector<16xf32>
      %get3A_136 = arith.index_cast %scan3A_107 : i32 to index
      %get3A_137 = arith.constant 96 : index
      %get3A_138 = tpu.vector_load %arg4[%get3A_136, %get3A_137] {strides = array<i32>} : memref<64x512xf32, #tpu.memory_space<vmem>>, vector<1x16xf32>,
      %get3A_139 = vector.shape_cast %get3A_138 : vector<1x16xf32> to vector<16xf32>
      %max3A_140 = arith.maximumf %max3A_135, %get3A_139 : vector<16xf32>
      %get3A_141 = arith.index_cast %scan3A_107 : i32 to index
      %get3A_142 = arith.constant 112 : index
      %get3A_143 = tpu.vector_load %arg4[%get3A_141, %get3A_142] {strides = array<i32>} : memref<64x512xf32, #tpu.memory_space<vmem>>, vector<1x16xf32>,
      %get3A_144 = vector.shape_cast %get3A_143 : vector<1x16xf32> to vector<16xf32>
      %max3A_145 = arith.maximumf %max3A_140, %get3A_144 : vector<16xf32>
      %get3A_146 = arith.index_cast %scan3A_107 : i32 to index
      %get3A_147 = arith.constant 128 : index
      %get3A_148 = tpu.vector_load %arg4[%get3A_146, %get3A_147] {strides = array<i32>} : memref<64x512xf32, #tpu.memory_space<vmem>>, vector<1x16xf32>,
      %get3A_149 = vector.shape_cast %get3A_148 : vector<1x16xf32> to vector<16xf32>
      %max3A_150 = arith.maximumf %max3A_145, %get3A_149 : vector<16xf32>
      %get3A_151 = arith.index_cast %scan3A_107 : i32 to index
      %get3A_152 = arith.constant 144 : index
      %get3A_153 = tpu.vector_load %arg4[%get3A_151, %get3A_152] {strides = array<i32>} : memref<64x512xf32, #tpu.memory_space<vmem>>, vector<1x16xf32>,
      %get3A_154 = vector.shape_cast %get3A_153 : vector<1x16xf32> to vector<16xf32>
      %max3A_155 = arith.maximumf %max3A_150, %get3A_154 : vector<16xf32>
      %get3A_156 = arith.index_cast %scan3A_107 : i32 to index
      %get3A_157 = arith.constant 160 : index
      %get3A_158 = tpu.vector_load %arg4[%get3A_156, %get3A_157] {strides = array<i32>} : memref<64x512xf32, #tpu.memory_space<vmem>>, vector<1x16xf32>,
      %get3A_159 = vector.shape_cast %get3A_158 : vector<1x16xf32> to vector<16xf32>
      %max3A_160 = arith.maximumf %max3A_155, %get3A_159 : vector<16xf32>
      %get3A_161 = arith.index_cast %scan3A_107 : i32 to index
      %get3A_162 = arith.constant 176 : index
      %get3A_163 = tpu.vector_load %arg4[%get3A_161, %get3A_162] {strides = array<i32>} : memref<64x512xf32, #tpu.memory_space<vmem>>, vector<1x16xf32>,
      %get3A_164 = vector.shape_cast %get3A_163 : vector<1x16xf32> to vector<16xf32>
      %max3A_165 = arith.maximumf %max3A_160, %get3A_164 : vector<16xf32>
      %get3A_166 = arith.index_cast %scan3A_107 : i32 to index
      %get3A_167 = arith.constant 192 : index
      %get3A_168 = tpu.vector_load %arg4[%get3A_166, %get3A_167] {strides = array<i32>} : memref<64x512xf32, #tpu.memory_space<vmem>>, vector<1x16xf32>,
      %get3A_169 = vector.shape_cast %get3A_168 : vector<1x16xf32> to vector<16xf32>
      %max3A_170 = arith.maximumf %max3A_165, %get3A_169 : vector<16xf32>
      %get3A_171 = arith.index_cast %scan3A_107 : i32 to index
      %get3A_172 = arith.constant 208 : index
      %get3A_173 = tpu.vector_load %arg4[%get3A_171, %get3A_172] {strides = array<i32>} : memref<64x512xf32, #tpu.memory_space<vmem>>, vector<1x16xf32>,
      %get3A_174 = vector.shape_cast %get3A_173 : vector<1x16xf32> to vector<16xf32>
      %max3A_175 = arith.maximumf %max3A_170, %get3A_174 : vector<16xf32>
      %get3A_176 = arith.index_cast %scan3A_107 : i32 to index
      %get3A_177 = arith.constant 224 : index
      %get3A_178 = tpu.vector_load %arg4[%get3A_176, %get3A_177] {strides = array<i32>} : memref<64x512xf32, #tpu.memory_space<vmem>>, vector<1x16xf32>,
      %get3A_179 = vector.shape_cast %get3A_178 : vector<1x16xf32> to vector<16xf32>
      %max3A_180 = arith.maximumf %max3A_175, %get3A_179 : vector<16xf32>
      %get3A_181 = arith.index_cast %scan3A_107 : i32 to index
      %get3A_182 = arith.constant 240 : index
      %get3A_183 = tpu.vector_load %arg4[%get3A_181, %get3A_182] {strides = array<i32>} : memref<64x512xf32, #tpu.memory_space<vmem>>, vector<1x16xf32>,
      %get3A_184 = vector.shape_cast %get3A_183 : vector<1x16xf32> to vector<16xf32>
      %max3A_185 = arith.maximumf %max3A_180, %get3A_184 : vector<16xf32>
      %get3A_186 = arith.index_cast %scan3A_107 : i32 to index
      %get3A_187 = arith.constant 256 : index
      %get3A_188 = tpu.vector_load %arg4[%get3A_186, %get3A_187] {strides = array<i32>} : memref<64x512xf32, #tpu.memory_space<vmem>>, vector<1x16xf32>,
      %get3A_189 = vector.shape_cast %get3A_188 : vector<1x16xf32> to vector<16xf32>
      %max3A_190 = arith.maximumf %max3A_185, %get3A_189 : vector<16xf32>
      %get3A_191 = arith.index_cast %scan3A_107 : i32 to index
      %get3A_192 = arith.constant 272 : index
      %get3A_193 = tpu.vector_load %arg4[%get3A_191, %get3A_192] {strides = array<i32>} : memref<64x512xf32, #tpu.memory_space<vmem>>, vector<1x16xf32>,
      %get3A_194 = vector.shape_cast %get3A_193 : vector<1x16xf32> to vector<16xf32>
      %max3A_195 = arith.maximumf %max3A_190, %get3A_194 : vector<16xf32>
      %get3A_196 = arith.index_cast %scan3A_107 : i32 to index
      %get3A_197 = arith.constant 288 : index
      %get3A_198 = tpu.vector_load %arg4[%get3A_196, %get3A_197] {strides = array<i32>} : memref<64x512xf32, #tpu.memory_space<vmem>>, vector<1x16xf32>,
      %get3A_199 = vector.shape_cast %get3A_198 : vector<1x16xf32> to vector<16xf32>
      %max3A_200 = arith.maximumf %max3A_195, %get3A_199 : vector<16xf32>
      %get3A_201 = arith.index_cast %scan3A_107 : i32 to index
      %get3A_202 = arith.constant 304 : index
      %get3A_203 = tpu.vector_load %arg4[%get3A_201, %get3A_202] {strides = array<i32>} : memref<64x512xf32, #tpu.memory_space<vmem>>, vector<1x16xf32>,
      %get3A_204 = vector.shape_cast %get3A_203 : vector<1x16xf32> to vector<16xf32>
      %max3A_205 = arith.maximumf %max3A_200, %get3A_204 : vector<16xf32>
      %get3A_206 = arith.index_cast %scan3A_107 : i32 to index
      %get3A_207 = arith.constant 320 : index
      %get3A_208 = tpu.vector_load %arg4[%get3A_206, %get3A_207] {strides = array<i32>} : memref<64x512xf32, #tpu.memory_space<vmem>>, vector<1x16xf32>,
      %get3A_209 = vector.shape_cast %get3A_208 : vector<1x16xf32> to vector<16xf32>
      %max3A_210 = arith.maximumf %max3A_205, %get3A_209 : vector<16xf32>
      %get3A_211 = arith.index_cast %scan3A_107 : i32 to index
      %get3A_212 = arith.constant 336 : index
      %get3A_213 = tpu.vector_load %arg4[%get3A_211, %get3A_212] {strides = array<i32>} : memref<64x512xf32, #tpu.memory_space<vmem>>, vector<1x16xf32>,
      %get3A_214 = vector.shape_cast %get3A_213 : vector<1x16xf32> to vector<16xf32>
      %max3A_215 = arith.maximumf %max3A_210, %get3A_214 : vector<16xf32>
      %get3A_216 = arith.index_cast %scan3A_107 : i32 to index
      %get3A_217 = arith.constant 352 : index
      %get3A_218 = tpu.vector_load %arg4[%get3A_216, %get3A_217] {strides = array<i32>} : memref<64x512xf32, #tpu.memory_space<vmem>>, vector<1x16xf32>,
      %get3A_219 = vector.shape_cast %get3A_218 : vector<1x16xf32> to vector<16xf32>
      %max3A_220 = arith.maximumf %max3A_215, %get3A_219 : vector<16xf32>
      %get3A_221 = arith.index_cast %scan3A_107 : i32 to index
      %get3A_222 = arith.constant 368 : index
      %get3A_223 = tpu.vector_load %arg4[%get3A_221, %get3A_222] {strides = array<i32>} : memref<64x512xf32, #tpu.memory_space<vmem>>, vector<1x16xf32>,
      %get3A_224 = vector.shape_cast %get3A_223 : vector<1x16xf32> to vector<16xf32>
      %max3A_225 = arith.maximumf %max3A_220, %get3A_224 : vector<16xf32>
      %get3A_226 = arith.index_cast %scan3A_107 : i32 to index
      %get3A_227 = arith.constant 384 : index
      %get3A_228 = tpu.vector_load %arg4[%get3A_226, %get3A_227] {strides = array<i32>} : memref<64x512xf32, #tpu.memory_space<vmem>>, vector<1x16xf32>,
      %get3A_229 = vector.shape_cast %get3A_228 : vector<1x16xf32> to vector<16xf32>
      %max3A_230 = arith.maximumf %max3A_225, %get3A_229 : vector<16xf32>
      %get3A_231 = arith.index_cast %scan3A_107 : i32 to index
      %get3A_232 = arith.constant 400 : index
      %get3A_233 = tpu.vector_load %arg4[%get3A_231, %get3A_232] {strides = array<i32>} : memref<64x512xf32, #tpu.memory_space<vmem>>, vector<1x16xf32>,
      %get3A_234 = vector.shape_cast %get3A_233 : vector<1x16xf32> to vector<16xf32>
      %max3A_235 = arith.maximumf %max3A_230, %get3A_234 : vector<16xf32>
      %get3A_236 = arith.index_cast %scan3A_107 : i32 to index
      %get3A_237 = arith.constant 416 : index
      %get3A_238 = tpu.vector_load %arg4[%get3A_236, %get3A_237] {strides = array<i32>} : memref<64x512xf32, #tpu.memory_space<vmem>>, vector<1x16xf32>,
      %get3A_239 = vector.shape_cast %get3A_238 : vector<1x16xf32> to vector<16xf32>
      %max3A_240 = arith.maximumf %max3A_235, %get3A_239 : vector<16xf32>
      %get3A_241 = arith.index_cast %scan3A_107 : i32 to index
      %get3A_242 = arith.constant 432 : index
      %get3A_243 = tpu.vector_load %arg4[%get3A_241, %get3A_242] {strides = array<i32>} : memref<64x512xf32, #tpu.memory_space<vmem>>, vector<1x16xf32>,
      %get3A_244 = vector.shape_cast %get3A_243 : vector<1x16xf32> to vector<16xf32>
      %max3A_245 = arith.maximumf %max3A_240, %get3A_244 : vector<16xf32>
      %get3A_246 = arith.index_cast %scan3A_107 : i32 to index
      %get3A_247 = arith.constant 448 : index
      %get3A_248 = tpu.vector_load %arg4[%get3A_246, %get3A_247] {strides = array<i32>} : memref<64x512xf32, #tpu.memory_space<vmem>>, vector<1x16xf32>,
      %get3A_249 = vector.shape_cast %get3A_248 : vector<1x16xf32> to vector<16xf32>
      %max3A_250 = arith.maximumf %max3A_245, %get3A_249 : vector<16xf32>
      %get3A_251 = arith.index_cast %scan3A_107 : i32 to index
      %get3A_252 = arith.constant 464 : index
      %get3A_253 = tpu.vector_load %arg4[%get3A_251, %get3A_252] {strides = array<i32>} : memref<64x512xf32, #tpu.memory_space<vmem>>, vector<1x16xf32>,
      %get3A_254 = vector.shape_cast %get3A_253 : vector<1x16xf32> to vector<16xf32>
      %max3A_255 = arith.maximumf %max3A_250, %get3A_254 : vector<16xf32>
      %get3A_256 = arith.index_cast %scan3A_107 : i32 to index
      %get3A_257 = arith.constant 480 : index
      %get3A_258 = tpu.vector_load %arg4[%get3A_256, %get3A_257] {strides = array<i32>} : memref<64x512xf32, #tpu.memory_space<vmem>>, vector<1x16xf32>,
      %get3A_259 = vector.shape_cast %get3A_258 : vector<1x16xf32> to vector<16xf32>
      %max3A_260 = arith.maximumf %max3A_255, %get3A_259 : vector<16xf32>
      %get3A_261 = arith.index_cast %scan3A_107 : i32 to index
      %get3A_262 = arith.constant 496 : index
      %get3A_263 = tpu.vector_load %arg4[%get3A_261, %get3A_262] {strides = array<i32>} : memref<64x512xf32, #tpu.memory_space<vmem>>, vector<1x16xf32>,
      %get3A_264 = vector.shape_cast %get3A_263 : vector<1x16xf32> to vector<16xf32>
      %max3A_265 = arith.maximumf %max3A_260, %get3A_264 : vector<16xf32>
      %xor3A = arith.constant 8 : i32
      %xor3A_266 = vector.broadcast %xor3A : i32 to vector<16xi32>
      %xor3A_267 = arith.xori %iota3A, %xor3A_266 : vector<16xi32>
      %broadcast_in_dim3A_268 = vector.shape_cast %xor3A_267 : vector<16xi32> to vector<16x1xi32>
      %gather3A = vector.shape_cast %broadcast_in_dim3A_268 : vector<16x1xi32> to vector<16xi32>
      %gather3A_269 = tpu.dynamic_gather %max3A_265[%gather3A] in [0] : vector<16xf32>, vector<16xi32> -> vector<16xf32>
      %max3A_270 = arith.maximumf %max3A_265, %gather3A_269 : vector<16xf32>
      %xor3A_271 = arith.constant 4 : i32
      %xor3A_272 = vector.broadcast %xor3A_271 : i32 to vector<16xi32>
      %xor3A_273 = arith.xori %iota3A, %xor3A_272 : vector<16xi32>
      %broadcast_in_dim3A_274 = vector.shape_cast %xor3A_273 : vector<16xi32> to vector<16x1xi32>
      %gather3A_275 = vector.shape_cast %broadcast_in_dim3A_274 : vector<16x1xi32> to vector<16xi32>
      %gather3A_276 = tpu.dynamic_gather %max3A_270[%gather3A_275] in [0] : vector<16xf32>, vector<16xi32> -> vector<16xf32>
      %max3A_277 = arith.maximumf %max3A_270, %gather3A_276 : vector<16xf32>
      %xor3A_278 = arith.constant 2 : i32
      %xor3A_279 = vector.broadcast %xor3A_278 : i32 to vector<16xi32>
      %xor3A_280 = arith.xori %iota3A, %xor3A_279 : vector<16xi32>
      %broadcast_in_dim3A_281 = vector.shape_cast %xor3A_280 : vector<16xi32> to vector<16x1xi32>
      %gather3A_282 = vector.shape_cast %broadcast_in_dim3A_281 : vector<16x1xi32> to vector<16xi32>
      %gather3A_283 = tpu.dynamic_gather %max3A_277[%gather3A_282] in [0] : vector<16xf32>, vector<16xi32> -> vector<16xf32>
      %max3A_284 = arith.maximumf %max3A_277, %gather3A_283 : vector<16xf32>
      %xor3A_285 = arith.constant 1 : i32
      %xor3A_286 = vector.broadcast %xor3A_285 : i32 to vector<16xi32>
      %xor3A_287 = arith.xori %iota3A, %xor3A_286 : vector<16xi32>
      %broadcast_in_dim3A_288 = vector.shape_cast %xor3A_287 : vector<16xi32> to vector<16x1xi32>
      %gather3A_289 = vector.shape_cast %broadcast_in_dim3A_288 : vector<16x1xi32> to vector<16xi32>
      %gather3A_290 = tpu.dynamic_gather %max3A_284[%gather3A_289] in [0] : vector<16xf32>, vector<16xi32> -> vector<16xf32>
      %max3A_291 = arith.maximumf %max3A_284, %gather3A_290 : vector<16xf32>
      %add3A_292 = arith.addf %scan3A_108, %max3A_291 : vector<16xf32>
      scf.yield %add3A_292 : vector<16xf32>
    }
    %scan3A_21 = arith.constant 64 : i32
    %eq3A_22 = arith.constant 1 : i32
    %eq3A_23 = vector.broadcast %eq3A_22 : i32 to vector<16xi32>
    %eq3A_24 = arith.cmpi eq, %iota3A, %eq3A_23 : vector<16xi32>
    %select_n3A_25 = arith.select %eq3A_24, %scan3A_20, %select_n3A : vector<16xi1>, vector<16xf32>
    %run_scoped3A_26 = arith.constant 42 : i32
    "tpu.region"() ({
      %run_scoped3A_107 = tpu.sem_alloc : memref<!tpu.dma_semaphore, #tpu.memory_space<semaphore_mem>>
      %dma_start3A = arith.constant 0 : i32
      %dma_start3A_108 = tpu.memref_slice %arg2[%run_scoped3A_26, %mul3A_2, %dma_start3A] : memref<48x2048x512xf32, #tpu.memory_space<hbm>> -> memref<1x64x512xf32, #tpu.memory_space<hbm>>
      %dma_start3A_109 = tpu.memref_squeeze %dma_start3A_108 : memref<1x64x512xf32, #tpu.memory_space<hbm>> -> memref<64x512xf32, #tpu.memory_space<hbm>>
      %dma_start3A_110 = arith.constant 0 : i32
      %dma_start3A_111 = tpu.memref_slice %arg2[%run_scoped3A_26, %mul3A_2, %dma_start3A_110] : memref<48x2048x512xf32, #tpu.memory_space<hbm>> -> memref<1x64x512xf32, #tpu.memory_space<hbm>>
      %dma_start3A_112 = tpu.memref_squeeze %dma_start3A_111 : memref<1x64x512xf32, #tpu.memory_space<hbm>> -> memref<64x512xf32, #tpu.memory_space<hbm>>
      tpu.enqueue_dma source(%dma_start3A_112 : memref<64x512xf32, #tpu.memory_space<hbm>>) target(%arg4 : memref<64x512xf32, #tpu.memory_space<vmem>>) target_semaphore(%run_scoped3A_107 : memref<!tpu.dma_semaphore, #tpu.memory_space<semaphore_mem>>)
      %dma_wait3A = arith.constant 0 : i32
      %dma_wait3A_113 = tpu.memref_slice %arg2[%run_scoped3A_26, %mul3A_2, %dma_wait3A] : memref<48x2048x512xf32, #tpu.memory_space<hbm>> -> memref<1x64x512xf32, #tpu.memory_space<hbm>>
      %dma_wait3A_114 = tpu.memref_squeeze %dma_wait3A_113 : memref<1x64x512xf32, #tpu.memory_space<hbm>> -> memref<64x512xf32, #tpu.memory_space<hbm>>
      %dma_wait3A_115 = arith.constant 0 : i32
      %dma_wait3A_116 = tpu.memref_slice %arg2[%run_scoped3A_26, %mul3A_2, %dma_wait3A_115] : memref<48x2048x512xf32, #tpu.memory_space<hbm>> -> memref<1x64x512xf32, #tpu.memory_space<hbm>>
      %dma_wait3A_117 = tpu.memref_squeeze %dma_wait3A_116 : memref<1x64x512xf32, #tpu.memory_space<hbm>> -> memref<64x512xf32, #tpu.memory_space<hbm>>
      tpu.wait_dma2 semaphore(%run_scoped3A_107 : memref<!tpu.dma_semaphore, #tpu.memory_space<semaphore_mem>>) src(%dma_wait3A_117 : memref<64x512xf32, #tpu.memory_space<hbm>>) dst(%arg4 : memref<64x512xf32, #tpu.memory_space<vmem>>)
      tpu.yield
    }) : () -> ()
    %broadcast_in_dim3A_27 = arith.constant 0.000000e+00 : f32
    %broadcast_in_dim3A_28 = vector.broadcast %broadcast_in_dim3A_27 : f32 to vector<16xf32>
    %scan3A_29 = arith.constant 0 : i32
    %scan3A_30 = arith.constant 64 : i32
    %scan3A_31 = arith.addi %scan3A_29, %scan3A_30 : i32
    %scan3A_32 = arith.constant 1 : i32
    %scan3A_33 = scf.for %scan3A_107 = %scan3A_29 to %scan3A_31 step %scan3A_32 iter_args(%scan3A_108 = %broadcast_in_dim3A_28) -> (vector<16xf32>)  : i32 {
      %get3A = arith.index_cast %scan3A_107 : i32 to index
      %get3A_109 = arith.constant 0 : index
      %get3A_110 = tpu.vector_load %arg4[%get3A, %get3A_109] {strides = array<i32>} : memref<64x512xf32, #tpu.memory_space<vmem>>, vector<1x16xf32>,
      %get3A_111 = vector.shape_cast %get3A_110 : vector<1x16xf32> to vector<16xf32>
      %get3A_112 = arith.index_cast %scan3A_107 : i32 to index
      %get3A_113 = arith.constant 16 : index
      %get3A_114 = tpu.vector_load %arg4[%get3A_112, %get3A_113] {strides = array<i32>} : memref<64x512xf32, #tpu.memory_space<vmem>>, vector<1x16xf32>,
      %get3A_115 = vector.shape_cast %get3A_114 : vector<1x16xf32> to vector<16xf32>
      %max3A = arith.maximumf %get3A_111, %get3A_115 : vector<16xf32>
      %get3A_116 = arith.index_cast %scan3A_107 : i32 to index
      %get3A_117 = arith.constant 32 : index
      %get3A_118 = tpu.vector_load %arg4[%get3A_116, %get3A_117] {strides = array<i32>} : memref<64x512xf32, #tpu.memory_space<vmem>>, vector<1x16xf32>,
      %get3A_119 = vector.shape_cast %get3A_118 : vector<1x16xf32> to vector<16xf32>
      %max3A_120 = arith.maximumf %max3A, %get3A_119 : vector<16xf32>
      %get3A_121 = arith.index_cast %scan3A_107 : i32 to index
      %get3A_122 = arith.constant 48 : index
      %get3A_123 = tpu.vector_load %arg4[%get3A_121, %get3A_122] {strides = array<i32>} : memref<64x512xf32, #tpu.memory_space<vmem>>, vector<1x16xf32>,
      %get3A_124 = vector.shape_cast %get3A_123 : vector<1x16xf32> to vector<16xf32>
      %max3A_125 = arith.maximumf %max3A_120, %get3A_124 : vector<16xf32>
      %get3A_126 = arith.index_cast %scan3A_107 : i32 to index
      %get3A_127 = arith.constant 64 : index
      %get3A_128 = tpu.vector_load %arg4[%get3A_126, %get3A_127] {strides = array<i32>} : memref<64x512xf32, #tpu.memory_space<vmem>>, vector<1x16xf32>,
      %get3A_129 = vector.shape_cast %get3A_128 : vector<1x16xf32> to vector<16xf32>
      %max3A_130 = arith.maximumf %max3A_125, %get3A_129 : vector<16xf32>
      %get3A_131 = arith.index_cast %scan3A_107 : i32 to index
      %get3A_132 = arith.constant 80 : index
      %get3A_133 = tpu.vector_load %arg4[%get3A_131, %get3A_132] {strides = array<i32>} : memref<64x512xf32, #tpu.memory_space<vmem>>, vector<1x16xf32>,
      %get3A_134 = vector.shape_cast %get3A_133 : vector<1x16xf32> to vector<16xf32>
      %max3A_135 = arith.maximumf %max3A_130, %get3A_134 : vector<16xf32>
      %get3A_136 = arith.index_cast %scan3A_107 : i32 to index
      %get3A_137 = arith.constant 96 : index
      %get3A_138 = tpu.vector_load %arg4[%get3A_136, %get3A_137] {strides = array<i32>} : memref<64x512xf32, #tpu.memory_space<vmem>>, vector<1x16xf32>,
      %get3A_139 = vector.shape_cast %get3A_138 : vector<1x16xf32> to vector<16xf32>
      %max3A_140 = arith.maximumf %max3A_135, %get3A_139 : vector<16xf32>
      %get3A_141 = arith.index_cast %scan3A_107 : i32 to index
      %get3A_142 = arith.constant 112 : index
      %get3A_143 = tpu.vector_load %arg4[%get3A_141, %get3A_142] {strides = array<i32>} : memref<64x512xf32, #tpu.memory_space<vmem>>, vector<1x16xf32>,
      %get3A_144 = vector.shape_cast %get3A_143 : vector<1x16xf32> to vector<16xf32>
      %max3A_145 = arith.maximumf %max3A_140, %get3A_144 : vector<16xf32>
      %get3A_146 = arith.index_cast %scan3A_107 : i32 to index
      %get3A_147 = arith.constant 128 : index
      %get3A_148 = tpu.vector_load %arg4[%get3A_146, %get3A_147] {strides = array<i32>} : memref<64x512xf32, #tpu.memory_space<vmem>>, vector<1x16xf32>,
      %get3A_149 = vector.shape_cast %get3A_148 : vector<1x16xf32> to vector<16xf32>
      %max3A_150 = arith.maximumf %max3A_145, %get3A_149 : vector<16xf32>
      %get3A_151 = arith.index_cast %scan3A_107 : i32 to index
      %get3A_152 = arith.constant 144 : index
      %get3A_153 = tpu.vector_load %arg4[%get3A_151, %get3A_152] {strides = array<i32>} : memref<64x512xf32, #tpu.memory_space<vmem>>, vector<1x16xf32>,
      %get3A_154 = vector.shape_cast %get3A_153 : vector<1x16xf32> to vector<16xf32>
      %max3A_155 = arith.maximumf %max3A_150, %get3A_154 : vector<16xf32>
      %get3A_156 = arith.index_cast %scan3A_107 : i32 to index
      %get3A_157 = arith.constant 160 : index
      %get3A_158 = tpu.vector_load %arg4[%get3A_156, %get3A_157] {strides = array<i32>} : memref<64x512xf32, #tpu.memory_space<vmem>>, vector<1x16xf32>,
      %get3A_159 = vector.shape_cast %get3A_158 : vector<1x16xf32> to vector<16xf32>
      %max3A_160 = arith.maximumf %max3A_155, %get3A_159 : vector<16xf32>
      %get3A_161 = arith.index_cast %scan3A_107 : i32 to index
      %get3A_162 = arith.constant 176 : index
      %get3A_163 = tpu.vector_load %arg4[%get3A_161, %get3A_162] {strides = array<i32>} : memref<64x512xf32, #tpu.memory_space<vmem>>, vector<1x16xf32>,
      %get3A_164 = vector.shape_cast %get3A_163 : vector<1x16xf32> to vector<16xf32>
      %max3A_165 = arith.maximumf %max3A_160, %get3A_164 : vector<16xf32>
      %get3A_166 = arith.index_cast %scan3A_107 : i32 to index
      %get3A_167 = arith.constant 192 : index
      %get3A_168 = tpu.vector_load %arg4[%get3A_166, %get3A_167] {strides = array<i32>} : memref<64x512xf32, #tpu.memory_space<vmem>>, vector<1x16xf32>,
      %get3A_169 = vector.shape_cast %get3A_168 : vector<1x16xf32> to vector<16xf32>
      %max3A_170 = arith.maximumf %max3A_165, %get3A_169 : vector<16xf32>
      %get3A_171 = arith.index_cast %scan3A_107 : i32 to index
      %get3A_172 = arith.constant 208 : index
      %get3A_173 = tpu.vector_load %arg4[%get3A_171, %get3A_172] {strides = array<i32>} : memref<64x512xf32, #tpu.memory_space<vmem>>, vector<1x16xf32>,
      %get3A_174 = vector.shape_cast %get3A_173 : vector<1x16xf32> to vector<16xf32>
      %max3A_175 = arith.maximumf %max3A_170, %get3A_174 : vector<16xf32>
      %get3A_176 = arith.index_cast %scan3A_107 : i32 to index
      %get3A_177 = arith.constant 224 : index
      %get3A_178 = tpu.vector_load %arg4[%get3A_176, %get3A_177] {strides = array<i32>} : memref<64x512xf32, #tpu.memory_space<vmem>>, vector<1x16xf32>,
      %get3A_179 = vector.shape_cast %get3A_178 : vector<1x16xf32> to vector<16xf32>
      %max3A_180 = arith.maximumf %max3A_175, %get3A_179 : vector<16xf32>
      %get3A_181 = arith.index_cast %scan3A_107 : i32 to index
      %get3A_182 = arith.constant 240 : index
      %get3A_183 = tpu.vector_load %arg4[%get3A_181, %get3A_182] {strides = array<i32>} : memref<64x512xf32, #tpu.memory_space<vmem>>, vector<1x16xf32>,
      %get3A_184 = vector.shape_cast %get3A_183 : vector<1x16xf32> to vector<16xf32>
      %max3A_185 = arith.maximumf %max3A_180, %get3A_184 : vector<16xf32>
      %get3A_186 = arith.index_cast %scan3A_107 : i32 to index
      %get3A_187 = arith.constant 256 : index
      %get3A_188 = tpu.vector_load %arg4[%get3A_186, %get3A_187] {strides = array<i32>} : memref<64x512xf32, #tpu.memory_space<vmem>>, vector<1x16xf32>,
      %get3A_189 = vector.shape_cast %get3A_188 : vector<1x16xf32> to vector<16xf32>
      %max3A_190 = arith.maximumf %max3A_185, %get3A_189 : vector<16xf32>
      %get3A_191 = arith.index_cast %scan3A_107 : i32 to index
      %get3A_192 = arith.constant 272 : index
      %get3A_193 = tpu.vector_load %arg4[%get3A_191, %get3A_192] {strides = array<i32>} : memref<64x512xf32, #tpu.memory_space<vmem>>, vector<1x16xf32>,
      %get3A_194 = vector.shape_cast %get3A_193 : vector<1x16xf32> to vector<16xf32>
      %max3A_195 = arith.maximumf %max3A_190, %get3A_194 : vector<16xf32>
      %get3A_196 = arith.index_cast %scan3A_107 : i32 to index
      %get3A_197 = arith.constant 288 : index
      %get3A_198 = tpu.vector_load %arg4[%get3A_196, %get3A_197] {strides = array<i32>} : memref<64x512xf32, #tpu.memory_space<vmem>>, vector<1x16xf32>,
      %get3A_199 = vector.shape_cast %get3A_198 : vector<1x16xf32> to vector<16xf32>
      %max3A_200 = arith.maximumf %max3A_195, %get3A_199 : vector<16xf32>
      %get3A_201 = arith.index_cast %scan3A_107 : i32 to index
      %get3A_202 = arith.constant 304 : index
      %get3A_203 = tpu.vector_load %arg4[%get3A_201, %get3A_202] {strides = array<i32>} : memref<64x512xf32, #tpu.memory_space<vmem>>, vector<1x16xf32>,
      %get3A_204 = vector.shape_cast %get3A_203 : vector<1x16xf32> to vector<16xf32>
      %max3A_205 = arith.maximumf %max3A_200, %get3A_204 : vector<16xf32>
      %get3A_206 = arith.index_cast %scan3A_107 : i32 to index
      %get3A_207 = arith.constant 320 : index
      %get3A_208 = tpu.vector_load %arg4[%get3A_206, %get3A_207] {strides = array<i32>} : memref<64x512xf32, #tpu.memory_space<vmem>>, vector<1x16xf32>,
      %get3A_209 = vector.shape_cast %get3A_208 : vector<1x16xf32> to vector<16xf32>
      %max3A_210 = arith.maximumf %max3A_205, %get3A_209 : vector<16xf32>
      %get3A_211 = arith.index_cast %scan3A_107 : i32 to index
      %get3A_212 = arith.constant 336 : index
      %get3A_213 = tpu.vector_load %arg4[%get3A_211, %get3A_212] {strides = array<i32>} : memref<64x512xf32, #tpu.memory_space<vmem>>, vector<1x16xf32>,
      %get3A_214 = vector.shape_cast %get3A_213 : vector<1x16xf32> to vector<16xf32>
      %max3A_215 = arith.maximumf %max3A_210, %get3A_214 : vector<16xf32>
      %get3A_216 = arith.index_cast %scan3A_107 : i32 to index
      %get3A_217 = arith.constant 352 : index
      %get3A_218 = tpu.vector_load %arg4[%get3A_216, %get3A_217] {strides = array<i32>} : memref<64x512xf32, #tpu.memory_space<vmem>>, vector<1x16xf32>,
      %get3A_219 = vector.shape_cast %get3A_218 : vector<1x16xf32> to vector<16xf32>
      %max3A_220 = arith.maximumf %max3A_215, %get3A_219 : vector<16xf32>
      %get3A_221 = arith.index_cast %scan3A_107 : i32 to index
      %get3A_222 = arith.constant 368 : index
      %get3A_223 = tpu.vector_load %arg4[%get3A_221, %get3A_222] {strides = array<i32>} : memref<64x512xf32, #tpu.memory_space<vmem>>, vector<1x16xf32>,
      %get3A_224 = vector.shape_cast %get3A_223 : vector<1x16xf32> to vector<16xf32>
      %max3A_225 = arith.maximumf %max3A_220, %get3A_224 : vector<16xf32>
      %get3A_226 = arith.index_cast %scan3A_107 : i32 to index
      %get3A_227 = arith.constant 384 : index
      %get3A_228 = tpu.vector_load %arg4[%get3A_226, %get3A_227] {strides = array<i32>} : memref<64x512xf32, #tpu.memory_space<vmem>>, vector<1x16xf32>,
      %get3A_229 = vector.shape_cast %get3A_228 : vector<1x16xf32> to vector<16xf32>
      %max3A_230 = arith.maximumf %max3A_225, %get3A_229 : vector<16xf32>
      %get3A_231 = arith.index_cast %scan3A_107 : i32 to index
      %get3A_232 = arith.constant 400 : index
      %get3A_233 = tpu.vector_load %arg4[%get3A_231, %get3A_232] {strides = array<i32>} : memref<64x512xf32, #tpu.memory_space<vmem>>, vector<1x16xf32>,
      %get3A_234 = vector.shape_cast %get3A_233 : vector<1x16xf32> to vector<16xf32>
      %max3A_235 = arith.maximumf %max3A_230, %get3A_234 : vector<16xf32>
      %get3A_236 = arith.index_cast %scan3A_107 : i32 to index
      %get3A_237 = arith.constant 416 : index
      %get3A_238 = tpu.vector_load %arg4[%get3A_236, %get3A_237] {strides = array<i32>} : memref<64x512xf32, #tpu.memory_space<vmem>>, vector<1x16xf32>,
      %get3A_239 = vector.shape_cast %get3A_238 : vector<1x16xf32> to vector<16xf32>
      %max3A_240 = arith.maximumf %max3A_235, %get3A_239 : vector<16xf32>
      %get3A_241 = arith.index_cast %scan3A_107 : i32 to index
      %get3A_242 = arith.constant 432 : index
      %get3A_243 = tpu.vector_load %arg4[%get3A_241, %get3A_242] {strides = array<i32>} : memref<64x512xf32, #tpu.memory_space<vmem>>, vector<1x16xf32>,
      %get3A_244 = vector.shape_cast %get3A_243 : vector<1x16xf32> to vector<16xf32>
      %max3A_245 = arith.maximumf %max3A_240, %get3A_244 : vector<16xf32>
      %get3A_246 = arith.index_cast %scan3A_107 : i32 to index
      %get3A_247 = arith.constant 448 : index
      %get3A_248 = tpu.vector_load %arg4[%get3A_246, %get3A_247] {strides = array<i32>} : memref<64x512xf32, #tpu.memory_space<vmem>>, vector<1x16xf32>,
      %get3A_249 = vector.shape_cast %get3A_248 : vector<1x16xf32> to vector<16xf32>
      %max3A_250 = arith.maximumf %max3A_245, %get3A_249 : vector<16xf32>
      %get3A_251 = arith.index_cast %scan3A_107 : i32 to index
      %get3A_252 = arith.constant 464 : index
      %get3A_253 = tpu.vector_load %arg4[%get3A_251, %get3A_252] {strides = array<i32>} : memref<64x512xf32, #tpu.memory_space<vmem>>, vector<1x16xf32>,
      %get3A_254 = vector.shape_cast %get3A_253 : vector<1x16xf32> to vector<16xf32>
      %max3A_255 = arith.maximumf %max3A_250, %get3A_254 : vector<16xf32>
      %get3A_256 = arith.index_cast %scan3A_107 : i32 to index
      %get3A_257 = arith.constant 480 : index
      %get3A_258 = tpu.vector_load %arg4[%get3A_256, %get3A_257] {strides = array<i32>} : memref<64x512xf32, #tpu.memory_space<vmem>>, vector<1x16xf32>,
      %get3A_259 = vector.shape_cast %get3A_258 : vector<1x16xf32> to vector<16xf32>
      %max3A_260 = arith.maximumf %max3A_255, %get3A_259 : vector<16xf32>
      %get3A_261 = arith.index_cast %scan3A_107 : i32 to index
      %get3A_262 = arith.constant 496 : index
      %get3A_263 = tpu.vector_load %arg4[%get3A_261, %get3A_262] {strides = array<i32>} : memref<64x512xf32, #tpu.memory_space<vmem>>, vector<1x16xf32>,
      %get3A_264 = vector.shape_cast %get3A_263 : vector<1x16xf32> to vector<16xf32>
      %max3A_265 = arith.maximumf %max3A_260, %get3A_264 : vector<16xf32>
      %xor3A = arith.constant 8 : i32
      %xor3A_266 = vector.broadcast %xor3A : i32 to vector<16xi32>
      %xor3A_267 = arith.xori %iota3A, %xor3A_266 : vector<16xi32>
      %broadcast_in_dim3A_268 = vector.shape_cast %xor3A_267 : vector<16xi32> to vector<16x1xi32>
      %gather3A = vector.shape_cast %broadcast_in_dim3A_268 : vector<16x1xi32> to vector<16xi32>
      %gather3A_269 = tpu.dynamic_gather %max3A_265[%gather3A] in [0] : vector<16xf32>, vector<16xi32> -> vector<16xf32>
      %max3A_270 = arith.maximumf %max3A_265, %gather3A_269 : vector<16xf32>
      %xor3A_271 = arith.constant 4 : i32
      %xor3A_272 = vector.broadcast %xor3A_271 : i32 to vector<16xi32>
      %xor3A_273 = arith.xori %iota3A, %xor3A_272 : vector<16xi32>
      %broadcast_in_dim3A_274 = vector.shape_cast %xor3A_273 : vector<16xi32> to vector<16x1xi32>
      %gather3A_275 = vector.shape_cast %broadcast_in_dim3A_274 : vector<16x1xi32> to vector<16xi32>
      %gather3A_276 = tpu.dynamic_gather %max3A_270[%gather3A_275] in [0] : vector<16xf32>, vector<16xi32> -> vector<16xf32>
      %max3A_277 = arith.maximumf %max3A_270, %gather3A_276 : vector<16xf32>
      %xor3A_278 = arith.constant 2 : i32
      %xor3A_279 = vector.broadcast %xor3A_278 : i32 to vector<16xi32>
      %xor3A_280 = arith.xori %iota3A, %xor3A_279 : vector<16xi32>
      %broadcast_in_dim3A_281 = vector.shape_cast %xor3A_280 : vector<16xi32> to vector<16x1xi32>
      %gather3A_282 = vector.shape_cast %broadcast_in_dim3A_281 : vector<16x1xi32> to vector<16xi32>
      %gather3A_283 = tpu.dynamic_gather %max3A_277[%gather3A_282] in [0] : vector<16xf32>, vector<16xi32> -> vector<16xf32>
      %max3A_284 = arith.maximumf %max3A_277, %gather3A_283 : vector<16xf32>
      %xor3A_285 = arith.constant 1 : i32
      %xor3A_286 = vector.broadcast %xor3A_285 : i32 to vector<16xi32>
      %xor3A_287 = arith.xori %iota3A, %xor3A_286 : vector<16xi32>
      %broadcast_in_dim3A_288 = vector.shape_cast %xor3A_287 : vector<16xi32> to vector<16x1xi32>
      %gather3A_289 = vector.shape_cast %broadcast_in_dim3A_288 : vector<16x1xi32> to vector<16xi32>
      %gather3A_290 = tpu.dynamic_gather %max3A_284[%gather3A_289] in [0] : vector<16xf32>, vector<16xi32> -> vector<16xf32>
      %max3A_291 = arith.maximumf %max3A_284, %gather3A_290 : vector<16xf32>
      %add3A_292 = arith.addf %scan3A_108, %max3A_291 : vector<16xf32>
      scf.yield %add3A_292 : vector<16xf32>
    }
    %scan3A_34 = arith.constant 64 : i32
    %eq3A_35 = arith.constant 2 : i32
    %eq3A_36 = vector.broadcast %eq3A_35 : i32 to vector<16xi32>
    %eq3A_37 = arith.cmpi eq, %iota3A, %eq3A_36 : vector<16xi32>
    %select_n3A_38 = arith.select %eq3A_37, %scan3A_33, %select_n3A_25 : vector<16xi1>, vector<16xf32>
    %run_scoped3A_39 = arith.constant 43 : i32
    "tpu.region"() ({
      %run_scoped3A_107 = tpu.sem_alloc : memref<!tpu.dma_semaphore, #tpu.memory_space<semaphore_mem>>
      %dma_start3A = arith.constant 0 : i32
      %dma_start3A_108 = tpu.memref_slice %arg2[%run_scoped3A_39, %mul3A_2, %dma_start3A] : memref<48x2048x512xf32, #tpu.memory_space<hbm>> -> memref<1x64x512xf32, #tpu.memory_space<hbm>>
      %dma_start3A_109 = tpu.memref_squeeze %dma_start3A_108 : memref<1x64x512xf32, #tpu.memory_space<hbm>> -> memref<64x512xf32, #tpu.memory_space<hbm>>
      %dma_start3A_110 = arith.constant 0 : i32
      %dma_start3A_111 = tpu.memref_slice %arg2[%run_scoped3A_39, %mul3A_2, %dma_start3A_110] : memref<48x2048x512xf32, #tpu.memory_space<hbm>> -> memref<1x64x512xf32, #tpu.memory_space<hbm>>
      %dma_start3A_112 = tpu.memref_squeeze %dma_start3A_111 : memref<1x64x512xf32, #tpu.memory_space<hbm>> -> memref<64x512xf32, #tpu.memory_space<hbm>>
      tpu.enqueue_dma source(%dma_start3A_112 : memref<64x512xf32, #tpu.memory_space<hbm>>) target(%arg4 : memref<64x512xf32, #tpu.memory_space<vmem>>) target_semaphore(%run_scoped3A_107 : memref<!tpu.dma_semaphore, #tpu.memory_space<semaphore_mem>>)
      %dma_wait3A = arith.constant 0 : i32
      %dma_wait3A_113 = tpu.memref_slice %arg2[%run_scoped3A_39, %mul3A_2, %dma_wait3A] : memref<48x2048x512xf32, #tpu.memory_space<hbm>> -> memref<1x64x512xf32, #tpu.memory_space<hbm>>
      %dma_wait3A_114 = tpu.memref_squeeze %dma_wait3A_113 : memref<1x64x512xf32, #tpu.memory_space<hbm>> -> memref<64x512xf32, #tpu.memory_space<hbm>>
      %dma_wait3A_115 = arith.constant 0 : i32
      %dma_wait3A_116 = tpu.memref_slice %arg2[%run_scoped3A_39, %mul3A_2, %dma_wait3A_115] : memref<48x2048x512xf32, #tpu.memory_space<hbm>> -> memref<1x64x512xf32, #tpu.memory_space<hbm>>
      %dma_wait3A_117 = tpu.memref_squeeze %dma_wait3A_116 : memref<1x64x512xf32, #tpu.memory_space<hbm>> -> memref<64x512xf32, #tpu.memory_space<hbm>>
      tpu.wait_dma2 semaphore(%run_scoped3A_107 : memref<!tpu.dma_semaphore, #tpu.memory_space<semaphore_mem>>) src(%dma_wait3A_117 : memref<64x512xf32, #tpu.memory_space<hbm>>) dst(%arg4 : memref<64x512xf32, #tpu.memory_space<vmem>>)
      tpu.yield
    }) : () -> ()
    %broadcast_in_dim3A_40 = arith.constant 0.000000e+00 : f32
    %broadcast_in_dim3A_41 = vector.broadcast %broadcast_in_dim3A_40 : f32 to vector<16xf32>
    %scan3A_42 = arith.constant 0 : i32
    %scan3A_43 = arith.constant 64 : i32
    %scan3A_44 = arith.addi %scan3A_42, %scan3A_43 : i32
    %scan3A_45 = arith.constant 1 : i32
    %scan3A_46 = scf.for %scan3A_107 = %scan3A_42 to %scan3A_44 step %scan3A_45 iter_args(%scan3A_108 = %broadcast_in_dim3A_41) -> (vector<16xf32>)  : i32 {
      %get3A = arith.index_cast %scan3A_107 : i32 to index
      %get3A_109 = arith.constant 0 : index
      %get3A_110 = tpu.vector_load %arg4[%get3A, %get3A_109] {strides = array<i32>} : memref<64x512xf32, #tpu.memory_space<vmem>>, vector<1x16xf32>,
      %get3A_111 = vector.shape_cast %get3A_110 : vector<1x16xf32> to vector<16xf32>
      %get3A_112 = arith.index_cast %scan3A_107 : i32 to index
      %get3A_113 = arith.constant 16 : index
      %get3A_114 = tpu.vector_load %arg4[%get3A_112, %get3A_113] {strides = array<i32>} : memref<64x512xf32, #tpu.memory_space<vmem>>, vector<1x16xf32>,
      %get3A_115 = vector.shape_cast %get3A_114 : vector<1x16xf32> to vector<16xf32>
      %max3A = arith.maximumf %get3A_111, %get3A_115 : vector<16xf32>
      %get3A_116 = arith.index_cast %scan3A_107 : i32 to index
      %get3A_117 = arith.constant 32 : index
      %get3A_118 = tpu.vector_load %arg4[%get3A_116, %get3A_117] {strides = array<i32>} : memref<64x512xf32, #tpu.memory_space<vmem>>, vector<1x16xf32>,
      %get3A_119 = vector.shape_cast %get3A_118 : vector<1x16xf32> to vector<16xf32>
      %max3A_120 = arith.maximumf %max3A, %get3A_119 : vector<16xf32>
      %get3A_121 = arith.index_cast %scan3A_107 : i32 to index
      %get3A_122 = arith.constant 48 : index
      %get3A_123 = tpu.vector_load %arg4[%get3A_121, %get3A_122] {strides = array<i32>} : memref<64x512xf32, #tpu.memory_space<vmem>>, vector<1x16xf32>,
      %get3A_124 = vector.shape_cast %get3A_123 : vector<1x16xf32> to vector<16xf32>
      %max3A_125 = arith.maximumf %max3A_120, %get3A_124 : vector<16xf32>
      %get3A_126 = arith.index_cast %scan3A_107 : i32 to index
      %get3A_127 = arith.constant 64 : index
      %get3A_128 = tpu.vector_load %arg4[%get3A_126, %get3A_127] {strides = array<i32>} : memref<64x512xf32, #tpu.memory_space<vmem>>, vector<1x16xf32>,
      %get3A_129 = vector.shape_cast %get3A_128 : vector<1x16xf32> to vector<16xf32>
      %max3A_130 = arith.maximumf %max3A_125, %get3A_129 : vector<16xf32>
      %get3A_131 = arith.index_cast %scan3A_107 : i32 to index
      %get3A_132 = arith.constant 80 : index
      %get3A_133 = tpu.vector_load %arg4[%get3A_131, %get3A_132] {strides = array<i32>} : memref<64x512xf32, #tpu.memory_space<vmem>>, vector<1x16xf32>,
      %get3A_134 = vector.shape_cast %get3A_133 : vector<1x16xf32> to vector<16xf32>
      %max3A_135 = arith.maximumf %max3A_130, %get3A_134 : vector<16xf32>
      %get3A_136 = arith.index_cast %scan3A_107 : i32 to index
      %get3A_137 = arith.constant 96 : index
      %get3A_138 = tpu.vector_load %arg4[%get3A_136, %get3A_137] {strides = array<i32>} : memref<64x512xf32, #tpu.memory_space<vmem>>, vector<1x16xf32>,
      %get3A_139 = vector.shape_cast %get3A_138 : vector<1x16xf32> to vector<16xf32>
      %max3A_140 = arith.maximumf %max3A_135, %get3A_139 : vector<16xf32>
      %get3A_141 = arith.index_cast %scan3A_107 : i32 to index
      %get3A_142 = arith.constant 112 : index
      %get3A_143 = tpu.vector_load %arg4[%get3A_141, %get3A_142] {strides = array<i32>} : memref<64x512xf32, #tpu.memory_space<vmem>>, vector<1x16xf32>,
      %get3A_144 = vector.shape_cast %get3A_143 : vector<1x16xf32> to vector<16xf32>
      %max3A_145 = arith.maximumf %max3A_140, %get3A_144 : vector<16xf32>
      %get3A_146 = arith.index_cast %scan3A_107 : i32 to index
      %get3A_147 = arith.constant 128 : index
      %get3A_148 = tpu.vector_load %arg4[%get3A_146, %get3A_147] {strides = array<i32>} : memref<64x512xf32, #tpu.memory_space<vmem>>, vector<1x16xf32>,
      %get3A_149 = vector.shape_cast %get3A_148 : vector<1x16xf32> to vector<16xf32>
      %max3A_150 = arith.maximumf %max3A_145, %get3A_149 : vector<16xf32>
      %get3A_151 = arith.index_cast %scan3A_107 : i32 to index
      %get3A_152 = arith.constant 144 : index
      %get3A_153 = tpu.vector_load %arg4[%get3A_151, %get3A_152] {strides = array<i32>} : memref<64x512xf32, #tpu.memory_space<vmem>>, vector<1x16xf32>,
      %get3A_154 = vector.shape_cast %get3A_153 : vector<1x16xf32> to vector<16xf32>
      %max3A_155 = arith.maximumf %max3A_150, %get3A_154 : vector<16xf32>
      %get3A_156 = arith.index_cast %scan3A_107 : i32 to index
      %get3A_157 = arith.constant 160 : index
      %get3A_158 = tpu.vector_load %arg4[%get3A_156, %get3A_157] {strides = array<i32>} : memref<64x512xf32, #tpu.memory_space<vmem>>, vector<1x16xf32>,
      %get3A_159 = vector.shape_cast %get3A_158 : vector<1x16xf32> to vector<16xf32>
      %max3A_160 = arith.maximumf %max3A_155, %get3A_159 : vector<16xf32>
      %get3A_161 = arith.index_cast %scan3A_107 : i32 to index
      %get3A_162 = arith.constant 176 : index
      %get3A_163 = tpu.vector_load %arg4[%get3A_161, %get3A_162] {strides = array<i32>} : memref<64x512xf32, #tpu.memory_space<vmem>>, vector<1x16xf32>,
      %get3A_164 = vector.shape_cast %get3A_163 : vector<1x16xf32> to vector<16xf32>
      %max3A_165 = arith.maximumf %max3A_160, %get3A_164 : vector<16xf32>
      %get3A_166 = arith.index_cast %scan3A_107 : i32 to index
      %get3A_167 = arith.constant 192 : index
      %get3A_168 = tpu.vector_load %arg4[%get3A_166, %get3A_167] {strides = array<i32>} : memref<64x512xf32, #tpu.memory_space<vmem>>, vector<1x16xf32>,
      %get3A_169 = vector.shape_cast %get3A_168 : vector<1x16xf32> to vector<16xf32>
      %max3A_170 = arith.maximumf %max3A_165, %get3A_169 : vector<16xf32>
      %get3A_171 = arith.index_cast %scan3A_107 : i32 to index
      %get3A_172 = arith.constant 208 : index
      %get3A_173 = tpu.vector_load %arg4[%get3A_171, %get3A_172] {strides = array<i32>} : memref<64x512xf32, #tpu.memory_space<vmem>>, vector<1x16xf32>,
      %get3A_174 = vector.shape_cast %get3A_173 : vector<1x16xf32> to vector<16xf32>
      %max3A_175 = arith.maximumf %max3A_170, %get3A_174 : vector<16xf32>
      %get3A_176 = arith.index_cast %scan3A_107 : i32 to index
      %get3A_177 = arith.constant 224 : index
      %get3A_178 = tpu.vector_load %arg4[%get3A_176, %get3A_177] {strides = array<i32>} : memref<64x512xf32, #tpu.memory_space<vmem>>, vector<1x16xf32>,
      %get3A_179 = vector.shape_cast %get3A_178 : vector<1x16xf32> to vector<16xf32>
      %max3A_180 = arith.maximumf %max3A_175, %get3A_179 : vector<16xf32>
      %get3A_181 = arith.index_cast %scan3A_107 : i32 to index
      %get3A_182 = arith.constant 240 : index
      %get3A_183 = tpu.vector_load %arg4[%get3A_181, %get3A_182] {strides = array<i32>} : memref<64x512xf32, #tpu.memory_space<vmem>>, vector<1x16xf32>,
      %get3A_184 = vector.shape_cast %get3A_183 : vector<1x16xf32> to vector<16xf32>
      %max3A_185 = arith.maximumf %max3A_180, %get3A_184 : vector<16xf32>
      %get3A_186 = arith.index_cast %scan3A_107 : i32 to index
      %get3A_187 = arith.constant 256 : index
      %get3A_188 = tpu.vector_load %arg4[%get3A_186, %get3A_187] {strides = array<i32>} : memref<64x512xf32, #tpu.memory_space<vmem>>, vector<1x16xf32>,
      %get3A_189 = vector.shape_cast %get3A_188 : vector<1x16xf32> to vector<16xf32>
      %max3A_190 = arith.maximumf %max3A_185, %get3A_189 : vector<16xf32>
      %get3A_191 = arith.index_cast %scan3A_107 : i32 to index
      %get3A_192 = arith.constant 272 : index
      %get3A_193 = tpu.vector_load %arg4[%get3A_191, %get3A_192] {strides = array<i32>} : memref<64x512xf32, #tpu.memory_space<vmem>>, vector<1x16xf32>,
      %get3A_194 = vector.shape_cast %get3A_193 : vector<1x16xf32> to vector<16xf32>
      %max3A_195 = arith.maximumf %max3A_190, %get3A_194 : vector<16xf32>
      %get3A_196 = arith.index_cast %scan3A_107 : i32 to index
      %get3A_197 = arith.constant 288 : index
      %get3A_198 = tpu.vector_load %arg4[%get3A_196, %get3A_197] {strides = array<i32>} : memref<64x512xf32, #tpu.memory_space<vmem>>, vector<1x16xf32>,
      %get3A_199 = vector.shape_cast %get3A_198 : vector<1x16xf32> to vector<16xf32>
      %max3A_200 = arith.maximumf %max3A_195, %get3A_199 : vector<16xf32>
      %get3A_201 = arith.index_cast %scan3A_107 : i32 to index
      %get3A_202 = arith.constant 304 : index
      %get3A_203 = tpu.vector_load %arg4[%get3A_201, %get3A_202] {strides = array<i32>} : memref<64x512xf32, #tpu.memory_space<vmem>>, vector<1x16xf32>,
      %get3A_204 = vector.shape_cast %get3A_203 : vector<1x16xf32> to vector<16xf32>
      %max3A_205 = arith.maximumf %max3A_200, %get3A_204 : vector<16xf32>
      %get3A_206 = arith.index_cast %scan3A_107 : i32 to index
      %get3A_207 = arith.constant 320 : index
      %get3A_208 = tpu.vector_load %arg4[%get3A_206, %get3A_207] {strides = array<i32>} : memref<64x512xf32, #tpu.memory_space<vmem>>, vector<1x16xf32>,
      %get3A_209 = vector.shape_cast %get3A_208 : vector<1x16xf32> to vector<16xf32>
      %max3A_210 = arith.maximumf %max3A_205, %get3A_209 : vector<16xf32>
      %get3A_211 = arith.index_cast %scan3A_107 : i32 to index
      %get3A_212 = arith.constant 336 : index
      %get3A_213 = tpu.vector_load %arg4[%get3A_211, %get3A_212] {strides = array<i32>} : memref<64x512xf32, #tpu.memory_space<vmem>>, vector<1x16xf32>,
      %get3A_214 = vector.shape_cast %get3A_213 : vector<1x16xf32> to vector<16xf32>
      %max3A_215 = arith.maximumf %max3A_210, %get3A_214 : vector<16xf32>
      %get3A_216 = arith.index_cast %scan3A_107 : i32 to index
      %get3A_217 = arith.constant 352 : index
      %get3A_218 = tpu.vector_load %arg4[%get3A_216, %get3A_217] {strides = array<i32>} : memref<64x512xf32, #tpu.memory_space<vmem>>, vector<1x16xf32>,
      %get3A_219 = vector.shape_cast %get3A_218 : vector<1x16xf32> to vector<16xf32>
      %max3A_220 = arith.maximumf %max3A_215, %get3A_219 : vector<16xf32>
      %get3A_221 = arith.index_cast %scan3A_107 : i32 to index
      %get3A_222 = arith.constant 368 : index
      %get3A_223 = tpu.vector_load %arg4[%get3A_221, %get3A_222] {strides = array<i32>} : memref<64x512xf32, #tpu.memory_space<vmem>>, vector<1x16xf32>,
      %get3A_224 = vector.shape_cast %get3A_223 : vector<1x16xf32> to vector<16xf32>
      %max3A_225 = arith.maximumf %max3A_220, %get3A_224 : vector<16xf32>
      %get3A_226 = arith.index_cast %scan3A_107 : i32 to index
      %get3A_227 = arith.constant 384 : index
      %get3A_228 = tpu.vector_load %arg4[%get3A_226, %get3A_227] {strides = array<i32>} : memref<64x512xf32, #tpu.memory_space<vmem>>, vector<1x16xf32>,
      %get3A_229 = vector.shape_cast %get3A_228 : vector<1x16xf32> to vector<16xf32>
      %max3A_230 = arith.maximumf %max3A_225, %get3A_229 : vector<16xf32>
      %get3A_231 = arith.index_cast %scan3A_107 : i32 to index
      %get3A_232 = arith.constant 400 : index
      %get3A_233 = tpu.vector_load %arg4[%get3A_231, %get3A_232] {strides = array<i32>} : memref<64x512xf32, #tpu.memory_space<vmem>>, vector<1x16xf32>,
      %get3A_234 = vector.shape_cast %get3A_233 : vector<1x16xf32> to vector<16xf32>
      %max3A_235 = arith.maximumf %max3A_230, %get3A_234 : vector<16xf32>
      %get3A_236 = arith.index_cast %scan3A_107 : i32 to index
      %get3A_237 = arith.constant 416 : index
      %get3A_238 = tpu.vector_load %arg4[%get3A_236, %get3A_237] {strides = array<i32>} : memref<64x512xf32, #tpu.memory_space<vmem>>, vector<1x16xf32>,
      %get3A_239 = vector.shape_cast %get3A_238 : vector<1x16xf32> to vector<16xf32>
      %max3A_240 = arith.maximumf %max3A_235, %get3A_239 : vector<16xf32>
      %get3A_241 = arith.index_cast %scan3A_107 : i32 to index
      %get3A_242 = arith.constant 432 : index
      %get3A_243 = tpu.vector_load %arg4[%get3A_241, %get3A_242] {strides = array<i32>} : memref<64x512xf32, #tpu.memory_space<vmem>>, vector<1x16xf32>,
      %get3A_244 = vector.shape_cast %get3A_243 : vector<1x16xf32> to vector<16xf32>
      %max3A_245 = arith.maximumf %max3A_240, %get3A_244 : vector<16xf32>
      %get3A_246 = arith.index_cast %scan3A_107 : i32 to index
      %get3A_247 = arith.constant 448 : index
      %get3A_248 = tpu.vector_load %arg4[%get3A_246, %get3A_247] {strides = array<i32>} : memref<64x512xf32, #tpu.memory_space<vmem>>, vector<1x16xf32>,
      %get3A_249 = vector.shape_cast %get3A_248 : vector<1x16xf32> to vector<16xf32>
      %max3A_250 = arith.maximumf %max3A_245, %get3A_249 : vector<16xf32>
      %get3A_251 = arith.index_cast %scan3A_107 : i32 to index
      %get3A_252 = arith.constant 464 : index
      %get3A_253 = tpu.vector_load %arg4[%get3A_251, %get3A_252] {strides = array<i32>} : memref<64x512xf32, #tpu.memory_space<vmem>>, vector<1x16xf32>,
      %get3A_254 = vector.shape_cast %get3A_253 : vector<1x16xf32> to vector<16xf32>
      %max3A_255 = arith.maximumf %max3A_250, %get3A_254 : vector<16xf32>
      %get3A_256 = arith.index_cast %scan3A_107 : i32 to index
      %get3A_257 = arith.constant 480 : index
      %get3A_258 = tpu.vector_load %arg4[%get3A_256, %get3A_257] {strides = array<i32>} : memref<64x512xf32, #tpu.memory_space<vmem>>, vector<1x16xf32>,
      %get3A_259 = vector.shape_cast %get3A_258 : vector<1x16xf32> to vector<16xf32>
      %max3A_260 = arith.maximumf %max3A_255, %get3A_259 : vector<16xf32>
      %get3A_261 = arith.index_cast %scan3A_107 : i32 to index
      %get3A_262 = arith.constant 496 : index
      %get3A_263 = tpu.vector_load %arg4[%get3A_261, %get3A_262] {strides = array<i32>} : memref<64x512xf32, #tpu.memory_space<vmem>>, vector<1x16xf32>,
      %get3A_264 = vector.shape_cast %get3A_263 : vector<1x16xf32> to vector<16xf32>
      %max3A_265 = arith.maximumf %max3A_260, %get3A_264 : vector<16xf32>
      %xor3A = arith.constant 8 : i32
      %xor3A_266 = vector.broadcast %xor3A : i32 to vector<16xi32>
      %xor3A_267 = arith.xori %iota3A, %xor3A_266 : vector<16xi32>
      %broadcast_in_dim3A_268 = vector.shape_cast %xor3A_267 : vector<16xi32> to vector<16x1xi32>
      %gather3A = vector.shape_cast %broadcast_in_dim3A_268 : vector<16x1xi32> to vector<16xi32>
      %gather3A_269 = tpu.dynamic_gather %max3A_265[%gather3A] in [0] : vector<16xf32>, vector<16xi32> -> vector<16xf32>
      %max3A_270 = arith.maximumf %max3A_265, %gather3A_269 : vector<16xf32>
      %xor3A_271 = arith.constant 4 : i32
      %xor3A_272 = vector.broadcast %xor3A_271 : i32 to vector<16xi32>
      %xor3A_273 = arith.xori %iota3A, %xor3A_272 : vector<16xi32>
      %broadcast_in_dim3A_274 = vector.shape_cast %xor3A_273 : vector<16xi32> to vector<16x1xi32>
      %gather3A_275 = vector.shape_cast %broadcast_in_dim3A_274 : vector<16x1xi32> to vector<16xi32>
      %gather3A_276 = tpu.dynamic_gather %max3A_270[%gather3A_275] in [0] : vector<16xf32>, vector<16xi32> -> vector<16xf32>
      %max3A_277 = arith.maximumf %max3A_270, %gather3A_276 : vector<16xf32>
      %xor3A_278 = arith.constant 2 : i32
      %xor3A_279 = vector.broadcast %xor3A_278 : i32 to vector<16xi32>
      %xor3A_280 = arith.xori %iota3A, %xor3A_279 : vector<16xi32>
      %broadcast_in_dim3A_281 = vector.shape_cast %xor3A_280 : vector<16xi32> to vector<16x1xi32>
      %gather3A_282 = vector.shape_cast %broadcast_in_dim3A_281 : vector<16x1xi32> to vector<16xi32>
      %gather3A_283 = tpu.dynamic_gather %max3A_277[%gather3A_282] in [0] : vector<16xf32>, vector<16xi32> -> vector<16xf32>
      %max3A_284 = arith.maximumf %max3A_277, %gather3A_283 : vector<16xf32>
      %xor3A_285 = arith.constant 1 : i32
      %xor3A_286 = vector.broadcast %xor3A_285 : i32 to vector<16xi32>
      %xor3A_287 = arith.xori %iota3A, %xor3A_286 : vector<16xi32>
      %broadcast_in_dim3A_288 = vector.shape_cast %xor3A_287 : vector<16xi32> to vector<16x1xi32>
      %gather3A_289 = vector.shape_cast %broadcast_in_dim3A_288 : vector<16x1xi32> to vector<16xi32>
      %gather3A_290 = tpu.dynamic_gather %max3A_284[%gather3A_289] in [0] : vector<16xf32>, vector<16xi32> -> vector<16xf32>
      %max3A_291 = arith.maximumf %max3A_284, %gather3A_290 : vector<16xf32>
      %add3A_292 = arith.addf %scan3A_108, %max3A_291 : vector<16xf32>
      scf.yield %add3A_292 : vector<16xf32>
    }
    %scan3A_47 = arith.constant 64 : i32
    %eq3A_48 = arith.constant 3 : i32
    %eq3A_49 = vector.broadcast %eq3A_48 : i32 to vector<16xi32>
    %eq3A_50 = arith.cmpi eq, %iota3A, %eq3A_49 : vector<16xi32>
    %select_n3A_51 = arith.select %eq3A_50, %scan3A_46, %select_n3A_38 : vector<16xi1>, vector<16xf32>
    %run_scoped3A_52 = arith.constant 44 : i32
    "tpu.region"() ({
      %run_scoped3A_107 = tpu.sem_alloc : memref<!tpu.dma_semaphore, #tpu.memory_space<semaphore_mem>>
      %dma_start3A = arith.constant 0 : i32
      %dma_start3A_108 = tpu.memref_slice %arg2[%run_scoped3A_52, %mul3A_2, %dma_start3A] : memref<48x2048x512xf32, #tpu.memory_space<hbm>> -> memref<1x64x512xf32, #tpu.memory_space<hbm>>
      %dma_start3A_109 = tpu.memref_squeeze %dma_start3A_108 : memref<1x64x512xf32, #tpu.memory_space<hbm>> -> memref<64x512xf32, #tpu.memory_space<hbm>>
      %dma_start3A_110 = arith.constant 0 : i32
      %dma_start3A_111 = tpu.memref_slice %arg2[%run_scoped3A_52, %mul3A_2, %dma_start3A_110] : memref<48x2048x512xf32, #tpu.memory_space<hbm>> -> memref<1x64x512xf32, #tpu.memory_space<hbm>>
      %dma_start3A_112 = tpu.memref_squeeze %dma_start3A_111 : memref<1x64x512xf32, #tpu.memory_space<hbm>> -> memref<64x512xf32, #tpu.memory_space<hbm>>
      tpu.enqueue_dma source(%dma_start3A_112 : memref<64x512xf32, #tpu.memory_space<hbm>>) target(%arg4 : memref<64x512xf32, #tpu.memory_space<vmem>>) target_semaphore(%run_scoped3A_107 : memref<!tpu.dma_semaphore, #tpu.memory_space<semaphore_mem>>)
      %dma_wait3A = arith.constant 0 : i32
      %dma_wait3A_113 = tpu.memref_slice %arg2[%run_scoped3A_52, %mul3A_2, %dma_wait3A] : memref<48x2048x512xf32, #tpu.memory_space<hbm>> -> memref<1x64x512xf32, #tpu.memory_space<hbm>>
      %dma_wait3A_114 = tpu.memref_squeeze %dma_wait3A_113 : memref<1x64x512xf32, #tpu.memory_space<hbm>> -> memref<64x512xf32, #tpu.memory_space<hbm>>
      %dma_wait3A_115 = arith.constant 0 : i32
      %dma_wait3A_116 = tpu.memref_slice %arg2[%run_scoped3A_52, %mul3A_2, %dma_wait3A_115] : memref<48x2048x512xf32, #tpu.memory_space<hbm>> -> memref<1x64x512xf32, #tpu.memory_space<hbm>>
      %dma_wait3A_117 = tpu.memref_squeeze %dma_wait3A_116 : memref<1x64x512xf32, #tpu.memory_space<hbm>> -> memref<64x512xf32, #tpu.memory_space<hbm>>
      tpu.wait_dma2 semaphore(%run_scoped3A_107 : memref<!tpu.dma_semaphore, #tpu.memory_space<semaphore_mem>>) src(%dma_wait3A_117 : memref<64x512xf32, #tpu.memory_space<hbm>>) dst(%arg4 : memref<64x512xf32, #tpu.memory_space<vmem>>)
      tpu.yield
    }) : () -> ()
    %broadcast_in_dim3A_53 = arith.constant 0.000000e+00 : f32
    %broadcast_in_dim3A_54 = vector.broadcast %broadcast_in_dim3A_53 : f32 to vector<16xf32>
    %scan3A_55 = arith.constant 0 : i32
    %scan3A_56 = arith.constant 64 : i32
    %scan3A_57 = arith.addi %scan3A_55, %scan3A_56 : i32
    %scan3A_58 = arith.constant 1 : i32
    %scan3A_59 = scf.for %scan3A_107 = %scan3A_55 to %scan3A_57 step %scan3A_58 iter_args(%scan3A_108 = %broadcast_in_dim3A_54) -> (vector<16xf32>)  : i32 {
      %get3A = arith.index_cast %scan3A_107 : i32 to index
      %get3A_109 = arith.constant 0 : index
      %get3A_110 = tpu.vector_load %arg4[%get3A, %get3A_109] {strides = array<i32>} : memref<64x512xf32, #tpu.memory_space<vmem>>, vector<1x16xf32>,
      %get3A_111 = vector.shape_cast %get3A_110 : vector<1x16xf32> to vector<16xf32>
      %get3A_112 = arith.index_cast %scan3A_107 : i32 to index
      %get3A_113 = arith.constant 16 : index
      %get3A_114 = tpu.vector_load %arg4[%get3A_112, %get3A_113] {strides = array<i32>} : memref<64x512xf32, #tpu.memory_space<vmem>>, vector<1x16xf32>,
      %get3A_115 = vector.shape_cast %get3A_114 : vector<1x16xf32> to vector<16xf32>
      %max3A = arith.maximumf %get3A_111, %get3A_115 : vector<16xf32>
      %get3A_116 = arith.index_cast %scan3A_107 : i32 to index
      %get3A_117 = arith.constant 32 : index
      %get3A_118 = tpu.vector_load %arg4[%get3A_116, %get3A_117] {strides = array<i32>} : memref<64x512xf32, #tpu.memory_space<vmem>>, vector<1x16xf32>,
      %get3A_119 = vector.shape_cast %get3A_118 : vector<1x16xf32> to vector<16xf32>
      %max3A_120 = arith.maximumf %max3A, %get3A_119 : vector<16xf32>
      %get3A_121 = arith.index_cast %scan3A_107 : i32 to index
      %get3A_122 = arith.constant 48 : index
      %get3A_123 = tpu.vector_load %arg4[%get3A_121, %get3A_122] {strides = array<i32>} : memref<64x512xf32, #tpu.memory_space<vmem>>, vector<1x16xf32>,
      %get3A_124 = vector.shape_cast %get3A_123 : vector<1x16xf32> to vector<16xf32>
      %max3A_125 = arith.maximumf %max3A_120, %get3A_124 : vector<16xf32>
      %get3A_126 = arith.index_cast %scan3A_107 : i32 to index
      %get3A_127 = arith.constant 64 : index
      %get3A_128 = tpu.vector_load %arg4[%get3A_126, %get3A_127] {strides = array<i32>} : memref<64x512xf32, #tpu.memory_space<vmem>>, vector<1x16xf32>,
      %get3A_129 = vector.shape_cast %get3A_128 : vector<1x16xf32> to vector<16xf32>
      %max3A_130 = arith.maximumf %max3A_125, %get3A_129 : vector<16xf32>
      %get3A_131 = arith.index_cast %scan3A_107 : i32 to index
      %get3A_132 = arith.constant 80 : index
      %get3A_133 = tpu.vector_load %arg4[%get3A_131, %get3A_132] {strides = array<i32>} : memref<64x512xf32, #tpu.memory_space<vmem>>, vector<1x16xf32>,
      %get3A_134 = vector.shape_cast %get3A_133 : vector<1x16xf32> to vector<16xf32>
      %max3A_135 = arith.maximumf %max3A_130, %get3A_134 : vector<16xf32>
      %get3A_136 = arith.index_cast %scan3A_107 : i32 to index
      %get3A_137 = arith.constant 96 : index
      %get3A_138 = tpu.vector_load %arg4[%get3A_136, %get3A_137] {strides = array<i32>} : memref<64x512xf32, #tpu.memory_space<vmem>>, vector<1x16xf32>,
      %get3A_139 = vector.shape_cast %get3A_138 : vector<1x16xf32> to vector<16xf32>
      %max3A_140 = arith.maximumf %max3A_135, %get3A_139 : vector<16xf32>
      %get3A_141 = arith.index_cast %scan3A_107 : i32 to index
      %get3A_142 = arith.constant 112 : index
      %get3A_143 = tpu.vector_load %arg4[%get3A_141, %get3A_142] {strides = array<i32>} : memref<64x512xf32, #tpu.memory_space<vmem>>, vector<1x16xf32>,
      %get3A_144 = vector.shape_cast %get3A_143 : vector<1x16xf32> to vector<16xf32>
      %max3A_145 = arith.maximumf %max3A_140, %get3A_144 : vector<16xf32>
      %get3A_146 = arith.index_cast %scan3A_107 : i32 to index
      %get3A_147 = arith.constant 128 : index
      %get3A_148 = tpu.vector_load %arg4[%get3A_146, %get3A_147] {strides = array<i32>} : memref<64x512xf32, #tpu.memory_space<vmem>>, vector<1x16xf32>,
      %get3A_149 = vector.shape_cast %get3A_148 : vector<1x16xf32> to vector<16xf32>
      %max3A_150 = arith.maximumf %max3A_145, %get3A_149 : vector<16xf32>
      %get3A_151 = arith.index_cast %scan3A_107 : i32 to index
      %get3A_152 = arith.constant 144 : index
      %get3A_153 = tpu.vector_load %arg4[%get3A_151, %get3A_152] {strides = array<i32>} : memref<64x512xf32, #tpu.memory_space<vmem>>, vector<1x16xf32>,
      %get3A_154 = vector.shape_cast %get3A_153 : vector<1x16xf32> to vector<16xf32>
      %max3A_155 = arith.maximumf %max3A_150, %get3A_154 : vector<16xf32>
      %get3A_156 = arith.index_cast %scan3A_107 : i32 to index
      %get3A_157 = arith.constant 160 : index
      %get3A_158 = tpu.vector_load %arg4[%get3A_156, %get3A_157] {strides = array<i32>} : memref<64x512xf32, #tpu.memory_space<vmem>>, vector<1x16xf32>,
      %get3A_159 = vector.shape_cast %get3A_158 : vector<1x16xf32> to vector<16xf32>
      %max3A_160 = arith.maximumf %max3A_155, %get3A_159 : vector<16xf32>
      %get3A_161 = arith.index_cast %scan3A_107 : i32 to index
      %get3A_162 = arith.constant 176 : index
      %get3A_163 = tpu.vector_load %arg4[%get3A_161, %get3A_162] {strides = array<i32>} : memref<64x512xf32, #tpu.memory_space<vmem>>, vector<1x16xf32>,
      %get3A_164 = vector.shape_cast %get3A_163 : vector<1x16xf32> to vector<16xf32>
      %max3A_165 = arith.maximumf %max3A_160, %get3A_164 : vector<16xf32>
      %get3A_166 = arith.index_cast %scan3A_107 : i32 to index
      %get3A_167 = arith.constant 192 : index
      %get3A_168 = tpu.vector_load %arg4[%get3A_166, %get3A_167] {strides = array<i32>} : memref<64x512xf32, #tpu.memory_space<vmem>>, vector<1x16xf32>,
      %get3A_169 = vector.shape_cast %get3A_168 : vector<1x16xf32> to vector<16xf32>
      %max3A_170 = arith.maximumf %max3A_165, %get3A_169 : vector<16xf32>
      %get3A_171 = arith.index_cast %scan3A_107 : i32 to index
      %get3A_172 = arith.constant 208 : index
      %get3A_173 = tpu.vector_load %arg4[%get3A_171, %get3A_172] {strides = array<i32>} : memref<64x512xf32, #tpu.memory_space<vmem>>, vector<1x16xf32>,
      %get3A_174 = vector.shape_cast %get3A_173 : vector<1x16xf32> to vector<16xf32>
      %max3A_175 = arith.maximumf %max3A_170, %get3A_174 : vector<16xf32>
      %get3A_176 = arith.index_cast %scan3A_107 : i32 to index
      %get3A_177 = arith.constant 224 : index
      %get3A_178 = tpu.vector_load %arg4[%get3A_176, %get3A_177] {strides = array<i32>} : memref<64x512xf32, #tpu.memory_space<vmem>>, vector<1x16xf32>,
      %get3A_179 = vector.shape_cast %get3A_178 : vector<1x16xf32> to vector<16xf32>
      %max3A_180 = arith.maximumf %max3A_175, %get3A_179 : vector<16xf32>
      %get3A_181 = arith.index_cast %scan3A_107 : i32 to index
      %get3A_182 = arith.constant 240 : index
      %get3A_183 = tpu.vector_load %arg4[%get3A_181, %get3A_182] {strides = array<i32>} : memref<64x512xf32, #tpu.memory_space<vmem>>, vector<1x16xf32>,
      %get3A_184 = vector.shape_cast %get3A_183 : vector<1x16xf32> to vector<16xf32>
      %max3A_185 = arith.maximumf %max3A_180, %get3A_184 : vector<16xf32>
      %get3A_186 = arith.index_cast %scan3A_107 : i32 to index
      %get3A_187 = arith.constant 256 : index
      %get3A_188 = tpu.vector_load %arg4[%get3A_186, %get3A_187] {strides = array<i32>} : memref<64x512xf32, #tpu.memory_space<vmem>>, vector<1x16xf32>,
      %get3A_189 = vector.shape_cast %get3A_188 : vector<1x16xf32> to vector<16xf32>
      %max3A_190 = arith.maximumf %max3A_185, %get3A_189 : vector<16xf32>
      %get3A_191 = arith.index_cast %scan3A_107 : i32 to index
      %get3A_192 = arith.constant 272 : index
      %get3A_193 = tpu.vector_load %arg4[%get3A_191, %get3A_192] {strides = array<i32>} : memref<64x512xf32, #tpu.memory_space<vmem>>, vector<1x16xf32>,
      %get3A_194 = vector.shape_cast %get3A_193 : vector<1x16xf32> to vector<16xf32>
      %max3A_195 = arith.maximumf %max3A_190, %get3A_194 : vector<16xf32>
      %get3A_196 = arith.index_cast %scan3A_107 : i32 to index
      %get3A_197 = arith.constant 288 : index
      %get3A_198 = tpu.vector_load %arg4[%get3A_196, %get3A_197] {strides = array<i32>} : memref<64x512xf32, #tpu.memory_space<vmem>>, vector<1x16xf32>,
      %get3A_199 = vector.shape_cast %get3A_198 : vector<1x16xf32> to vector<16xf32>
      %max3A_200 = arith.maximumf %max3A_195, %get3A_199 : vector<16xf32>
      %get3A_201 = arith.index_cast %scan3A_107 : i32 to index
      %get3A_202 = arith.constant 304 : index
      %get3A_203 = tpu.vector_load %arg4[%get3A_201, %get3A_202] {strides = array<i32>} : memref<64x512xf32, #tpu.memory_space<vmem>>, vector<1x16xf32>,
      %get3A_204 = vector.shape_cast %get3A_203 : vector<1x16xf32> to vector<16xf32>
      %max3A_205 = arith.maximumf %max3A_200, %get3A_204 : vector<16xf32>
      %get3A_206 = arith.index_cast %scan3A_107 : i32 to index
      %get3A_207 = arith.constant 320 : index
      %get3A_208 = tpu.vector_load %arg4[%get3A_206, %get3A_207] {strides = array<i32>} : memref<64x512xf32, #tpu.memory_space<vmem>>, vector<1x16xf32>,
      %get3A_209 = vector.shape_cast %get3A_208 : vector<1x16xf32> to vector<16xf32>
      %max3A_210 = arith.maximumf %max3A_205, %get3A_209 : vector<16xf32>
      %get3A_211 = arith.index_cast %scan3A_107 : i32 to index
      %get3A_212 = arith.constant 336 : index
      %get3A_213 = tpu.vector_load %arg4[%get3A_211, %get3A_212] {strides = array<i32>} : memref<64x512xf32, #tpu.memory_space<vmem>>, vector<1x16xf32>,
      %get3A_214 = vector.shape_cast %get3A_213 : vector<1x16xf32> to vector<16xf32>
      %max3A_215 = arith.maximumf %max3A_210, %get3A_214 : vector<16xf32>
      %get3A_216 = arith.index_cast %scan3A_107 : i32 to index
      %get3A_217 = arith.constant 352 : index
      %get3A_218 = tpu.vector_load %arg4[%get3A_216, %get3A_217] {strides = array<i32>} : memref<64x512xf32, #tpu.memory_space<vmem>>, vector<1x16xf32>,
      %get3A_219 = vector.shape_cast %get3A_218 : vector<1x16xf32> to vector<16xf32>
      %max3A_220 = arith.maximumf %max3A_215, %get3A_219 : vector<16xf32>
      %get3A_221 = arith.index_cast %scan3A_107 : i32 to index
      %get3A_222 = arith.constant 368 : index
      %get3A_223 = tpu.vector_load %arg4[%get3A_221, %get3A_222] {strides = array<i32>} : memref<64x512xf32, #tpu.memory_space<vmem>>, vector<1x16xf32>,
      %get3A_224 = vector.shape_cast %get3A_223 : vector<1x16xf32> to vector<16xf32>
      %max3A_225 = arith.maximumf %max3A_220, %get3A_224 : vector<16xf32>
      %get3A_226 = arith.index_cast %scan3A_107 : i32 to index
      %get3A_227 = arith.constant 384 : index
      %get3A_228 = tpu.vector_load %arg4[%get3A_226, %get3A_227] {strides = array<i32>} : memref<64x512xf32, #tpu.memory_space<vmem>>, vector<1x16xf32>,
      %get3A_229 = vector.shape_cast %get3A_228 : vector<1x16xf32> to vector<16xf32>
      %max3A_230 = arith.maximumf %max3A_225, %get3A_229 : vector<16xf32>
      %get3A_231 = arith.index_cast %scan3A_107 : i32 to index
      %get3A_232 = arith.constant 400 : index
      %get3A_233 = tpu.vector_load %arg4[%get3A_231, %get3A_232] {strides = array<i32>} : memref<64x512xf32, #tpu.memory_space<vmem>>, vector<1x16xf32>,
      %get3A_234 = vector.shape_cast %get3A_233 : vector<1x16xf32> to vector<16xf32>
      %max3A_235 = arith.maximumf %max3A_230, %get3A_234 : vector<16xf32>
      %get3A_236 = arith.index_cast %scan3A_107 : i32 to index
      %get3A_237 = arith.constant 416 : index
      %get3A_238 = tpu.vector_load %arg4[%get3A_236, %get3A_237] {strides = array<i32>} : memref<64x512xf32, #tpu.memory_space<vmem>>, vector<1x16xf32>,
      %get3A_239 = vector.shape_cast %get3A_238 : vector<1x16xf32> to vector<16xf32>
      %max3A_240 = arith.maximumf %max3A_235, %get3A_239 : vector<16xf32>
      %get3A_241 = arith.index_cast %scan3A_107 : i32 to index
      %get3A_242 = arith.constant 432 : index
      %get3A_243 = tpu.vector_load %arg4[%get3A_241, %get3A_242] {strides = array<i32>} : memref<64x512xf32, #tpu.memory_space<vmem>>, vector<1x16xf32>,
      %get3A_244 = vector.shape_cast %get3A_243 : vector<1x16xf32> to vector<16xf32>
      %max3A_245 = arith.maximumf %max3A_240, %get3A_244 : vector<16xf32>
      %get3A_246 = arith.index_cast %scan3A_107 : i32 to index
      %get3A_247 = arith.constant 448 : index
      %get3A_248 = tpu.vector_load %arg4[%get3A_246, %get3A_247] {strides = array<i32>} : memref<64x512xf32, #tpu.memory_space<vmem>>, vector<1x16xf32>,
      %get3A_249 = vector.shape_cast %get3A_248 : vector<1x16xf32> to vector<16xf32>
      %max3A_250 = arith.maximumf %max3A_245, %get3A_249 : vector<16xf32>
      %get3A_251 = arith.index_cast %scan3A_107 : i32 to index
      %get3A_252 = arith.constant 464 : index
      %get3A_253 = tpu.vector_load %arg4[%get3A_251, %get3A_252] {strides = array<i32>} : memref<64x512xf32, #tpu.memory_space<vmem>>, vector<1x16xf32>,
      %get3A_254 = vector.shape_cast %get3A_253 : vector<1x16xf32> to vector<16xf32>
      %max3A_255 = arith.maximumf %max3A_250, %get3A_254 : vector<16xf32>
      %get3A_256 = arith.index_cast %scan3A_107 : i32 to index
      %get3A_257 = arith.constant 480 : index
      %get3A_258 = tpu.vector_load %arg4[%get3A_256, %get3A_257] {strides = array<i32>} : memref<64x512xf32, #tpu.memory_space<vmem>>, vector<1x16xf32>,
      %get3A_259 = vector.shape_cast %get3A_258 : vector<1x16xf32> to vector<16xf32>
      %max3A_260 = arith.maximumf %max3A_255, %get3A_259 : vector<16xf32>
      %get3A_261 = arith.index_cast %scan3A_107 : i32 to index
      %get3A_262 = arith.constant 496 : index
      %get3A_263 = tpu.vector_load %arg4[%get3A_261, %get3A_262] {strides = array<i32>} : memref<64x512xf32, #tpu.memory_space<vmem>>, vector<1x16xf32>,
      %get3A_264 = vector.shape_cast %get3A_263 : vector<1x16xf32> to vector<16xf32>
      %max3A_265 = arith.maximumf %max3A_260, %get3A_264 : vector<16xf32>
      %xor3A = arith.constant 8 : i32
      %xor3A_266 = vector.broadcast %xor3A : i32 to vector<16xi32>
      %xor3A_267 = arith.xori %iota3A, %xor3A_266 : vector<16xi32>
      %broadcast_in_dim3A_268 = vector.shape_cast %xor3A_267 : vector<16xi32> to vector<16x1xi32>
      %gather3A = vector.shape_cast %broadcast_in_dim3A_268 : vector<16x1xi32> to vector<16xi32>
      %gather3A_269 = tpu.dynamic_gather %max3A_265[%gather3A] in [0] : vector<16xf32>, vector<16xi32> -> vector<16xf32>
      %max3A_270 = arith.maximumf %max3A_265, %gather3A_269 : vector<16xf32>
      %xor3A_271 = arith.constant 4 : i32
      %xor3A_272 = vector.broadcast %xor3A_271 : i32 to vector<16xi32>
      %xor3A_273 = arith.xori %iota3A, %xor3A_272 : vector<16xi32>
      %broadcast_in_dim3A_274 = vector.shape_cast %xor3A_273 : vector<16xi32> to vector<16x1xi32>
      %gather3A_275 = vector.shape_cast %broadcast_in_dim3A_274 : vector<16x1xi32> to vector<16xi32>
      %gather3A_276 = tpu.dynamic_gather %max3A_270[%gather3A_275] in [0] : vector<16xf32>, vector<16xi32> -> vector<16xf32>
      %max3A_277 = arith.maximumf %max3A_270, %gather3A_276 : vector<16xf32>
      %xor3A_278 = arith.constant 2 : i32
      %xor3A_279 = vector.broadcast %xor3A_278 : i32 to vector<16xi32>
      %xor3A_280 = arith.xori %iota3A, %xor3A_279 : vector<16xi32>
      %broadcast_in_dim3A_281 = vector.shape_cast %xor3A_280 : vector<16xi32> to vector<16x1xi32>
      %gather3A_282 = vector.shape_cast %broadcast_in_dim3A_281 : vector<16x1xi32> to vector<16xi32>
      %gather3A_283 = tpu.dynamic_gather %max3A_277[%gather3A_282] in [0] : vector<16xf32>, vector<16xi32> -> vector<16xf32>
      %max3A_284 = arith.maximumf %max3A_277, %gather3A_283 : vector<16xf32>
      %xor3A_285 = arith.constant 1 : i32
      %xor3A_286 = vector.broadcast %xor3A_285 : i32 to vector<16xi32>
      %xor3A_287 = arith.xori %iota3A, %xor3A_286 : vector<16xi32>
      %broadcast_in_dim3A_288 = vector.shape_cast %xor3A_287 : vector<16xi32> to vector<16x1xi32>
      %gather3A_289 = vector.shape_cast %broadcast_in_dim3A_288 : vector<16x1xi32> to vector<16xi32>
      %gather3A_290 = tpu.dynamic_gather %max3A_284[%gather3A_289] in [0] : vector<16xf32>, vector<16xi32> -> vector<16xf32>
      %max3A_291 = arith.maximumf %max3A_284, %gather3A_290 : vector<16xf32>
      %add3A_292 = arith.addf %scan3A_108, %max3A_291 : vector<16xf32>
      scf.yield %add3A_292 : vector<16xf32>
    }
    %scan3A_60 = arith.constant 64 : i32
    %eq3A_61 = arith.constant 4 : i32
    %eq3A_62 = vector.broadcast %eq3A_61 : i32 to vector<16xi32>
    %eq3A_63 = arith.cmpi eq, %iota3A, %eq3A_62 : vector<16xi32>
    %select_n3A_64 = arith.select %eq3A_63, %scan3A_59, %select_n3A_51 : vector<16xi1>, vector<16xf32>
    %run_scoped3A_65 = arith.constant 45 : i32
    "tpu.region"() ({
      %run_scoped3A_107 = tpu.sem_alloc : memref<!tpu.dma_semaphore, #tpu.memory_space<semaphore_mem>>
      %dma_start3A = arith.constant 0 : i32
      %dma_start3A_108 = tpu.memref_slice %arg2[%run_scoped3A_65, %mul3A_2, %dma_start3A] : memref<48x2048x512xf32, #tpu.memory_space<hbm>> -> memref<1x64x512xf32, #tpu.memory_space<hbm>>
      %dma_start3A_109 = tpu.memref_squeeze %dma_start3A_108 : memref<1x64x512xf32, #tpu.memory_space<hbm>> -> memref<64x512xf32, #tpu.memory_space<hbm>>
      %dma_start3A_110 = arith.constant 0 : i32
      %dma_start3A_111 = tpu.memref_slice %arg2[%run_scoped3A_65, %mul3A_2, %dma_start3A_110] : memref<48x2048x512xf32, #tpu.memory_space<hbm>> -> memref<1x64x512xf32, #tpu.memory_space<hbm>>
      %dma_start3A_112 = tpu.memref_squeeze %dma_start3A_111 : memref<1x64x512xf32, #tpu.memory_space<hbm>> -> memref<64x512xf32, #tpu.memory_space<hbm>>
      tpu.enqueue_dma source(%dma_start3A_112 : memref<64x512xf32, #tpu.memory_space<hbm>>) target(%arg4 : memref<64x512xf32, #tpu.memory_space<vmem>>) target_semaphore(%run_scoped3A_107 : memref<!tpu.dma_semaphore, #tpu.memory_space<semaphore_mem>>)
      %dma_wait3A = arith.constant 0 : i32
      %dma_wait3A_113 = tpu.memref_slice %arg2[%run_scoped3A_65, %mul3A_2, %dma_wait3A] : memref<48x2048x512xf32, #tpu.memory_space<hbm>> -> memref<1x64x512xf32, #tpu.memory_space<hbm>>
      %dma_wait3A_114 = tpu.memref_squeeze %dma_wait3A_113 : memref<1x64x512xf32, #tpu.memory_space<hbm>> -> memref<64x512xf32, #tpu.memory_space<hbm>>
      %dma_wait3A_115 = arith.constant 0 : i32
      %dma_wait3A_116 = tpu.memref_slice %arg2[%run_scoped3A_65, %mul3A_2, %dma_wait3A_115] : memref<48x2048x512xf32, #tpu.memory_space<hbm>> -> memref<1x64x512xf32, #tpu.memory_space<hbm>>
      %dma_wait3A_117 = tpu.memref_squeeze %dma_wait3A_116 : memref<1x64x512xf32, #tpu.memory_space<hbm>> -> memref<64x512xf32, #tpu.memory_space<hbm>>
      tpu.wait_dma2 semaphore(%run_scoped3A_107 : memref<!tpu.dma_semaphore, #tpu.memory_space<semaphore_mem>>) src(%dma_wait3A_117 : memref<64x512xf32, #tpu.memory_space<hbm>>) dst(%arg4 : memref<64x512xf32, #tpu.memory_space<vmem>>)
      tpu.yield
    }) : () -> ()
    %broadcast_in_dim3A_66 = arith.constant 0.000000e+00 : f32
    %broadcast_in_dim3A_67 = vector.broadcast %broadcast_in_dim3A_66 : f32 to vector<16xf32>
    %scan3A_68 = arith.constant 0 : i32
    %scan3A_69 = arith.constant 64 : i32
    %scan3A_70 = arith.addi %scan3A_68, %scan3A_69 : i32
    %scan3A_71 = arith.constant 1 : i32
    %scan3A_72 = scf.for %scan3A_107 = %scan3A_68 to %scan3A_70 step %scan3A_71 iter_args(%scan3A_108 = %broadcast_in_dim3A_67) -> (vector<16xf32>)  : i32 {
      %get3A = arith.index_cast %scan3A_107 : i32 to index
      %get3A_109 = arith.constant 0 : index
      %get3A_110 = tpu.vector_load %arg4[%get3A, %get3A_109] {strides = array<i32>} : memref<64x512xf32, #tpu.memory_space<vmem>>, vector<1x16xf32>,
      %get3A_111 = vector.shape_cast %get3A_110 : vector<1x16xf32> to vector<16xf32>
      %get3A_112 = arith.index_cast %scan3A_107 : i32 to index
      %get3A_113 = arith.constant 16 : index
      %get3A_114 = tpu.vector_load %arg4[%get3A_112, %get3A_113] {strides = array<i32>} : memref<64x512xf32, #tpu.memory_space<vmem>>, vector<1x16xf32>,
      %get3A_115 = vector.shape_cast %get3A_114 : vector<1x16xf32> to vector<16xf32>
      %max3A = arith.maximumf %get3A_111, %get3A_115 : vector<16xf32>
      %get3A_116 = arith.index_cast %scan3A_107 : i32 to index
      %get3A_117 = arith.constant 32 : index
      %get3A_118 = tpu.vector_load %arg4[%get3A_116, %get3A_117] {strides = array<i32>} : memref<64x512xf32, #tpu.memory_space<vmem>>, vector<1x16xf32>,
      %get3A_119 = vector.shape_cast %get3A_118 : vector<1x16xf32> to vector<16xf32>
      %max3A_120 = arith.maximumf %max3A, %get3A_119 : vector<16xf32>
      %get3A_121 = arith.index_cast %scan3A_107 : i32 to index
      %get3A_122 = arith.constant 48 : index
      %get3A_123 = tpu.vector_load %arg4[%get3A_121, %get3A_122] {strides = array<i32>} : memref<64x512xf32, #tpu.memory_space<vmem>>, vector<1x16xf32>,
      %get3A_124 = vector.shape_cast %get3A_123 : vector<1x16xf32> to vector<16xf32>
      %max3A_125 = arith.maximumf %max3A_120, %get3A_124 : vector<16xf32>
      %get3A_126 = arith.index_cast %scan3A_107 : i32 to index
      %get3A_127 = arith.constant 64 : index
      %get3A_128 = tpu.vector_load %arg4[%get3A_126, %get3A_127] {strides = array<i32>} : memref<64x512xf32, #tpu.memory_space<vmem>>, vector<1x16xf32>,
      %get3A_129 = vector.shape_cast %get3A_128 : vector<1x16xf32> to vector<16xf32>
      %max3A_130 = arith.maximumf %max3A_125, %get3A_129 : vector<16xf32>
      %get3A_131 = arith.index_cast %scan3A_107 : i32 to index
      %get3A_132 = arith.constant 80 : index
      %get3A_133 = tpu.vector_load %arg4[%get3A_131, %get3A_132] {strides = array<i32>} : memref<64x512xf32, #tpu.memory_space<vmem>>, vector<1x16xf32>,
      %get3A_134 = vector.shape_cast %get3A_133 : vector<1x16xf32> to vector<16xf32>
      %max3A_135 = arith.maximumf %max3A_130, %get3A_134 : vector<16xf32>
      %get3A_136 = arith.index_cast %scan3A_107 : i32 to index
      %get3A_137 = arith.constant 96 : index
      %get3A_138 = tpu.vector_load %arg4[%get3A_136, %get3A_137] {strides = array<i32>} : memref<64x512xf32, #tpu.memory_space<vmem>>, vector<1x16xf32>,
      %get3A_139 = vector.shape_cast %get3A_138 : vector<1x16xf32> to vector<16xf32>
      %max3A_140 = arith.maximumf %max3A_135, %get3A_139 : vector<16xf32>
      %get3A_141 = arith.index_cast %scan3A_107 : i32 to index
      %get3A_142 = arith.constant 112 : index
      %get3A_143 = tpu.vector_load %arg4[%get3A_141, %get3A_142] {strides = array<i32>} : memref<64x512xf32, #tpu.memory_space<vmem>>, vector<1x16xf32>,
      %get3A_144 = vector.shape_cast %get3A_143 : vector<1x16xf32> to vector<16xf32>
      %max3A_145 = arith.maximumf %max3A_140, %get3A_144 : vector<16xf32>
      %get3A_146 = arith.index_cast %scan3A_107 : i32 to index
      %get3A_147 = arith.constant 128 : index
      %get3A_148 = tpu.vector_load %arg4[%get3A_146, %get3A_147] {strides = array<i32>} : memref<64x512xf32, #tpu.memory_space<vmem>>, vector<1x16xf32>,
      %get3A_149 = vector.shape_cast %get3A_148 : vector<1x16xf32> to vector<16xf32>
      %max3A_150 = arith.maximumf %max3A_145, %get3A_149 : vector<16xf32>
      %get3A_151 = arith.index_cast %scan3A_107 : i32 to index
      %get3A_152 = arith.constant 144 : index
      %get3A_153 = tpu.vector_load %arg4[%get3A_151, %get3A_152] {strides = array<i32>} : memref<64x512xf32, #tpu.memory_space<vmem>>, vector<1x16xf32>,
      %get3A_154 = vector.shape_cast %get3A_153 : vector<1x16xf32> to vector<16xf32>
      %max3A_155 = arith.maximumf %max3A_150, %get3A_154 : vector<16xf32>
      %get3A_156 = arith.index_cast %scan3A_107 : i32 to index
      %get3A_157 = arith.constant 160 : index
      %get3A_158 = tpu.vector_load %arg4[%get3A_156, %get3A_157] {strides = array<i32>} : memref<64x512xf32, #tpu.memory_space<vmem>>, vector<1x16xf32>,
      %get3A_159 = vector.shape_cast %get3A_158 : vector<1x16xf32> to vector<16xf32>
      %max3A_160 = arith.maximumf %max3A_155, %get3A_159 : vector<16xf32>
      %get3A_161 = arith.index_cast %scan3A_107 : i32 to index
      %get3A_162 = arith.constant 176 : index
      %get3A_163 = tpu.vector_load %arg4[%get3A_161, %get3A_162] {strides = array<i32>} : memref<64x512xf32, #tpu.memory_space<vmem>>, vector<1x16xf32>,
      %get3A_164 = vector.shape_cast %get3A_163 : vector<1x16xf32> to vector<16xf32>
      %max3A_165 = arith.maximumf %max3A_160, %get3A_164 : vector<16xf32>
      %get3A_166 = arith.index_cast %scan3A_107 : i32 to index
      %get3A_167 = arith.constant 192 : index
      %get3A_168 = tpu.vector_load %arg4[%get3A_166, %get3A_167] {strides = array<i32>} : memref<64x512xf32, #tpu.memory_space<vmem>>, vector<1x16xf32>,
      %get3A_169 = vector.shape_cast %get3A_168 : vector<1x16xf32> to vector<16xf32>
      %max3A_170 = arith.maximumf %max3A_165, %get3A_169 : vector<16xf32>
      %get3A_171 = arith.index_cast %scan3A_107 : i32 to index
      %get3A_172 = arith.constant 208 : index
      %get3A_173 = tpu.vector_load %arg4[%get3A_171, %get3A_172] {strides = array<i32>} : memref<64x512xf32, #tpu.memory_space<vmem>>, vector<1x16xf32>,
      %get3A_174 = vector.shape_cast %get3A_173 : vector<1x16xf32> to vector<16xf32>
      %max3A_175 = arith.maximumf %max3A_170, %get3A_174 : vector<16xf32>
      %get3A_176 = arith.index_cast %scan3A_107 : i32 to index
      %get3A_177 = arith.constant 224 : index
      %get3A_178 = tpu.vector_load %arg4[%get3A_176, %get3A_177] {strides = array<i32>} : memref<64x512xf32, #tpu.memory_space<vmem>>, vector<1x16xf32>,
      %get3A_179 = vector.shape_cast %get3A_178 : vector<1x16xf32> to vector<16xf32>
      %max3A_180 = arith.maximumf %max3A_175, %get3A_179 : vector<16xf32>
      %get3A_181 = arith.index_cast %scan3A_107 : i32 to index
      %get3A_182 = arith.constant 240 : index
      %get3A_183 = tpu.vector_load %arg4[%get3A_181, %get3A_182] {strides = array<i32>} : memref<64x512xf32, #tpu.memory_space<vmem>>, vector<1x16xf32>,
      %get3A_184 = vector.shape_cast %get3A_183 : vector<1x16xf32> to vector<16xf32>
      %max3A_185 = arith.maximumf %max3A_180, %get3A_184 : vector<16xf32>
      %get3A_186 = arith.index_cast %scan3A_107 : i32 to index
      %get3A_187 = arith.constant 256 : index
      %get3A_188 = tpu.vector_load %arg4[%get3A_186, %get3A_187] {strides = array<i32>} : memref<64x512xf32, #tpu.memory_space<vmem>>, vector<1x16xf32>,
      %get3A_189 = vector.shape_cast %get3A_188 : vector<1x16xf32> to vector<16xf32>
      %max3A_190 = arith.maximumf %max3A_185, %get3A_189 : vector<16xf32>
      %get3A_191 = arith.index_cast %scan3A_107 : i32 to index
      %get3A_192 = arith.constant 272 : index
      %get3A_193 = tpu.vector_load %arg4[%get3A_191, %get3A_192] {strides = array<i32>} : memref<64x512xf32, #tpu.memory_space<vmem>>, vector<1x16xf32>,
      %get3A_194 = vector.shape_cast %get3A_193 : vector<1x16xf32> to vector<16xf32>
      %max3A_195 = arith.maximumf %max3A_190, %get3A_194 : vector<16xf32>
      %get3A_196 = arith.index_cast %scan3A_107 : i32 to index
      %get3A_197 = arith.constant 288 : index
      %get3A_198 = tpu.vector_load %arg4[%get3A_196, %get3A_197] {strides = array<i32>} : memref<64x512xf32, #tpu.memory_space<vmem>>, vector<1x16xf32>,
      %get3A_199 = vector.shape_cast %get3A_198 : vector<1x16xf32> to vector<16xf32>
      %max3A_200 = arith.maximumf %max3A_195, %get3A_199 : vector<16xf32>
      %get3A_201 = arith.index_cast %scan3A_107 : i32 to index
      %get3A_202 = arith.constant 304 : index
      %get3A_203 = tpu.vector_load %arg4[%get3A_201, %get3A_202] {strides = array<i32>} : memref<64x512xf32, #tpu.memory_space<vmem>>, vector<1x16xf32>,
      %get3A_204 = vector.shape_cast %get3A_203 : vector<1x16xf32> to vector<16xf32>
      %max3A_205 = arith.maximumf %max3A_200, %get3A_204 : vector<16xf32>
      %get3A_206 = arith.index_cast %scan3A_107 : i32 to index
      %get3A_207 = arith.constant 320 : index
      %get3A_208 = tpu.vector_load %arg4[%get3A_206, %get3A_207] {strides = array<i32>} : memref<64x512xf32, #tpu.memory_space<vmem>>, vector<1x16xf32>,
      %get3A_209 = vector.shape_cast %get3A_208 : vector<1x16xf32> to vector<16xf32>
      %max3A_210 = arith.maximumf %max3A_205, %get3A_209 : vector<16xf32>
      %get3A_211 = arith.index_cast %scan3A_107 : i32 to index
      %get3A_212 = arith.constant 336 : index
      %get3A_213 = tpu.vector_load %arg4[%get3A_211, %get3A_212] {strides = array<i32>} : memref<64x512xf32, #tpu.memory_space<vmem>>, vector<1x16xf32>,
      %get3A_214 = vector.shape_cast %get3A_213 : vector<1x16xf32> to vector<16xf32>
      %max3A_215 = arith.maximumf %max3A_210, %get3A_214 : vector<16xf32>
      %get3A_216 = arith.index_cast %scan3A_107 : i32 to index
      %get3A_217 = arith.constant 352 : index
      %get3A_218 = tpu.vector_load %arg4[%get3A_216, %get3A_217] {strides = array<i32>} : memref<64x512xf32, #tpu.memory_space<vmem>>, vector<1x16xf32>,
      %get3A_219 = vector.shape_cast %get3A_218 : vector<1x16xf32> to vector<16xf32>
      %max3A_220 = arith.maximumf %max3A_215, %get3A_219 : vector<16xf32>
      %get3A_221 = arith.index_cast %scan3A_107 : i32 to index
      %get3A_222 = arith.constant 368 : index
      %get3A_223 = tpu.vector_load %arg4[%get3A_221, %get3A_222] {strides = array<i32>} : memref<64x512xf32, #tpu.memory_space<vmem>>, vector<1x16xf32>,
      %get3A_224 = vector.shape_cast %get3A_223 : vector<1x16xf32> to vector<16xf32>
      %max3A_225 = arith.maximumf %max3A_220, %get3A_224 : vector<16xf32>
      %get3A_226 = arith.index_cast %scan3A_107 : i32 to index
      %get3A_227 = arith.constant 384 : index
      %get3A_228 = tpu.vector_load %arg4[%get3A_226, %get3A_227] {strides = array<i32>} : memref<64x512xf32, #tpu.memory_space<vmem>>, vector<1x16xf32>,
      %get3A_229 = vector.shape_cast %get3A_228 : vector<1x16xf32> to vector<16xf32>
      %max3A_230 = arith.maximumf %max3A_225, %get3A_229 : vector<16xf32>
      %get3A_231 = arith.index_cast %scan3A_107 : i32 to index
      %get3A_232 = arith.constant 400 : index
      %get3A_233 = tpu.vector_load %arg4[%get3A_231, %get3A_232] {strides = array<i32>} : memref<64x512xf32, #tpu.memory_space<vmem>>, vector<1x16xf32>,
      %get3A_234 = vector.shape_cast %get3A_233 : vector<1x16xf32> to vector<16xf32>
      %max3A_235 = arith.maximumf %max3A_230, %get3A_234 : vector<16xf32>
      %get3A_236 = arith.index_cast %scan3A_107 : i32 to index
      %get3A_237 = arith.constant 416 : index
      %get3A_238 = tpu.vector_load %arg4[%get3A_236, %get3A_237] {strides = array<i32>} : memref<64x512xf32, #tpu.memory_space<vmem>>, vector<1x16xf32>,
      %get3A_239 = vector.shape_cast %get3A_238 : vector<1x16xf32> to vector<16xf32>
      %max3A_240 = arith.maximumf %max3A_235, %get3A_239 : vector<16xf32>
      %get3A_241 = arith.index_cast %scan3A_107 : i32 to index
      %get3A_242 = arith.constant 432 : index
      %get3A_243 = tpu.vector_load %arg4[%get3A_241, %get3A_242] {strides = array<i32>} : memref<64x512xf32, #tpu.memory_space<vmem>>, vector<1x16xf32>,
      %get3A_244 = vector.shape_cast %get3A_243 : vector<1x16xf32> to vector<16xf32>
      %max3A_245 = arith.maximumf %max3A_240, %get3A_244 : vector<16xf32>
      %get3A_246 = arith.index_cast %scan3A_107 : i32 to index
      %get3A_247 = arith.constant 448 : index
      %get3A_248 = tpu.vector_load %arg4[%get3A_246, %get3A_247] {strides = array<i32>} : memref<64x512xf32, #tpu.memory_space<vmem>>, vector<1x16xf32>,
      %get3A_249 = vector.shape_cast %get3A_248 : vector<1x16xf32> to vector<16xf32>
      %max3A_250 = arith.maximumf %max3A_245, %get3A_249 : vector<16xf32>
      %get3A_251 = arith.index_cast %scan3A_107 : i32 to index
      %get3A_252 = arith.constant 464 : index
      %get3A_253 = tpu.vector_load %arg4[%get3A_251, %get3A_252] {strides = array<i32>} : memref<64x512xf32, #tpu.memory_space<vmem>>, vector<1x16xf32>,
      %get3A_254 = vector.shape_cast %get3A_253 : vector<1x16xf32> to vector<16xf32>
      %max3A_255 = arith.maximumf %max3A_250, %get3A_254 : vector<16xf32>
      %get3A_256 = arith.index_cast %scan3A_107 : i32 to index
      %get3A_257 = arith.constant 480 : index
      %get3A_258 = tpu.vector_load %arg4[%get3A_256, %get3A_257] {strides = array<i32>} : memref<64x512xf32, #tpu.memory_space<vmem>>, vector<1x16xf32>,
      %get3A_259 = vector.shape_cast %get3A_258 : vector<1x16xf32> to vector<16xf32>
      %max3A_260 = arith.maximumf %max3A_255, %get3A_259 : vector<16xf32>
      %get3A_261 = arith.index_cast %scan3A_107 : i32 to index
      %get3A_262 = arith.constant 496 : index
      %get3A_263 = tpu.vector_load %arg4[%get3A_261, %get3A_262] {strides = array<i32>} : memref<64x512xf32, #tpu.memory_space<vmem>>, vector<1x16xf32>,
      %get3A_264 = vector.shape_cast %get3A_263 : vector<1x16xf32> to vector<16xf32>
      %max3A_265 = arith.maximumf %max3A_260, %get3A_264 : vector<16xf32>
      %xor3A = arith.constant 8 : i32
      %xor3A_266 = vector.broadcast %xor3A : i32 to vector<16xi32>
      %xor3A_267 = arith.xori %iota3A, %xor3A_266 : vector<16xi32>
      %broadcast_in_dim3A_268 = vector.shape_cast %xor3A_267 : vector<16xi32> to vector<16x1xi32>
      %gather3A = vector.shape_cast %broadcast_in_dim3A_268 : vector<16x1xi32> to vector<16xi32>
      %gather3A_269 = tpu.dynamic_gather %max3A_265[%gather3A] in [0] : vector<16xf32>, vector<16xi32> -> vector<16xf32>
      %max3A_270 = arith.maximumf %max3A_265, %gather3A_269 : vector<16xf32>
      %xor3A_271 = arith.constant 4 : i32
      %xor3A_272 = vector.broadcast %xor3A_271 : i32 to vector<16xi32>
      %xor3A_273 = arith.xori %iota3A, %xor3A_272 : vector<16xi32>
      %broadcast_in_dim3A_274 = vector.shape_cast %xor3A_273 : vector<16xi32> to vector<16x1xi32>
      %gather3A_275 = vector.shape_cast %broadcast_in_dim3A_274 : vector<16x1xi32> to vector<16xi32>
      %gather3A_276 = tpu.dynamic_gather %max3A_270[%gather3A_275] in [0] : vector<16xf32>, vector<16xi32> -> vector<16xf32>
      %max3A_277 = arith.maximumf %max3A_270, %gather3A_276 : vector<16xf32>
      %xor3A_278 = arith.constant 2 : i32
      %xor3A_279 = vector.broadcast %xor3A_278 : i32 to vector<16xi32>
      %xor3A_280 = arith.xori %iota3A, %xor3A_279 : vector<16xi32>
      %broadcast_in_dim3A_281 = vector.shape_cast %xor3A_280 : vector<16xi32> to vector<16x1xi32>
      %gather3A_282 = vector.shape_cast %broadcast_in_dim3A_281 : vector<16x1xi32> to vector<16xi32>
      %gather3A_283 = tpu.dynamic_gather %max3A_277[%gather3A_282] in [0] : vector<16xf32>, vector<16xi32> -> vector<16xf32>
      %max3A_284 = arith.maximumf %max3A_277, %gather3A_283 : vector<16xf32>
      %xor3A_285 = arith.constant 1 : i32
      %xor3A_286 = vector.broadcast %xor3A_285 : i32 to vector<16xi32>
      %xor3A_287 = arith.xori %iota3A, %xor3A_286 : vector<16xi32>
      %broadcast_in_dim3A_288 = vector.shape_cast %xor3A_287 : vector<16xi32> to vector<16x1xi32>
      %gather3A_289 = vector.shape_cast %broadcast_in_dim3A_288 : vector<16x1xi32> to vector<16xi32>
      %gather3A_290 = tpu.dynamic_gather %max3A_284[%gather3A_289] in [0] : vector<16xf32>, vector<16xi32> -> vector<16xf32>
      %max3A_291 = arith.maximumf %max3A_284, %gather3A_290 : vector<16xf32>
      %add3A_292 = arith.addf %scan3A_108, %max3A_291 : vector<16xf32>
      scf.yield %add3A_292 : vector<16xf32>
    }
    %scan3A_73 = arith.constant 64 : i32
    %eq3A_74 = arith.constant 5 : i32
    %eq3A_75 = vector.broadcast %eq3A_74 : i32 to vector<16xi32>
    %eq3A_76 = arith.cmpi eq, %iota3A, %eq3A_75 : vector<16xi32>
    %select_n3A_77 = arith.select %eq3A_76, %scan3A_72, %select_n3A_64 : vector<16xi1>, vector<16xf32>
    %run_scoped3A_78 = arith.constant 46 : i32
    "tpu.region"() ({
      %run_scoped3A_107 = tpu.sem_alloc : memref<!tpu.dma_semaphore, #tpu.memory_space<semaphore_mem>>
      %dma_start3A = arith.constant 0 : i32
      %dma_start3A_108 = tpu.memref_slice %arg2[%run_scoped3A_78, %mul3A_2, %dma_start3A] : memref<48x2048x512xf32, #tpu.memory_space<hbm>> -> memref<1x64x512xf32, #tpu.memory_space<hbm>>
      %dma_start3A_109 = tpu.memref_squeeze %dma_start3A_108 : memref<1x64x512xf32, #tpu.memory_space<hbm>> -> memref<64x512xf32, #tpu.memory_space<hbm>>
      %dma_start3A_110 = arith.constant 0 : i32
      %dma_start3A_111 = tpu.memref_slice %arg2[%run_scoped3A_78, %mul3A_2, %dma_start3A_110] : memref<48x2048x512xf32, #tpu.memory_space<hbm>> -> memref<1x64x512xf32, #tpu.memory_space<hbm>>
      %dma_start3A_112 = tpu.memref_squeeze %dma_start3A_111 : memref<1x64x512xf32, #tpu.memory_space<hbm>> -> memref<64x512xf32, #tpu.memory_space<hbm>>
      tpu.enqueue_dma source(%dma_start3A_112 : memref<64x512xf32, #tpu.memory_space<hbm>>) target(%arg4 : memref<64x512xf32, #tpu.memory_space<vmem>>) target_semaphore(%run_scoped3A_107 : memref<!tpu.dma_semaphore, #tpu.memory_space<semaphore_mem>>)
      %dma_wait3A = arith.constant 0 : i32
      %dma_wait3A_113 = tpu.memref_slice %arg2[%run_scoped3A_78, %mul3A_2, %dma_wait3A] : memref<48x2048x512xf32, #tpu.memory_space<hbm>> -> memref<1x64x512xf32, #tpu.memory_space<hbm>>
      %dma_wait3A_114 = tpu.memref_squeeze %dma_wait3A_113 : memref<1x64x512xf32, #tpu.memory_space<hbm>> -> memref<64x512xf32, #tpu.memory_space<hbm>>
      %dma_wait3A_115 = arith.constant 0 : i32
      %dma_wait3A_116 = tpu.memref_slice %arg2[%run_scoped3A_78, %mul3A_2, %dma_wait3A_115] : memref<48x2048x512xf32, #tpu.memory_space<hbm>> -> memref<1x64x512xf32, #tpu.memory_space<hbm>>
      %dma_wait3A_117 = tpu.memref_squeeze %dma_wait3A_116 : memref<1x64x512xf32, #tpu.memory_space<hbm>> -> memref<64x512xf32, #tpu.memory_space<hbm>>
      tpu.wait_dma2 semaphore(%run_scoped3A_107 : memref<!tpu.dma_semaphore, #tpu.memory_space<semaphore_mem>>) src(%dma_wait3A_117 : memref<64x512xf32, #tpu.memory_space<hbm>>) dst(%arg4 : memref<64x512xf32, #tpu.memory_space<vmem>>)
      tpu.yield
    }) : () -> ()
    %broadcast_in_dim3A_79 = arith.constant 0.000000e+00 : f32
    %broadcast_in_dim3A_80 = vector.broadcast %broadcast_in_dim3A_79 : f32 to vector<16xf32>
    %scan3A_81 = arith.constant 0 : i32
    %scan3A_82 = arith.constant 64 : i32
    %scan3A_83 = arith.addi %scan3A_81, %scan3A_82 : i32
    %scan3A_84 = arith.constant 1 : i32
    %scan3A_85 = scf.for %scan3A_107 = %scan3A_81 to %scan3A_83 step %scan3A_84 iter_args(%scan3A_108 = %broadcast_in_dim3A_80) -> (vector<16xf32>)  : i32 {
      %get3A = arith.index_cast %scan3A_107 : i32 to index
      %get3A_109 = arith.constant 0 : index
      %get3A_110 = tpu.vector_load %arg4[%get3A, %get3A_109] {strides = array<i32>} : memref<64x512xf32, #tpu.memory_space<vmem>>, vector<1x16xf32>,
      %get3A_111 = vector.shape_cast %get3A_110 : vector<1x16xf32> to vector<16xf32>
      %get3A_112 = arith.index_cast %scan3A_107 : i32 to index
      %get3A_113 = arith.constant 16 : index
      %get3A_114 = tpu.vector_load %arg4[%get3A_112, %get3A_113] {strides = array<i32>} : memref<64x512xf32, #tpu.memory_space<vmem>>, vector<1x16xf32>,
      %get3A_115 = vector.shape_cast %get3A_114 : vector<1x16xf32> to vector<16xf32>
      %max3A = arith.maximumf %get3A_111, %get3A_115 : vector<16xf32>
      %get3A_116 = arith.index_cast %scan3A_107 : i32 to index
      %get3A_117 = arith.constant 32 : index
      %get3A_118 = tpu.vector_load %arg4[%get3A_116, %get3A_117] {strides = array<i32>} : memref<64x512xf32, #tpu.memory_space<vmem>>, vector<1x16xf32>,
      %get3A_119 = vector.shape_cast %get3A_118 : vector<1x16xf32> to vector<16xf32>
      %max3A_120 = arith.maximumf %max3A, %get3A_119 : vector<16xf32>
      %get3A_121 = arith.index_cast %scan3A_107 : i32 to index
      %get3A_122 = arith.constant 48 : index
      %get3A_123 = tpu.vector_load %arg4[%get3A_121, %get3A_122] {strides = array<i32>} : memref<64x512xf32, #tpu.memory_space<vmem>>, vector<1x16xf32>,
      %get3A_124 = vector.shape_cast %get3A_123 : vector<1x16xf32> to vector<16xf32>
      %max3A_125 = arith.maximumf %max3A_120, %get3A_124 : vector<16xf32>
      %get3A_126 = arith.index_cast %scan3A_107 : i32 to index
      %get3A_127 = arith.constant 64 : index
      %get3A_128 = tpu.vector_load %arg4[%get3A_126, %get3A_127] {strides = array<i32>} : memref<64x512xf32, #tpu.memory_space<vmem>>, vector<1x16xf32>,
      %get3A_129 = vector.shape_cast %get3A_128 : vector<1x16xf32> to vector<16xf32>
      %max3A_130 = arith.maximumf %max3A_125, %get3A_129 : vector<16xf32>
      %get3A_131 = arith.index_cast %scan3A_107 : i32 to index
      %get3A_132 = arith.constant 80 : index
      %get3A_133 = tpu.vector_load %arg4[%get3A_131, %get3A_132] {strides = array<i32>} : memref<64x512xf32, #tpu.memory_space<vmem>>, vector<1x16xf32>,
      %get3A_134 = vector.shape_cast %get3A_133 : vector<1x16xf32> to vector<16xf32>
      %max3A_135 = arith.maximumf %max3A_130, %get3A_134 : vector<16xf32>
      %get3A_136 = arith.index_cast %scan3A_107 : i32 to index
      %get3A_137 = arith.constant 96 : index
      %get3A_138 = tpu.vector_load %arg4[%get3A_136, %get3A_137] {strides = array<i32>} : memref<64x512xf32, #tpu.memory_space<vmem>>, vector<1x16xf32>,
      %get3A_139 = vector.shape_cast %get3A_138 : vector<1x16xf32> to vector<16xf32>
      %max3A_140 = arith.maximumf %max3A_135, %get3A_139 : vector<16xf32>
      %get3A_141 = arith.index_cast %scan3A_107 : i32 to index
      %get3A_142 = arith.constant 112 : index
      %get3A_143 = tpu.vector_load %arg4[%get3A_141, %get3A_142] {strides = array<i32>} : memref<64x512xf32, #tpu.memory_space<vmem>>, vector<1x16xf32>,
      %get3A_144 = vector.shape_cast %get3A_143 : vector<1x16xf32> to vector<16xf32>
      %max3A_145 = arith.maximumf %max3A_140, %get3A_144 : vector<16xf32>
      %get3A_146 = arith.index_cast %scan3A_107 : i32 to index
      %get3A_147 = arith.constant 128 : index
      %get3A_148 = tpu.vector_load %arg4[%get3A_146, %get3A_147] {strides = array<i32>} : memref<64x512xf32, #tpu.memory_space<vmem>>, vector<1x16xf32>,
      %get3A_149 = vector.shape_cast %get3A_148 : vector<1x16xf32> to vector<16xf32>
      %max3A_150 = arith.maximumf %max3A_145, %get3A_149 : vector<16xf32>
      %get3A_151 = arith.index_cast %scan3A_107 : i32 to index
      %get3A_152 = arith.constant 144 : index
      %get3A_153 = tpu.vector_load %arg4[%get3A_151, %get3A_152] {strides = array<i32>} : memref<64x512xf32, #tpu.memory_space<vmem>>, vector<1x16xf32>,
      %get3A_154 = vector.shape_cast %get3A_153 : vector<1x16xf32> to vector<16xf32>
      %max3A_155 = arith.maximumf %max3A_150, %get3A_154 : vector<16xf32>
      %get3A_156 = arith.index_cast %scan3A_107 : i32 to index
      %get3A_157 = arith.constant 160 : index
      %get3A_158 = tpu.vector_load %arg4[%get3A_156, %get3A_157] {strides = array<i32>} : memref<64x512xf32, #tpu.memory_space<vmem>>, vector<1x16xf32>,
      %get3A_159 = vector.shape_cast %get3A_158 : vector<1x16xf32> to vector<16xf32>
      %max3A_160 = arith.maximumf %max3A_155, %get3A_159 : vector<16xf32>
      %get3A_161 = arith.index_cast %scan3A_107 : i32 to index
      %get3A_162 = arith.constant 176 : index
      %get3A_163 = tpu.vector_load %arg4[%get3A_161, %get3A_162] {strides = array<i32>} : memref<64x512xf32, #tpu.memory_space<vmem>>, vector<1x16xf32>,
      %get3A_164 = vector.shape_cast %get3A_163 : vector<1x16xf32> to vector<16xf32>
      %max3A_165 = arith.maximumf %max3A_160, %get3A_164 : vector<16xf32>
      %get3A_166 = arith.index_cast %scan3A_107 : i32 to index
      %get3A_167 = arith.constant 192 : index
      %get3A_168 = tpu.vector_load %arg4[%get3A_166, %get3A_167] {strides = array<i32>} : memref<64x512xf32, #tpu.memory_space<vmem>>, vector<1x16xf32>,
      %get3A_169 = vector.shape_cast %get3A_168 : vector<1x16xf32> to vector<16xf32>
      %max3A_170 = arith.maximumf %max3A_165, %get3A_169 : vector<16xf32>
      %get3A_171 = arith.index_cast %scan3A_107 : i32 to index
      %get3A_172 = arith.constant 208 : index
      %get3A_173 = tpu.vector_load %arg4[%get3A_171, %get3A_172] {strides = array<i32>} : memref<64x512xf32, #tpu.memory_space<vmem>>, vector<1x16xf32>,
      %get3A_174 = vector.shape_cast %get3A_173 : vector<1x16xf32> to vector<16xf32>
      %max3A_175 = arith.maximumf %max3A_170, %get3A_174 : vector<16xf32>
      %get3A_176 = arith.index_cast %scan3A_107 : i32 to index
      %get3A_177 = arith.constant 224 : index
      %get3A_178 = tpu.vector_load %arg4[%get3A_176, %get3A_177] {strides = array<i32>} : memref<64x512xf32, #tpu.memory_space<vmem>>, vector<1x16xf32>,
      %get3A_179 = vector.shape_cast %get3A_178 : vector<1x16xf32> to vector<16xf32>
      %max3A_180 = arith.maximumf %max3A_175, %get3A_179 : vector<16xf32>
      %get3A_181 = arith.index_cast %scan3A_107 : i32 to index
      %get3A_182 = arith.constant 240 : index
      %get3A_183 = tpu.vector_load %arg4[%get3A_181, %get3A_182] {strides = array<i32>} : memref<64x512xf32, #tpu.memory_space<vmem>>, vector<1x16xf32>,
      %get3A_184 = vector.shape_cast %get3A_183 : vector<1x16xf32> to vector<16xf32>
      %max3A_185 = arith.maximumf %max3A_180, %get3A_184 : vector<16xf32>
      %get3A_186 = arith.index_cast %scan3A_107 : i32 to index
      %get3A_187 = arith.constant 256 : index
      %get3A_188 = tpu.vector_load %arg4[%get3A_186, %get3A_187] {strides = array<i32>} : memref<64x512xf32, #tpu.memory_space<vmem>>, vector<1x16xf32>,
      %get3A_189 = vector.shape_cast %get3A_188 : vector<1x16xf32> to vector<16xf32>
      %max3A_190 = arith.maximumf %max3A_185, %get3A_189 : vector<16xf32>
      %get3A_191 = arith.index_cast %scan3A_107 : i32 to index
      %get3A_192 = arith.constant 272 : index
      %get3A_193 = tpu.vector_load %arg4[%get3A_191, %get3A_192] {strides = array<i32>} : memref<64x512xf32, #tpu.memory_space<vmem>>, vector<1x16xf32>,
      %get3A_194 = vector.shape_cast %get3A_193 : vector<1x16xf32> to vector<16xf32>
      %max3A_195 = arith.maximumf %max3A_190, %get3A_194 : vector<16xf32>
      %get3A_196 = arith.index_cast %scan3A_107 : i32 to index
      %get3A_197 = arith.constant 288 : index
      %get3A_198 = tpu.vector_load %arg4[%get3A_196, %get3A_197] {strides = array<i32>} : memref<64x512xf32, #tpu.memory_space<vmem>>, vector<1x16xf32>,
      %get3A_199 = vector.shape_cast %get3A_198 : vector<1x16xf32> to vector<16xf32>
      %max3A_200 = arith.maximumf %max3A_195, %get3A_199 : vector<16xf32>
      %get3A_201 = arith.index_cast %scan3A_107 : i32 to index
      %get3A_202 = arith.constant 304 : index
      %get3A_203 = tpu.vector_load %arg4[%get3A_201, %get3A_202] {strides = array<i32>} : memref<64x512xf32, #tpu.memory_space<vmem>>, vector<1x16xf32>,
      %get3A_204 = vector.shape_cast %get3A_203 : vector<1x16xf32> to vector<16xf32>
      %max3A_205 = arith.maximumf %max3A_200, %get3A_204 : vector<16xf32>
      %get3A_206 = arith.index_cast %scan3A_107 : i32 to index
      %get3A_207 = arith.constant 320 : index
      %get3A_208 = tpu.vector_load %arg4[%get3A_206, %get3A_207] {strides = array<i32>} : memref<64x512xf32, #tpu.memory_space<vmem>>, vector<1x16xf32>,
      %get3A_209 = vector.shape_cast %get3A_208 : vector<1x16xf32> to vector<16xf32>
      %max3A_210 = arith.maximumf %max3A_205, %get3A_209 : vector<16xf32>
      %get3A_211 = arith.index_cast %scan3A_107 : i32 to index
      %get3A_212 = arith.constant 336 : index
      %get3A_213 = tpu.vector_load %arg4[%get3A_211, %get3A_212] {strides = array<i32>} : memref<64x512xf32, #tpu.memory_space<vmem>>, vector<1x16xf32>,
      %get3A_214 = vector.shape_cast %get3A_213 : vector<1x16xf32> to vector<16xf32>
      %max3A_215 = arith.maximumf %max3A_210, %get3A_214 : vector<16xf32>
      %get3A_216 = arith.index_cast %scan3A_107 : i32 to index
      %get3A_217 = arith.constant 352 : index
      %get3A_218 = tpu.vector_load %arg4[%get3A_216, %get3A_217] {strides = array<i32>} : memref<64x512xf32, #tpu.memory_space<vmem>>, vector<1x16xf32>,
      %get3A_219 = vector.shape_cast %get3A_218 : vector<1x16xf32> to vector<16xf32>
      %max3A_220 = arith.maximumf %max3A_215, %get3A_219 : vector<16xf32>
      %get3A_221 = arith.index_cast %scan3A_107 : i32 to index
      %get3A_222 = arith.constant 368 : index
      %get3A_223 = tpu.vector_load %arg4[%get3A_221, %get3A_222] {strides = array<i32>} : memref<64x512xf32, #tpu.memory_space<vmem>>, vector<1x16xf32>,
      %get3A_224 = vector.shape_cast %get3A_223 : vector<1x16xf32> to vector<16xf32>
      %max3A_225 = arith.maximumf %max3A_220, %get3A_224 : vector<16xf32>
      %get3A_226 = arith.index_cast %scan3A_107 : i32 to index
      %get3A_227 = arith.constant 384 : index
      %get3A_228 = tpu.vector_load %arg4[%get3A_226, %get3A_227] {strides = array<i32>} : memref<64x512xf32, #tpu.memory_space<vmem>>, vector<1x16xf32>,
      %get3A_229 = vector.shape_cast %get3A_228 : vector<1x16xf32> to vector<16xf32>
      %max3A_230 = arith.maximumf %max3A_225, %get3A_229 : vector<16xf32>
      %get3A_231 = arith.index_cast %scan3A_107 : i32 to index
      %get3A_232 = arith.constant 400 : index
      %get3A_233 = tpu.vector_load %arg4[%get3A_231, %get3A_232] {strides = array<i32>} : memref<64x512xf32, #tpu.memory_space<vmem>>, vector<1x16xf32>,
      %get3A_234 = vector.shape_cast %get3A_233 : vector<1x16xf32> to vector<16xf32>
      %max3A_235 = arith.maximumf %max3A_230, %get3A_234 : vector<16xf32>
      %get3A_236 = arith.index_cast %scan3A_107 : i32 to index
      %get3A_237 = arith.constant 416 : index
      %get3A_238 = tpu.vector_load %arg4[%get3A_236, %get3A_237] {strides = array<i32>} : memref<64x512xf32, #tpu.memory_space<vmem>>, vector<1x16xf32>,
      %get3A_239 = vector.shape_cast %get3A_238 : vector<1x16xf32> to vector<16xf32>
      %max3A_240 = arith.maximumf %max3A_235, %get3A_239 : vector<16xf32>
      %get3A_241 = arith.index_cast %scan3A_107 : i32 to index
      %get3A_242 = arith.constant 432 : index
      %get3A_243 = tpu.vector_load %arg4[%get3A_241, %get3A_242] {strides = array<i32>} : memref<64x512xf32, #tpu.memory_space<vmem>>, vector<1x16xf32>,
      %get3A_244 = vector.shape_cast %get3A_243 : vector<1x16xf32> to vector<16xf32>
      %max3A_245 = arith.maximumf %max3A_240, %get3A_244 : vector<16xf32>
      %get3A_246 = arith.index_cast %scan3A_107 : i32 to index
      %get3A_247 = arith.constant 448 : index
      %get3A_248 = tpu.vector_load %arg4[%get3A_246, %get3A_247] {strides = array<i32>} : memref<64x512xf32, #tpu.memory_space<vmem>>, vector<1x16xf32>,
      %get3A_249 = vector.shape_cast %get3A_248 : vector<1x16xf32> to vector<16xf32>
      %max3A_250 = arith.maximumf %max3A_245, %get3A_249 : vector<16xf32>
      %get3A_251 = arith.index_cast %scan3A_107 : i32 to index
      %get3A_252 = arith.constant 464 : index
      %get3A_253 = tpu.vector_load %arg4[%get3A_251, %get3A_252] {strides = array<i32>} : memref<64x512xf32, #tpu.memory_space<vmem>>, vector<1x16xf32>,
      %get3A_254 = vector.shape_cast %get3A_253 : vector<1x16xf32> to vector<16xf32>
      %max3A_255 = arith.maximumf %max3A_250, %get3A_254 : vector<16xf32>
      %get3A_256 = arith.index_cast %scan3A_107 : i32 to index
      %get3A_257 = arith.constant 480 : index
      %get3A_258 = tpu.vector_load %arg4[%get3A_256, %get3A_257] {strides = array<i32>} : memref<64x512xf32, #tpu.memory_space<vmem>>, vector<1x16xf32>,
      %get3A_259 = vector.shape_cast %get3A_258 : vector<1x16xf32> to vector<16xf32>
      %max3A_260 = arith.maximumf %max3A_255, %get3A_259 : vector<16xf32>
      %get3A_261 = arith.index_cast %scan3A_107 : i32 to index
      %get3A_262 = arith.constant 496 : index
      %get3A_263 = tpu.vector_load %arg4[%get3A_261, %get3A_262] {strides = array<i32>} : memref<64x512xf32, #tpu.memory_space<vmem>>, vector<1x16xf32>,
      %get3A_264 = vector.shape_cast %get3A_263 : vector<1x16xf32> to vector<16xf32>
      %max3A_265 = arith.maximumf %max3A_260, %get3A_264 : vector<16xf32>
      %xor3A = arith.constant 8 : i32
      %xor3A_266 = vector.broadcast %xor3A : i32 to vector<16xi32>
      %xor3A_267 = arith.xori %iota3A, %xor3A_266 : vector<16xi32>
      %broadcast_in_dim3A_268 = vector.shape_cast %xor3A_267 : vector<16xi32> to vector<16x1xi32>
      %gather3A = vector.shape_cast %broadcast_in_dim3A_268 : vector<16x1xi32> to vector<16xi32>
      %gather3A_269 = tpu.dynamic_gather %max3A_265[%gather3A] in [0] : vector<16xf32>, vector<16xi32> -> vector<16xf32>
      %max3A_270 = arith.maximumf %max3A_265, %gather3A_269 : vector<16xf32>
      %xor3A_271 = arith.constant 4 : i32
      %xor3A_272 = vector.broadcast %xor3A_271 : i32 to vector<16xi32>
      %xor3A_273 = arith.xori %iota3A, %xor3A_272 : vector<16xi32>
      %broadcast_in_dim3A_274 = vector.shape_cast %xor3A_273 : vector<16xi32> to vector<16x1xi32>
      %gather3A_275 = vector.shape_cast %broadcast_in_dim3A_274 : vector<16x1xi32> to vector<16xi32>
      %gather3A_276 = tpu.dynamic_gather %max3A_270[%gather3A_275] in [0] : vector<16xf32>, vector<16xi32> -> vector<16xf32>
      %max3A_277 = arith.maximumf %max3A_270, %gather3A_276 : vector<16xf32>
      %xor3A_278 = arith.constant 2 : i32
      %xor3A_279 = vector.broadcast %xor3A_278 : i32 to vector<16xi32>
      %xor3A_280 = arith.xori %iota3A, %xor3A_279 : vector<16xi32>
      %broadcast_in_dim3A_281 = vector.shape_cast %xor3A_280 : vector<16xi32> to vector<16x1xi32>
      %gather3A_282 = vector.shape_cast %broadcast_in_dim3A_281 : vector<16x1xi32> to vector<16xi32>
      %gather3A_283 = tpu.dynamic_gather %max3A_277[%gather3A_282] in [0] : vector<16xf32>, vector<16xi32> -> vector<16xf32>
      %max3A_284 = arith.maximumf %max3A_277, %gather3A_283 : vector<16xf32>
      %xor3A_285 = arith.constant 1 : i32
      %xor3A_286 = vector.broadcast %xor3A_285 : i32 to vector<16xi32>
      %xor3A_287 = arith.xori %iota3A, %xor3A_286 : vector<16xi32>
      %broadcast_in_dim3A_288 = vector.shape_cast %xor3A_287 : vector<16xi32> to vector<16x1xi32>
      %gather3A_289 = vector.shape_cast %broadcast_in_dim3A_288 : vector<16x1xi32> to vector<16xi32>
      %gather3A_290 = tpu.dynamic_gather %max3A_284[%gather3A_289] in [0] : vector<16xf32>, vector<16xi32> -> vector<16xf32>
      %max3A_291 = arith.maximumf %max3A_284, %gather3A_290 : vector<16xf32>
      %add3A_292 = arith.addf %scan3A_108, %max3A_291 : vector<16xf32>
      scf.yield %add3A_292 : vector<16xf32>
    }
    %scan3A_86 = arith.constant 64 : i32
    %eq3A_87 = arith.constant 6 : i32
    %eq3A_88 = vector.broadcast %eq3A_87 : i32 to vector<16xi32>
    %eq3A_89 = arith.cmpi eq, %iota3A, %eq3A_88 : vector<16xi32>
    %select_n3A_90 = arith.select %eq3A_89, %scan3A_85, %select_n3A_77 : vector<16xi1>, vector<16xf32>
    %run_scoped3A_91 = arith.constant 47 : i32
    "tpu.region"() ({
      %run_scoped3A_107 = tpu.sem_alloc : memref<!tpu.dma_semaphore, #tpu.memory_space<semaphore_mem>>
      %dma_start3A = arith.constant 0 : i32
      %dma_start3A_108 = tpu.memref_slice %arg2[%run_scoped3A_91, %mul3A_2, %dma_start3A] : memref<48x2048x512xf32, #tpu.memory_space<hbm>> -> memref<1x64x512xf32, #tpu.memory_space<hbm>>
      %dma_start3A_109 = tpu.memref_squeeze %dma_start3A_108 : memref<1x64x512xf32, #tpu.memory_space<hbm>> -> memref<64x512xf32, #tpu.memory_space<hbm>>
      %dma_start3A_110 = arith.constant 0 : i32
      %dma_start3A_111 = tpu.memref_slice %arg2[%run_scoped3A_91, %mul3A_2, %dma_start3A_110] : memref<48x2048x512xf32, #tpu.memory_space<hbm>> -> memref<1x64x512xf32, #tpu.memory_space<hbm>>
      %dma_start3A_112 = tpu.memref_squeeze %dma_start3A_111 : memref<1x64x512xf32, #tpu.memory_space<hbm>> -> memref<64x512xf32, #tpu.memory_space<hbm>>
      tpu.enqueue_dma source(%dma_start3A_112 : memref<64x512xf32, #tpu.memory_space<hbm>>) target(%arg4 : memref<64x512xf32, #tpu.memory_space<vmem>>) target_semaphore(%run_scoped3A_107 : memref<!tpu.dma_semaphore, #tpu.memory_space<semaphore_mem>>)
      %dma_wait3A = arith.constant 0 : i32
      %dma_wait3A_113 = tpu.memref_slice %arg2[%run_scoped3A_91, %mul3A_2, %dma_wait3A] : memref<48x2048x512xf32, #tpu.memory_space<hbm>> -> memref<1x64x512xf32, #tpu.memory_space<hbm>>
      %dma_wait3A_114 = tpu.memref_squeeze %dma_wait3A_113 : memref<1x64x512xf32, #tpu.memory_space<hbm>> -> memref<64x512xf32, #tpu.memory_space<hbm>>
      %dma_wait3A_115 = arith.constant 0 : i32
      %dma_wait3A_116 = tpu.memref_slice %arg2[%run_scoped3A_91, %mul3A_2, %dma_wait3A_115] : memref<48x2048x512xf32, #tpu.memory_space<hbm>> -> memref<1x64x512xf32, #tpu.memory_space<hbm>>
      %dma_wait3A_117 = tpu.memref_squeeze %dma_wait3A_116 : memref<1x64x512xf32, #tpu.memory_space<hbm>> -> memref<64x512xf32, #tpu.memory_space<hbm>>
      tpu.wait_dma2 semaphore(%run_scoped3A_107 : memref<!tpu.dma_semaphore, #tpu.memory_space<semaphore_mem>>) src(%dma_wait3A_117 : memref<64x512xf32, #tpu.memory_space<hbm>>) dst(%arg4 : memref<64x512xf32, #tpu.memory_space<vmem>>)
      tpu.yield
    }) : () -> ()
    %broadcast_in_dim3A_92 = arith.constant 0.000000e+00 : f32
    %broadcast_in_dim3A_93 = vector.broadcast %broadcast_in_dim3A_92 : f32 to vector<16xf32>
    %scan3A_94 = arith.constant 0 : i32
    %scan3A_95 = arith.constant 64 : i32
    %scan3A_96 = arith.addi %scan3A_94, %scan3A_95 : i32
    %scan3A_97 = arith.constant 1 : i32
    %scan3A_98 = scf.for %scan3A_107 = %scan3A_94 to %scan3A_96 step %scan3A_97 iter_args(%scan3A_108 = %broadcast_in_dim3A_93) -> (vector<16xf32>)  : i32 {
      %get3A = arith.index_cast %scan3A_107 : i32 to index
      %get3A_109 = arith.constant 0 : index
      %get3A_110 = tpu.vector_load %arg4[%get3A, %get3A_109] {strides = array<i32>} : memref<64x512xf32, #tpu.memory_space<vmem>>, vector<1x16xf32>,
      %get3A_111 = vector.shape_cast %get3A_110 : vector<1x16xf32> to vector<16xf32>
      %get3A_112 = arith.index_cast %scan3A_107 : i32 to index
      %get3A_113 = arith.constant 16 : index
      %get3A_114 = tpu.vector_load %arg4[%get3A_112, %get3A_113] {strides = array<i32>} : memref<64x512xf32, #tpu.memory_space<vmem>>, vector<1x16xf32>,
      %get3A_115 = vector.shape_cast %get3A_114 : vector<1x16xf32> to vector<16xf32>
      %max3A = arith.maximumf %get3A_111, %get3A_115 : vector<16xf32>
      %get3A_116 = arith.index_cast %scan3A_107 : i32 to index
      %get3A_117 = arith.constant 32 : index
      %get3A_118 = tpu.vector_load %arg4[%get3A_116, %get3A_117] {strides = array<i32>} : memref<64x512xf32, #tpu.memory_space<vmem>>, vector<1x16xf32>,
      %get3A_119 = vector.shape_cast %get3A_118 : vector<1x16xf32> to vector<16xf32>
      %max3A_120 = arith.maximumf %max3A, %get3A_119 : vector<16xf32>
      %get3A_121 = arith.index_cast %scan3A_107 : i32 to index
      %get3A_122 = arith.constant 48 : index
      %get3A_123 = tpu.vector_load %arg4[%get3A_121, %get3A_122] {strides = array<i32>} : memref<64x512xf32, #tpu.memory_space<vmem>>, vector<1x16xf32>,
      %get3A_124 = vector.shape_cast %get3A_123 : vector<1x16xf32> to vector<16xf32>
      %max3A_125 = arith.maximumf %max3A_120, %get3A_124 : vector<16xf32>
      %get3A_126 = arith.index_cast %scan3A_107 : i32 to index
      %get3A_127 = arith.constant 64 : index
      %get3A_128 = tpu.vector_load %arg4[%get3A_126, %get3A_127] {strides = array<i32>} : memref<64x512xf32, #tpu.memory_space<vmem>>, vector<1x16xf32>,
      %get3A_129 = vector.shape_cast %get3A_128 : vector<1x16xf32> to vector<16xf32>
      %max3A_130 = arith.maximumf %max3A_125, %get3A_129 : vector<16xf32>
      %get3A_131 = arith.index_cast %scan3A_107 : i32 to index
      %get3A_132 = arith.constant 80 : index
      %get3A_133 = tpu.vector_load %arg4[%get3A_131, %get3A_132] {strides = array<i32>} : memref<64x512xf32, #tpu.memory_space<vmem>>, vector<1x16xf32>,
      %get3A_134 = vector.shape_cast %get3A_133 : vector<1x16xf32> to vector<16xf32>
      %max3A_135 = arith.maximumf %max3A_130, %get3A_134 : vector<16xf32>
      %get3A_136 = arith.index_cast %scan3A_107 : i32 to index
      %get3A_137 = arith.constant 96 : index
      %get3A_138 = tpu.vector_load %arg4[%get3A_136, %get3A_137] {strides = array<i32>} : memref<64x512xf32, #tpu.memory_space<vmem>>, vector<1x16xf32>,
      %get3A_139 = vector.shape_cast %get3A_138 : vector<1x16xf32> to vector<16xf32>
      %max3A_140 = arith.maximumf %max3A_135, %get3A_139 : vector<16xf32>
      %get3A_141 = arith.index_cast %scan3A_107 : i32 to index
      %get3A_142 = arith.constant 112 : index
      %get3A_143 = tpu.vector_load %arg4[%get3A_141, %get3A_142] {strides = array<i32>} : memref<64x512xf32, #tpu.memory_space<vmem>>, vector<1x16xf32>,
      %get3A_144 = vector.shape_cast %get3A_143 : vector<1x16xf32> to vector<16xf32>
      %max3A_145 = arith.maximumf %max3A_140, %get3A_144 : vector<16xf32>
      %get3A_146 = arith.index_cast %scan3A_107 : i32 to index
      %get3A_147 = arith.constant 128 : index
      %get3A_148 = tpu.vector_load %arg4[%get3A_146, %get3A_147] {strides = array<i32>} : memref<64x512xf32, #tpu.memory_space<vmem>>, vector<1x16xf32>,
      %get3A_149 = vector.shape_cast %get3A_148 : vector<1x16xf32> to vector<16xf32>
      %max3A_150 = arith.maximumf %max3A_145, %get3A_149 : vector<16xf32>
      %get3A_151 = arith.index_cast %scan3A_107 : i32 to index
      %get3A_152 = arith.constant 144 : index
      %get3A_153 = tpu.vector_load %arg4[%get3A_151, %get3A_152] {strides = array<i32>} : memref<64x512xf32, #tpu.memory_space<vmem>>, vector<1x16xf32>,
      %get3A_154 = vector.shape_cast %get3A_153 : vector<1x16xf32> to vector<16xf32>
      %max3A_155 = arith.maximumf %max3A_150, %get3A_154 : vector<16xf32>
      %get3A_156 = arith.index_cast %scan3A_107 : i32 to index
      %get3A_157 = arith.constant 160 : index
      %get3A_158 = tpu.vector_load %arg4[%get3A_156, %get3A_157] {strides = array<i32>} : memref<64x512xf32, #tpu.memory_space<vmem>>, vector<1x16xf32>,
      %get3A_159 = vector.shape_cast %get3A_158 : vector<1x16xf32> to vector<16xf32>
      %max3A_160 = arith.maximumf %max3A_155, %get3A_159 : vector<16xf32>
      %get3A_161 = arith.index_cast %scan3A_107 : i32 to index
      %get3A_162 = arith.constant 176 : index
      %get3A_163 = tpu.vector_load %arg4[%get3A_161, %get3A_162] {strides = array<i32>} : memref<64x512xf32, #tpu.memory_space<vmem>>, vector<1x16xf32>,
      %get3A_164 = vector.shape_cast %get3A_163 : vector<1x16xf32> to vector<16xf32>
      %max3A_165 = arith.maximumf %max3A_160, %get3A_164 : vector<16xf32>
      %get3A_166 = arith.index_cast %scan3A_107 : i32 to index
      %get3A_167 = arith.constant 192 : index
      %get3A_168 = tpu.vector_load %arg4[%get3A_166, %get3A_167] {strides = array<i32>} : memref<64x512xf32, #tpu.memory_space<vmem>>, vector<1x16xf32>,
      %get3A_169 = vector.shape_cast %get3A_168 : vector<1x16xf32> to vector<16xf32>
      %max3A_170 = arith.maximumf %max3A_165, %get3A_169 : vector<16xf32>
      %get3A_171 = arith.index_cast %scan3A_107 : i32 to index
      %get3A_172 = arith.constant 208 : index
      %get3A_173 = tpu.vector_load %arg4[%get3A_171, %get3A_172] {strides = array<i32>} : memref<64x512xf32, #tpu.memory_space<vmem>>, vector<1x16xf32>,
      %get3A_174 = vector.shape_cast %get3A_173 : vector<1x16xf32> to vector<16xf32>
      %max3A_175 = arith.maximumf %max3A_170, %get3A_174 : vector<16xf32>
      %get3A_176 = arith.index_cast %scan3A_107 : i32 to index
      %get3A_177 = arith.constant 224 : index
      %get3A_178 = tpu.vector_load %arg4[%get3A_176, %get3A_177] {strides = array<i32>} : memref<64x512xf32, #tpu.memory_space<vmem>>, vector<1x16xf32>,
      %get3A_179 = vector.shape_cast %get3A_178 : vector<1x16xf32> to vector<16xf32>
      %max3A_180 = arith.maximumf %max3A_175, %get3A_179 : vector<16xf32>
      %get3A_181 = arith.index_cast %scan3A_107 : i32 to index
      %get3A_182 = arith.constant 240 : index
      %get3A_183 = tpu.vector_load %arg4[%get3A_181, %get3A_182] {strides = array<i32>} : memref<64x512xf32, #tpu.memory_space<vmem>>, vector<1x16xf32>,
      %get3A_184 = vector.shape_cast %get3A_183 : vector<1x16xf32> to vector<16xf32>
      %max3A_185 = arith.maximumf %max3A_180, %get3A_184 : vector<16xf32>
      %get3A_186 = arith.index_cast %scan3A_107 : i32 to index
      %get3A_187 = arith.constant 256 : index
      %get3A_188 = tpu.vector_load %arg4[%get3A_186, %get3A_187] {strides = array<i32>} : memref<64x512xf32, #tpu.memory_space<vmem>>, vector<1x16xf32>,
      %get3A_189 = vector.shape_cast %get3A_188 : vector<1x16xf32> to vector<16xf32>
      %max3A_190 = arith.maximumf %max3A_185, %get3A_189 : vector<16xf32>
      %get3A_191 = arith.index_cast %scan3A_107 : i32 to index
      %get3A_192 = arith.constant 272 : index
      %get3A_193 = tpu.vector_load %arg4[%get3A_191, %get3A_192] {strides = array<i32>} : memref<64x512xf32, #tpu.memory_space<vmem>>, vector<1x16xf32>,
      %get3A_194 = vector.shape_cast %get3A_193 : vector<1x16xf32> to vector<16xf32>
      %max3A_195 = arith.maximumf %max3A_190, %get3A_194 : vector<16xf32>
      %get3A_196 = arith.index_cast %scan3A_107 : i32 to index
      %get3A_197 = arith.constant 288 : index
      %get3A_198 = tpu.vector_load %arg4[%get3A_196, %get3A_197] {strides = array<i32>} : memref<64x512xf32, #tpu.memory_space<vmem>>, vector<1x16xf32>,
      %get3A_199 = vector.shape_cast %get3A_198 : vector<1x16xf32> to vector<16xf32>
      %max3A_200 = arith.maximumf %max3A_195, %get3A_199 : vector<16xf32>
      %get3A_201 = arith.index_cast %scan3A_107 : i32 to index
      %get3A_202 = arith.constant 304 : index
      %get3A_203 = tpu.vector_load %arg4[%get3A_201, %get3A_202] {strides = array<i32>} : memref<64x512xf32, #tpu.memory_space<vmem>>, vector<1x16xf32>,
      %get3A_204 = vector.shape_cast %get3A_203 : vector<1x16xf32> to vector<16xf32>
      %max3A_205 = arith.maximumf %max3A_200, %get3A_204 : vector<16xf32>
      %get3A_206 = arith.index_cast %scan3A_107 : i32 to index
      %get3A_207 = arith.constant 320 : index
      %get3A_208 = tpu.vector_load %arg4[%get3A_206, %get3A_207] {strides = array<i32>} : memref<64x512xf32, #tpu.memory_space<vmem>>, vector<1x16xf32>,
      %get3A_209 = vector.shape_cast %get3A_208 : vector<1x16xf32> to vector<16xf32>
      %max3A_210 = arith.maximumf %max3A_205, %get3A_209 : vector<16xf32>
      %get3A_211 = arith.index_cast %scan3A_107 : i32 to index
      %get3A_212 = arith.constant 336 : index
      %get3A_213 = tpu.vector_load %arg4[%get3A_211, %get3A_212] {strides = array<i32>} : memref<64x512xf32, #tpu.memory_space<vmem>>, vector<1x16xf32>,
      %get3A_214 = vector.shape_cast %get3A_213 : vector<1x16xf32> to vector<16xf32>
      %max3A_215 = arith.maximumf %max3A_210, %get3A_214 : vector<16xf32>
      %get3A_216 = arith.index_cast %scan3A_107 : i32 to index
      %get3A_217 = arith.constant 352 : index
      %get3A_218 = tpu.vector_load %arg4[%get3A_216, %get3A_217] {strides = array<i32>} : memref<64x512xf32, #tpu.memory_space<vmem>>, vector<1x16xf32>,
      %get3A_219 = vector.shape_cast %get3A_218 : vector<1x16xf32> to vector<16xf32>
      %max3A_220 = arith.maximumf %max3A_215, %get3A_219 : vector<16xf32>
      %get3A_221 = arith.index_cast %scan3A_107 : i32 to index
      %get3A_222 = arith.constant 368 : index
      %get3A_223 = tpu.vector_load %arg4[%get3A_221, %get3A_222] {strides = array<i32>} : memref<64x512xf32, #tpu.memory_space<vmem>>, vector<1x16xf32>,
      %get3A_224 = vector.shape_cast %get3A_223 : vector<1x16xf32> to vector<16xf32>
      %max3A_225 = arith.maximumf %max3A_220, %get3A_224 : vector<16xf32>
      %get3A_226 = arith.index_cast %scan3A_107 : i32 to index
      %get3A_227 = arith.constant 384 : index
      %get3A_228 = tpu.vector_load %arg4[%get3A_226, %get3A_227] {strides = array<i32>} : memref<64x512xf32, #tpu.memory_space<vmem>>, vector<1x16xf32>,
      %get3A_229 = vector.shape_cast %get3A_228 : vector<1x16xf32> to vector<16xf32>
      %max3A_230 = arith.maximumf %max3A_225, %get3A_229 : vector<16xf32>
      %get3A_231 = arith.index_cast %scan3A_107 : i32 to index
      %get3A_232 = arith.constant 400 : index
      %get3A_233 = tpu.vector_load %arg4[%get3A_231, %get3A_232] {strides = array<i32>} : memref<64x512xf32, #tpu.memory_space<vmem>>, vector<1x16xf32>,
      %get3A_234 = vector.shape_cast %get3A_233 : vector<1x16xf32> to vector<16xf32>
      %max3A_235 = arith.maximumf %max3A_230, %get3A_234 : vector<16xf32>
      %get3A_236 = arith.index_cast %scan3A_107 : i32 to index
      %get3A_237 = arith.constant 416 : index
      %get3A_238 = tpu.vector_load %arg4[%get3A_236, %get3A_237] {strides = array<i32>} : memref<64x512xf32, #tpu.memory_space<vmem>>, vector<1x16xf32>,
      %get3A_239 = vector.shape_cast %get3A_238 : vector<1x16xf32> to vector<16xf32>
      %max3A_240 = arith.maximumf %max3A_235, %get3A_239 : vector<16xf32>
      %get3A_241 = arith.index_cast %scan3A_107 : i32 to index
      %get3A_242 = arith.constant 432 : index
      %get3A_243 = tpu.vector_load %arg4[%get3A_241, %get3A_242] {strides = array<i32>} : memref<64x512xf32, #tpu.memory_space<vmem>>, vector<1x16xf32>,
      %get3A_244 = vector.shape_cast %get3A_243 : vector<1x16xf32> to vector<16xf32>
      %max3A_245 = arith.maximumf %max3A_240, %get3A_244 : vector<16xf32>
      %get3A_246 = arith.index_cast %scan3A_107 : i32 to index
      %get3A_247 = arith.constant 448 : index
      %get3A_248 = tpu.vector_load %arg4[%get3A_246, %get3A_247] {strides = array<i32>} : memref<64x512xf32, #tpu.memory_space<vmem>>, vector<1x16xf32>,
      %get3A_249 = vector.shape_cast %get3A_248 : vector<1x16xf32> to vector<16xf32>
      %max3A_250 = arith.maximumf %max3A_245, %get3A_249 : vector<16xf32>
      %get3A_251 = arith.index_cast %scan3A_107 : i32 to index
      %get3A_252 = arith.constant 464 : index
      %get3A_253 = tpu.vector_load %arg4[%get3A_251, %get3A_252] {strides = array<i32>} : memref<64x512xf32, #tpu.memory_space<vmem>>, vector<1x16xf32>,
      %get3A_254 = vector.shape_cast %get3A_253 : vector<1x16xf32> to vector<16xf32>
      %max3A_255 = arith.maximumf %max3A_250, %get3A_254 : vector<16xf32>
      %get3A_256 = arith.index_cast %scan3A_107 : i32 to index
      %get3A_257 = arith.constant 480 : index
      %get3A_258 = tpu.vector_load %arg4[%get3A_256, %get3A_257] {strides = array<i32>} : memref<64x512xf32, #tpu.memory_space<vmem>>, vector<1x16xf32>,
      %get3A_259 = vector.shape_cast %get3A_258 : vector<1x16xf32> to vector<16xf32>
      %max3A_260 = arith.maximumf %max3A_255, %get3A_259 : vector<16xf32>
      %get3A_261 = arith.index_cast %scan3A_107 : i32 to index
      %get3A_262 = arith.constant 496 : index
      %get3A_263 = tpu.vector_load %arg4[%get3A_261, %get3A_262] {strides = array<i32>} : memref<64x512xf32, #tpu.memory_space<vmem>>, vector<1x16xf32>,
      %get3A_264 = vector.shape_cast %get3A_263 : vector<1x16xf32> to vector<16xf32>
      %max3A_265 = arith.maximumf %max3A_260, %get3A_264 : vector<16xf32>
      %xor3A = arith.constant 8 : i32
      %xor3A_266 = vector.broadcast %xor3A : i32 to vector<16xi32>
      %xor3A_267 = arith.xori %iota3A, %xor3A_266 : vector<16xi32>
      %broadcast_in_dim3A_268 = vector.shape_cast %xor3A_267 : vector<16xi32> to vector<16x1xi32>
      %gather3A = vector.shape_cast %broadcast_in_dim3A_268 : vector<16x1xi32> to vector<16xi32>
      %gather3A_269 = tpu.dynamic_gather %max3A_265[%gather3A] in [0] : vector<16xf32>, vector<16xi32> -> vector<16xf32>
      %max3A_270 = arith.maximumf %max3A_265, %gather3A_269 : vector<16xf32>
      %xor3A_271 = arith.constant 4 : i32
      %xor3A_272 = vector.broadcast %xor3A_271 : i32 to vector<16xi32>
      %xor3A_273 = arith.xori %iota3A, %xor3A_272 : vector<16xi32>
      %broadcast_in_dim3A_274 = vector.shape_cast %xor3A_273 : vector<16xi32> to vector<16x1xi32>
      %gather3A_275 = vector.shape_cast %broadcast_in_dim3A_274 : vector<16x1xi32> to vector<16xi32>
      %gather3A_276 = tpu.dynamic_gather %max3A_270[%gather3A_275] in [0] : vector<16xf32>, vector<16xi32> -> vector<16xf32>
      %max3A_277 = arith.maximumf %max3A_270, %gather3A_276 : vector<16xf32>
      %xor3A_278 = arith.constant 2 : i32
      %xor3A_279 = vector.broadcast %xor3A_278 : i32 to vector<16xi32>
      %xor3A_280 = arith.xori %iota3A, %xor3A_279 : vector<16xi32>
      %broadcast_in_dim3A_281 = vector.shape_cast %xor3A_280 : vector<16xi32> to vector<16x1xi32>
      %gather3A_282 = vector.shape_cast %broadcast_in_dim3A_281 : vector<16x1xi32> to vector<16xi32>
      %gather3A_283 = tpu.dynamic_gather %max3A_277[%gather3A_282] in [0] : vector<16xf32>, vector<16xi32> -> vector<16xf32>
      %max3A_284 = arith.maximumf %max3A_277, %gather3A_283 : vector<16xf32>
      %xor3A_285 = arith.constant 1 : i32
      %xor3A_286 = vector.broadcast %xor3A_285 : i32 to vector<16xi32>
      %xor3A_287 = arith.xori %iota3A, %xor3A_286 : vector<16xi32>
      %broadcast_in_dim3A_288 = vector.shape_cast %xor3A_287 : vector<16xi32> to vector<16x1xi32>
      %gather3A_289 = vector.shape_cast %broadcast_in_dim3A_288 : vector<16x1xi32> to vector<16xi32>
      %gather3A_290 = tpu.dynamic_gather %max3A_284[%gather3A_289] in [0] : vector<16xf32>, vector<16xi32> -> vector<16xf32>
      %max3A_291 = arith.maximumf %max3A_284, %gather3A_290 : vector<16xf32>
      %add3A_292 = arith.addf %scan3A_108, %max3A_291 : vector<16xf32>
      scf.yield %add3A_292 : vector<16xf32>
    }
    %scan3A_99 = arith.constant 64 : i32
    %eq3A_100 = arith.constant 7 : i32
    %eq3A_101 = vector.broadcast %eq3A_100 : i32 to vector<16xi32>
    %eq3A_102 = arith.cmpi eq, %iota3A, %eq3A_101 : vector<16xi32>
    %select_n3A_103 = arith.select %eq3A_102, %scan3A_98, %select_n3A_90 : vector<16xi1>, vector<16xf32>
    %swap3A = arith.constant 0 : index
    %swap3A_104 = tpu.vector_load %arg5[%swap3A] {strides = array<i32>} : memref<16xf32, #tpu.memory_space<vmem>>, vector<16xf32>,
    %swap3A_105 = vector.shape_cast %swap3A_104 : vector<16xf32> to vector<16xf32>
    %swap3A_106 = vector.shape_cast %select_n3A_103 : vector<16xf32> to vector<16xf32>
    tpu.vector_store %arg5[%swap3A], %swap3A_106 {strides = array<i32>} : memref<16xf32, #tpu.memory_space<vmem>>, vector<16xf32>,
    "tpu.region"() ({
      %run_scoped3A_107 = tpu.sem_alloc : memref<!tpu.dma_semaphore, #tpu.memory_space<semaphore_mem>>
      %dma_start3A = arith.constant 0 : i32
      %dma_start3A_108 = tpu.memref_slice %arg3[%add3A, %dma_start3A] : memref<32x16xf32, #tpu.memory_space<hbm>> -> memref<1x16xf32, #tpu.memory_space<hbm>>
      %dma_start3A_109 = tpu.memref_squeeze %dma_start3A_108 : memref<1x16xf32, #tpu.memory_space<hbm>> -> memref<16xf32, #tpu.memory_space<hbm>>
      %dma_start3A_110 = arith.constant 0 : i32
      %dma_start3A_111 = tpu.memref_slice %arg3[%add3A, %dma_start3A_110] : memref<32x16xf32, #tpu.memory_space<hbm>> -> memref<1x16xf32, #tpu.memory_space<hbm>>
      %dma_start3A_112 = tpu.memref_squeeze %dma_start3A_111 : memref<1x16xf32, #tpu.memory_space<hbm>> -> memref<16xf32, #tpu.memory_space<hbm>>
      tpu.enqueue_dma source(%arg5 : memref<16xf32, #tpu.memory_space<vmem>>) target(%dma_start3A_112 : memref<16xf32, #tpu.memory_space<hbm>>) target_semaphore(%run_scoped3A_107 : memref<!tpu.dma_semaphore, #tpu.memory_space<semaphore_mem>>)
      %dma_wait3A = arith.constant 0 : i32
      %dma_wait3A_113 = tpu.memref_slice %arg3[%add3A, %dma_wait3A] : memref<32x16xf32, #tpu.memory_space<hbm>> -> memref<1x16xf32, #tpu.memory_space<hbm>>
      %dma_wait3A_114 = tpu.memref_squeeze %dma_wait3A_113 : memref<1x16xf32, #tpu.memory_space<hbm>> -> memref<16xf32, #tpu.memory_space<hbm>>
      %dma_wait3A_115 = arith.constant 0 : i32
      %dma_wait3A_116 = tpu.memref_slice %arg3[%add3A, %dma_wait3A_115] : memref<32x16xf32, #tpu.memory_space<hbm>> -> memref<1x16xf32, #tpu.memory_space<hbm>>
      %dma_wait3A_117 = tpu.memref_squeeze %dma_wait3A_116 : memref<1x16xf32, #tpu.memory_space<hbm>> -> memref<16xf32, #tpu.memory_space<hbm>>
      tpu.wait_dma2 semaphore(%run_scoped3A_107 : memref<!tpu.dma_semaphore, #tpu.memory_space<semaphore_mem>>) src(%arg5 : memref<16xf32, #tpu.memory_space<vmem>>) dst(%dma_wait3A_117 : memref<16xf32, #tpu.memory_space<hbm>>)
      tpu.yield
    }) : () -> ()
    return
  }
}

module attributes {stable_mosaic.version = 14 : i64} {
  func.func @_scan_kernel(%arg0: i32, %arg1: memref<4x2048x512xf32, #tpu.memory_space<vmem>>, %arg2: memref<4x1x1xf32, #tpu.memory_space<vmem>>) attributes {dimension_semantics = [#tpu.dimension_semantics<arbitrary>], iteration_bounds = array<i64: 10>, scalar_prefetch = 0 : i64, scratch_operands = 0 : i64, tpu.core_type = #tpu.core_type<tc>, window_params = [{transform_indices = @transform_0, window_bounds = array<i64: 4, 2048, 512>}, {transform_indices = @transform_1, window_bounds = array<i64: 4, 1, 1>}]} {
    %get3A = arith.constant 0 : index
    %get3A_0 = arith.constant 0 : index
    %get3A_1 = arith.constant 0 : index
    %get3A_2 = vector.load %arg1[%get3A, %get3A_0, %get3A_1] : memref<4x2048x512xf32, #tpu.memory_space<vmem>>, vector<4x2048x512xf32>
    %reduce_max3A = arith.constant dense<0xFF800000> : vector<4x2048xf32>
    %reduce_max3A_3 = vector.multi_reduction <maximumf>, %get3A_2, %reduce_max3A [2] : vector<4x2048x512xf32> to vector<4x2048xf32>
    %broadcast_in_dim3A = vector.shape_cast %reduce_max3A_3 : vector<4x2048xf32> to vector<4x2048x1xf32>
    %reduce_sum3A = arith.constant dense<0.000000e+00> : vector<4x1xf32>
    %reduce_sum3A_4 = vector.multi_reduction <add>, %broadcast_in_dim3A, %reduce_sum3A [1] : vector<4x2048x1xf32> to vector<4x1xf32>
    %broadcast_in_dim3A_5 = vector.shape_cast %reduce_sum3A_4 : vector<4x1xf32> to vector<4x1x1xf32>
    %div3A = arith.constant 2.048000e+03 : f32
    %div3A_6 = vector.broadcast %div3A : f32 to vector<4x1x1xf32>
    %div3A_7 = arith.divf %broadcast_in_dim3A_5, %div3A_6 : vector<4x1x1xf32>
    %swap3A = arith.constant 0 : index
    %swap3A_8 = arith.constant 0 : index
    %swap3A_9 = arith.constant 0 : index
    %swap3A_10 = vector.load %arg2[%swap3A, %swap3A_8, %swap3A_9] : memref<4x1x1xf32, #tpu.memory_space<vmem>>, vector<4x1x1xf32>
    tpu.vector_store %arg2[%swap3A, %swap3A_8, %swap3A_9], %div3A_7 {strides = array<i32>} : memref<4x1x1xf32, #tpu.memory_space<vmem>>, vector<4x1x1xf32>,
    return
  }
  func.func @transform_0(%arg0: i32) -> (i32, i32, i32) {
    %c0_i32 = arith.constant 0 : i32
    %c0_i32_0 = arith.constant 0 : i32
    %c0_i32_1 = arith.constant 0 : i32
    return %arg0, %c0_i32, %c0_i32_0 : i32, i32, i32
  }
  func.func @transform_1(%arg0: i32) -> (i32, i32, i32) {
    %c0_i32 = arith.constant 0 : i32
    %c0_i32_0 = arith.constant 0 : i32
    %c0_i32_1 = arith.constant 0 : i32
    return %arg0, %c0_i32, %c0_i32_0 : i32, i32, i32
  }
}

module attributes {stable_mosaic.version = 14 : i64} {
  func.func @_finalize_kernel(%arg0: i32, %arg1: memref<1xi32, #tpu.memory_space<smem>>, %arg2: memref<1x2048x512xf32, #tpu.memory_space<vmem>>, %arg3: memref<40x1x1xf32, #tpu.memory_space<vmem>>, %arg4: memref<32x16xf32, #tpu.memory_space<vmem>>, %arg5: memref<1x512xi32, #tpu.memory_space<vmem>>, %arg6: memref<1x1xf32, #tpu.memory_space<vmem>>) attributes {dimension_semantics = [#tpu.dimension_semantics<arbitrary>], iteration_bounds = array<i64: 1>, scalar_prefetch = 1 : i64, scratch_operands = 0 : i64, tpu.core_type = #tpu.core_type<tc>, window_params = [{transform_indices = @transform_0, window_bounds = array<i64: 1, 2048, 512>}, {pipeline_mode = #tpu.pipeline_mode<synchronous>, transform_indices = @transform_1, window_bounds = array<i64: 40, 1, 1>}, {pipeline_mode = #tpu.pipeline_mode<synchronous>, transform_indices = @transform_2, window_bounds = array<i64: 32, 16>}, {pipeline_mode = #tpu.pipeline_mode<synchronous>, transform_indices = @transform_3, window_bounds = array<i64: 1, 512>}, {pipeline_mode = #tpu.pipeline_mode<synchronous>, transform_indices = @transform_4, window_bounds = array<i64: 1, 1>}]} {
    %get3A = arith.constant 0 : index
    %get3A_0 = arith.constant 0 : index
    %get3A_1 = arith.constant 0 : index
    %get3A_2 = vector.load %arg2[%get3A, %get3A_0, %get3A_1] : memref<1x2048x512xf32, #tpu.memory_space<vmem>>, vector<1x2048x512xf32>
    %get3A_3 = vector.shape_cast %get3A_2 : vector<1x2048x512xf32> to vector<2048x512xf32>
    %reduce_max3A = arith.constant dense<0xFF800000> : vector<2048xf32>
    %reduce_max3A_4 = vector.multi_reduction <maximumf>, %get3A_3, %reduce_max3A [1] : vector<2048x512xf32> to vector<2048xf32>
    %broadcast_in_dim3A = vector.shape_cast %reduce_max3A_4 : vector<2048xf32> to vector<2048x1xf32>
    %iota3A = tpu.iota {dimensions = array<i32: 1>} : vector<2048x512xi32>
    %eq3A = vector.broadcast %broadcast_in_dim3A : vector<2048x1xf32> to vector<2048x512xf32>
    %eq3A_5 = arith.cmpf oeq, %get3A_3, %eq3A : vector<2048x512xf32>
    %jit3A = arith.constant 512 : i32
    %broadcast_in_dim3A_6 = vector.broadcast %jit3A : i32 to vector<2048x512xi32>
    %select_n3A = arith.select %eq3A_5, %iota3A, %broadcast_in_dim3A_6 : vector<2048x512xi1>, vector<2048x512xi32>
    %reduce_min3A = arith.constant dense<2147483647> : vector<2048xi32>
    %reduce_min3A_7 = vector.multi_reduction <minsi>, %select_n3A, %reduce_min3A [1] : vector<2048x512xi32> to vector<2048xi32>
    %broadcast_in_dim3A_8 = vector.shape_cast %reduce_min3A_7 : vector<2048xi32> to vector<2048x1xi32>
    %eq3A_9 = vector.broadcast %broadcast_in_dim3A_8 : vector<2048x1xi32> to vector<2048x512xi32>
    %eq3A_10 = arith.cmpi eq, %eq3A_9, %iota3A : vector<2048x512xi32>
    %convert_element_type3A = arith.extui %eq3A_10 : vector<2048x512xi1> to vector<2048x512xi32>
    %reduce_sum3A = arith.constant dense<0> : vector<512xi32>
    %reduce_sum3A_11 = vector.multi_reduction <add>, %convert_element_type3A, %reduce_sum3A [0] : vector<2048x512xi32> to vector<512xi32>
    %swap3A = arith.constant 0 : index
    %swap3A_12 = arith.constant 0 : index
    %swap3A_13 = vector.load %arg5[%swap3A, %swap3A_12] : memref<1x512xi32, #tpu.memory_space<vmem>>, vector<1x512xi32>
    %swap3A_14 = vector.shape_cast %swap3A_13 : vector<1x512xi32> to vector<512xi32>
    %swap3A_15 = vector.shape_cast %reduce_sum3A_11 : vector<512xi32> to vector<1x512xi32>
    tpu.vector_store %arg5[%swap3A, %swap3A_12], %swap3A_15 {strides = array<i32>} : memref<1x512xi32, #tpu.memory_space<vmem>>, vector<1x512xi32>,
    %get3A_16 = arith.constant 0 : index
    %get3A_17 = arith.constant 0 : index
    %get3A_18 = arith.constant 0 : index
    %get3A_19 = vector.load %arg3[%get3A_16, %get3A_17, %get3A_18] : memref<40x1x1xf32, #tpu.memory_space<vmem>>, vector<40x1x1xf32>
    %get3A_20 = vector.shape_cast %get3A_19 : vector<40x1x1xf32> to vector<40x1xf32>
    %get3A_21 = arith.constant 0 : index
    %get3A_22 = arith.constant 0 : index
    %get3A_23 = vector.load %arg4[%get3A_21, %get3A_22] : memref<32x16xf32, #tpu.memory_space<vmem>>, vector<32x8xf32>
    %reduce_sum3A_24 = arith.constant dense<0.000000e+00> : vector<8xf32>
    %reduce_sum3A_25 = vector.multi_reduction <add>, %get3A_23, %reduce_sum3A_24 [0] : vector<32x8xf32> to vector<8xf32>
    %broadcast_in_dim3A_26 = vector.shape_cast %reduce_sum3A_25 : vector<8xf32> to vector<1x8xf32>
    %div3A = arith.constant 2.048000e+03 : f32
    %div3A_27 = vector.broadcast %div3A : f32 to vector<1x8xf32>
    %div3A_28 = arith.divf %broadcast_in_dim3A_26, %div3A_27 : vector<1x8xf32>
    %reduce_max3A_29 = vector.shape_cast %get3A_20 : vector<40x1xf32> to vector<1x40x1xf32>
    %reduce_max3A_30 = arith.constant dense<0xFF800000> : vector<1xf32>
    %reduce_max3A_31 = vector.multi_reduction <maximumf>, %reduce_max3A_29, %reduce_max3A_30 [1, 2] : vector<1x40x1xf32> to vector<1xf32>
    %reduce_max3A_32 = vector.shape_cast %reduce_max3A_31 : vector<1xf32> to vector<1x1x1xf32>
    %reduce_max3A_33 = vector.extract %reduce_max3A_32[0, 0, 0] : f32 from vector<1x1x1xf32>
    %broadcast_in_dim3A_34 = vector.broadcast %reduce_max3A_33 : f32 to vector<1x1xf32>
    %reduce_max3A_35 = vector.shape_cast %div3A_28 : vector<1x8xf32> to vector<1x1x8xf32>
    %reduce_max3A_36 = arith.constant dense<0xFF800000> : vector<1xf32>
    %reduce_max3A_37 = vector.multi_reduction <maximumf>, %reduce_max3A_35, %reduce_max3A_36 [1, 2] : vector<1x1x8xf32> to vector<1xf32>
    %reduce_max3A_38 = vector.shape_cast %reduce_max3A_37 : vector<1xf32> to vector<1x1x1xf32>
    %reduce_max3A_39 = vector.extract %reduce_max3A_38[0, 0, 0] : f32 from vector<1x1x1xf32>
    %broadcast_in_dim3A_40 = vector.broadcast %reduce_max3A_39 : f32 to vector<1x1xf32>
    %max3A = arith.maximumf %broadcast_in_dim3A_34, %broadcast_in_dim3A_40 : vector<1x1xf32>
    %swap3A_41 = arith.constant 0 : index
    %swap3A_42 = arith.constant 0 : index
    %swap3A_43 = vector.load %arg6[%swap3A_41, %swap3A_42] : memref<1x1xf32, #tpu.memory_space<vmem>>, vector<1x1xf32>
    tpu.vector_store %arg6[%swap3A_41, %swap3A_42], %max3A {strides = array<i32>} : memref<1x1xf32, #tpu.memory_space<vmem>>, vector<1x1xf32>,
    return
  }
  func.func @transform_0(%arg0: i32, %arg1: memref<1xi32, #tpu.memory_space<smem>>) -> (i32, i32, i32) {
    %get3A = arith.constant 0 : index
    %get3A_0 = memref.load %arg1[%get3A] : memref<1xi32, #tpu.memory_space<smem>>
    %c0_i32 = arith.constant 0 : i32
    %c0_i32_1 = arith.constant 0 : i32
    %c0_i32_2 = arith.constant 0 : i32
    return %get3A_0, %c0_i32, %c0_i32_1 : i32, i32, i32
  }
  func.func @transform_1(%arg0: i32, %arg1: memref<1xi32, #tpu.memory_space<smem>>) -> (i32, i32, i32) {
    %c0_i32 = arith.constant 0 : i32
    %c0_i32_0 = arith.constant 0 : i32
    %c0_i32_1 = arith.constant 0 : i32
    %c0_i32_2 = arith.constant 0 : i32
    return %c0_i32, %c0_i32_0, %c0_i32_1 : i32, i32, i32
  }
  func.func @transform_2(%arg0: i32, %arg1: memref<1xi32, #tpu.memory_space<smem>>) -> (i32, i32) {
    %c0_i32 = arith.constant 0 : i32
    %c0_i32_0 = arith.constant 0 : i32
    %c0_i32_1 = arith.constant 0 : i32
    return %c0_i32, %c0_i32_0 : i32, i32
  }
  func.func @transform_3(%arg0: i32, %arg1: memref<1xi32, #tpu.memory_space<smem>>) -> (i32, i32) {
    %c0_i32 = arith.constant 0 : i32
    %c0_i32_0 = arith.constant 0 : i32
    %c0_i32_1 = arith.constant 0 : i32
    return %c0_i32, %c0_i32_0 : i32, i32
  }
  func.func @transform_4(%arg0: i32, %arg1: memref<1xi32, #tpu.memory_space<smem>>) -> (i32, i32) {
    %c0_i32 = arith.constant 0 : i32
    %c0_i32_0 = arith.constant 0 : i32
    %c0_i32_1 = arith.constant 0 : i32
    return %c0_i32, %c0_i32_0 : i32, i32
  }
}

</mosaic_0001>

<sc_bundles>
// kernel: kernel.5.cloned.1.call-start
scs
__scs_entry_jumppad:
0x0: {  	(pc) =	sbr.rel $0x88, $3  }
0x1: {  	(tag) =	ssettag $0x0;
	lr =	simm.s32 $0x1  }
0x2: {  	[smem:$0x3FA0] =	sst lr;
	_ =	strace $0xD0000000  }
0x3: {  	_ = 	snop  }
0x4: {  	_ = 	snop  }
0x5: {  	_ = 	snop  }
0x6: {  	_ = 	snop  }
0x7: {  	_ = 	snop  }
__scs_overlays_trampoline_lowered:
0x8: {  	[smem:$0x3FAF] =	sst s0  }
0x9: {  	[smem:$0x3FB0] =	sst s1  }
0xa: {  	[smem:$0x3FB1] =	sst s2  }
0xb: {  	[smem:$0x3FB2] =	sst s3  }
0xc: {  	[smem:$0x3FB3] =	sst s4  }
0xd: {  	[smem:$0x3FB4] =	sst s5  }
0xe: {  	[smem:$0x3FB5] =	sst s6  }
0xf: {  	[smem:$0x3FB6] =	sst s7  }
0x10: {  	[smem:$0x3FB7] =	sst s8  }
0x11: {  	[smem:$0x3FB8] =	sst s9;
	s0 =	simm.s32 @!p0 $0x0  }
0x12: {  	s1 =	sld [smem:$0x3F9E];
	s0 =	simm.s32 @p0 $0x1  }
0x13: {  	[smem:$0x3FB9] =	sst s0;
	s0 =	simm.s32 @!p1 $0x0  }
0x14: {  	s2 =	sld [smem:$0x3F9D];
	s0 =	simm.s32 @p1 $0x1  }
0x15: {  	[smem:$0x3FBA] =	sst s0;
	s0 =	simm.s32 @!p2 $0x0  }
0x16: {  	s3 =	sld [smem:$0x3FDB];
	s0 =	simm.s32 @p2 $0x1  }
0x17: {  	s4 =	simm.s32 $0x1BF5;
	[smem:$0x3FBC] =	sst s0  }
0x18: {  	s0 =	sld [smem:$0x3F9F];
	_ =	swait.ge [sflag:s4], $0x0  }
0x19: {  	s7 =	sld [smem:$0x3FA0]  }
0x1a: {  	s8 =	sadd.s32 $0xFFFFE003, lr  }
0x1b: {  	s9 =	sadd.s32 $0xFFFFFEF7, lr;
	s5 =	simm.s32 $0xFFFFFFFF;
	p2 =	slt.u32 s8, $0xFFFFF086  }
0x1c: {  	p1 =	slt.u32 s9, $0xF7A;
	s5 =	simm.s32 @!p2 $0x0  }
0x1d: {  	s5 =	simm.s32 @p1 $0x1;
	p0 =	seq.s32 s7, s2  }
0x1e: {  	s7 =	smul.u32 @!p0 $0xF7A, s2;
	p2 =	seq.s32 @!p0 s5, $0x0  }
0x1f: {  	s9 =	smul.u32 $0xF7A, s1;
	s8 =	simm.s32 @!p0 $0x1BF5;
	p2 =	por !p2, p0  }
0x20: {  	[sflag:s8] =	ssyncset.s32 @!p0 $0xFFFFF086;
	s6 =	sadd.s32 @!p0 s3, s7;
	s7 =	simm.s32 @!p0 $0x108  }
0x21: {  	s3 =	sadd.s32 s3, s9;
	s6 =	sadd.s32 @!p0 $0x88, s6;
	s7 =	simm.s32 @p2 $0x1082  }
0x22: {  	[simem:s7], [sflag:s8] =	dma.local @!p0 [hbm:s6], $0xF7A  }
0x23: {  	s9 =	sor.u32 $0xD0000000, s2;
	s6 =	simm.s32 $0x108;
	_ =	swait.ge @!p0 [sflag:s8], $0x0  }
0x24: {  	s3 =	sadd.s32 $0x88, s3;
	s6 =	simm.s32 @!p1 $0x1082;
	[sflag:s4] =	ssyncset.s32 $0xFFFFF086  }
0x25: {  	[simem:s6], [sflag:s4] =	dma.local [hbm:s3], $0xF7A  }
0x26: {  	[smem:$0x3FA0] =	sst s1;
	(tag) =	ssettag s2;
	_ =	strace s9  }
0x27: {  	s1 =	sld [smem:$0x3FB0]  }
0x28: {  	s2 =	sld [smem:$0x3FB1]  }
0x29: {  	s4 =	sld [smem:$0x3FB3]  }
0x2a: {  	p0 =	seq.s32 s5, $0x0;
	s5 =	sld [smem:$0x3FB4]  }
0x2b: {  	s6 =	sld [smem:$0x3FB5]  }
0x2c: {  	s7 =	sld [smem:$0x3FB6]  }
0x2d: {  	s3 =	simm.s32 $0x108;
	s8 =	sld [smem:$0x3FB7]  }
0x2e: {  	s3 =	simm.s32 @!p0 $0x1082;
	s9 =	sld [smem:$0x3FB8]  }
0x2f: {  	lr =	sadd.s32 s0, s3;
	s0 =	sld [smem:$0x3FAF]  }
0x30: {  	s3 =	sld [smem:$0x3FB2]  }
0x31: {  	[smem:$0x3FBB] =	sst s10  }
0x32: {  	s10 =	sld [smem:$0x3FB9];
	_ =	sdelay $0x3  }
0x33: {  	p0 =	seq.s32 s10, $0x1;
	s10 =	sld [smem:$0x3FBB];
	_ =	sdelay $0x3  }
0x34: {  	[smem:$0x3FBB] =	sst s10  }
0x35: {  	s10 =	sld [smem:$0x3FBA];
	_ =	sdelay $0x3  }
0x36: {  	p1 =	seq.s32 s10, $0x1;
	s10 =	sld [smem:$0x3FBB];
	_ =	sdelay $0x3  }
0x37: {  	[smem:$0x3FBB] =	sst s10  }
0x38: {  	s10 =	sld [smem:$0x3FBC]  }
0x39: {  	_ = 	snop;
	(pc) =	sbr.ind lr, $3  }
0x3a: {  	_ = 	snop  }
0x3b: {  	_ = 	snop  }
0x3c: {  	p2 =	seq.s32 s10, $0x1;
	s10 =	sld [smem:$0x3FBB]  }
0x3d: {  	_ =	shalt  }
0x3e: {  	_ =	shalt  }
0x3f: {  	_ =	shalt  }
0x40: {  	_ =	shalt  }
0x41: {  	_ =	shalt  }
0x42: {  	_ =	shalt  }
0x43: {  	_ =	shalt  }
0x44: {  	_ =	shalt  }
0x45: {  	_ =	shalt  }
0x46: {  	_ =	shalt  }
0x47: {  	_ =	shalt  }
0x48: {  	_ =	shalt  }
0x49: {  	_ =	shalt  }
0x4a: {  	_ =	shalt  }
0x4b: {  	_ =	shalt  }
0x4c: {  	_ =	shalt  }
0x4d: {  	_ =	shalt  }
0x4e: {  	_ =	shalt  }
0x4f: {  	_ =	shalt  }
0x50: {  	_ =	shalt  }
0x51: {  	_ =	shalt  }
0x52: {  	_ =	shalt  }
0x53: {  	_ =	shalt  }
0x54: {  	_ =	shalt  }
0x55: {  	_ =	shalt  }
0x56: {  	_ =	shalt  }
0x57: {  	_ =	shalt  }
0x58: {  	_ =	shalt  }
0x59: {  	_ =	shalt  }
0x5a: {  	_ =	shalt  }
0x5b: {  	_ =	shalt  }
0x5c: {  	_ =	shalt  }
0x5d: {  	_ =	shalt  }
0x5e: {  	_ =	shalt  }
0x5f: {  	_ =	shalt  }
0x60: {  	_ =	shalt  }
0x61: {  	_ =	shalt  }
0x62: {  	_ =	shalt  }
0x63: {  	_ =	shalt  }
0x64: {  	_ =	shalt  }
0x65: {  	_ =	shalt  }
0x66: {  	_ =	shalt  }
0x67: {  	_ =	shalt  }
0x68: {  	_ =	shalt  }
0x69: {  	_ =	shalt  }
0x6a: {  	_ =	shalt  }
0x6b: {  	_ =	shalt  }
0x6c: {  	_ =	shalt  }
0x6d: {  	_ =	shalt  }
0x6e: {  	_ =	shalt  }
0x6f: {  	_ =	shalt  }
0x70: {  	_ =	shalt  }
0x71: {  	_ =	shalt  }
0x72: {  	_ =	shalt  }
0x73: {  	_ =	shalt  }
0x74: {  	_ =	shalt  }
0x75: {  	_ =	shalt  }
0x76: {  	_ =	shalt  }
0x77: {  	_ =	shalt  }
0x78: {  	_ =	shalt  }
0x79: {  	_ =	shalt  }
0x7a: {  	_ =	shalt  }
0x7b: {  	_ =	shalt  }
0x7c: {  	_ =	shalt  }
0x7d: {  	_ =	shalt  }
0x7e: {  	_ =	shalt  }
0x7f: {  	_ =	shalt  }
0x80: {  	_ =	shalt  }
0x81: {  	_ =	shalt  }
0x82: {  	_ =	shalt  }
0x83: {  	_ =	shalt  }
0x84: {  	_ =	shalt  }
0x85: {  	_ =	shalt  }
0x86: {  	_ =	shalt  }
0x87: {  	_ =	shalt  }
.Lfunc_end0:
.L_simem_size_0:
called_computation_lowered:
.L_overlay_start_0:
0x88: {  	s2 =	sld [smem:$0x3FD9]  }
0x89: {  	s3 =	sld [smem:$0x3FFE];
	_ =	sdelay $0x1  }
0x8a: {  	s1 =	srdreg.scid  }
0x8b: {  	s0 =	sand.u32 $0x1, s1  }
0x8c: {  	s17 =	sshll.u32 s0, $0xA;
	s2 =	sadd.s32 s3, s2  }
0x8d: {  	s2 =	sadd.s32 s2, s17  }
0x8e: {  	[smem:$0x3FC7] =	sst s2  }
0x8f: {  	_ = 	snop  }
0x90: {  	s2 =	sld [smem:$0x3FC9];
	(tm) =	ssettm $0x1  }
0x91: {  	s18 =	sld [smem:$0x3FFB];
	_ =	sdelay $0x3  }
0x92: {  	_ =	strace s18  }
0x93: {  	s3 =	sld [smem:$0x3FFC];
	_ =	sdelay $0x3  }
0x94: {  	_ =	strace s3  }
0x95: {  	s3 =	sld [smem:$0x3FFD];
	_ =	sdelay $0x3  }
0x96: {  	_ =	strace s3  }
0x97: {  	_ =	strace $0x8FFFFFFF  }
0x98: {  	s19 =	sld [smem:$0x3FDB];
	_ =	sdelay $0x1  }
0x99: {  	s4 =	simm.s32 $_scs_section_size  }
0x9a: {  	s5 =	simm.s32 $_size__tile_overlayer_lowered;
	s6 =	simm.s32 $_tile_overlayer_lowered  }
0x9b: {  	s22 =	simm.s32 $0x1BFF;
	s21 =	sshll.u32 s6, $0x1;
	s3 =	sadd.s32 s4, s19  }
0x9c: {  	s7 =	simm.s32 $0x0;
	s20 =	sshll.u32 s5, $0x1;
	s5 =	sadd.s32 s21, s3  }
0x9d: {  	[timem:s7], [sflag:s22] =	dma.local [hbm:s5], s20  }
0x9e: {  	_ =	swait.ge [sflag:s22], s20  }
0x9f: {  	s4 =	ssub.s32 $0x0, s20;
	[sflag:s22] =	ssyncset.done $0x0  }
0xa0: {  	[sflag:s22] =	ssyncadd.s32 s4;
	_ =	sdelay $0x1  }
0xa1: {  	s23 =	simm.s32 $0x1B8B  }
0xa2: {  	_ =	swait.ge [sflag:s23], $0x1  }
0xa3: {  	[sflag:s23] =	ssyncset.done $0x0  }
0xa4: {  	s25 =	simm.s32 $0x1B8E;
	s24 =	sld [smem:$0x3FFE];
	[sflag:s23] =	ssyncadd.s32 $0xFFFFFFFF  }
0xa5: {  	s26 =	simm.s32 $execute0_lowered;
	[smem:$0x3FD2] =	sst s25  }
0xa6: {  	s5 =	sshll.u32 s26, $0x1;
	_ =	strace $0x80000046;
	[dreg:$0x1] =	wrdreg $0xFFFFFFFF  }
0xa7: {  	s28 =	simm.s32 $_size_execute0_lowered;
	s3 =	sadd.s32 s3, s5;
	[dreg:$0x0] =	wrdreg $0x0  }
0xa8: {  	s5 =	sshll.u32 s28, $0x1;
	[dreg:$0x2] =	wrdreg s3  }
0xa9: {  	[dreg:$0x3] =	wrdreg s5  }
0xaa: {  	[dreg:$0x4] =	wrdreg $0xC0  }
0xab: {  	_ =	task [dreg:s7], $0x5FFFF  }
0xac: {  	[dreg:$0x1] =	wrdreg $0xFFFFFFFF  }
0xad: {  	[dreg:$0x0] =	wrdreg $0x60  }
0xae: {  	[dreg:$0x2] =	wrdreg s2  }
0xaf: {  	[dreg:$0x3] =	wrdreg s24  }
0xb0: {  	[dreg:$0x4] =	wrdreg $0x9  }
0xb1: {  	_ =	task.clear_ibuf [dreg:s7], $0x5FFFF;
	_ =	strace $0x90000046  }
0xb2: {  	s29 =	simm.s32 $0x9;
	_ =	strace $0x80000048  }
0xb3: {  	_ =	swait.ge [sflag:s29], $0x1  }
0xb4: {  	[sflag:s29] =	ssyncadd.s32 $0xFFFFFFFF  }
0xb5: {  	_ =	strace $0x90000048  }
0xb6: {  	_ =	sfence  }
0xb7: {  	s30 =	sld [smem:$0x0];
	_ =	sdelay $0x2  }
0xb8: {  	s31 =	sshll.u32 s1, $0xD;
	s1 =	sshrl.u32 s1, $0x2  }
0xb9: {  	s3 =	sand.u32 $0x4000, s31;
	s1 =	sadd.s32 s1, s30  }
0xba: {  	s0 =	sor.u32 s3, s0;
	s1 =	sshll.u32 s1, $0x11  }
0xbb: {  	s0 =	sor.u32 s1, s0  }
0xbc: {  	s0 =	sadd.s32 $0x8F2B, s0  }
0xbd: {  	[sflag:s0] =	ssyncadd.remote.s32 $0x1  }
0xbe: {  	_ =	sfence.sel $0xFFFF  }
0xbf: {  	[dreg:$0x0] =	wrdreg $0xFFFFFFFF;
	(pc) =	sbr.abs _section_cstart, $3  }
0xc0: {  	[dreg:$0x1] =	wrdreg $0xFFFFFFFF  }
0xc1: {  	_ =	task.clear_ibuf [dreg:s7], $0x2FFFF;
	_ =	strace $0x9FFFFFFF  }
0xc2: {  	(tm) =	ssettm $0x7FFFFFFF  }
0xc3: {  	_ =	shalt  }
tec
execute0_lowered:
.L_overlay_start_1:
0x0: {  	(tag) =	ssettag $0x1  }
0x1: {  	v0 =	vimm.s32 $0xFEDCBA98  }
0x2: {  	v1 =	vimm.s32 $0x76543210;
	v2 =	vimm.s32 $0xBA98FEDC;
	v3 =	vimm.s32 $0x32107654  }
0x3: {  	s3 =	rddreg [dreg:$0x0];
	v4 =	vimm.s32 $0xDCFE98BA;
	v5 =	vimm.s32 $0x54761032;
	v6 =	vimm.s32 $0xEFCDAB89  }
0x4: {  	s1 =	srdreg.scid;
	s0 =	stileid.u32;
	v7 =	vimm.s32 $0x67452301;
	vm0 =	vmmov $0x1;
	vm1 =	vcmask $0x320  }
0x5: {  	s11 =	rddreg [dreg:$0x1];
	s2 =	simm.s32 $0x0;
	vm2 =	vcmask $0x720;
	vm3 =	vcmask $0xB20;
	vm4 =	vcmask $0xF20;
	s15 =	simm.s32 $0x0  }
0x6: {  	vm5 =	vcmask $0x1320;
	v0 =	vunpack.c.l.s4.s8 v0;
	v1 =	vunpack.c.l.s4.s8 v1;
	s4 =	sand.u32 $0x1, s1;
	s5 =	sshll.u32 s0, $0x1;
	s1 =	rddreg [dreg:$0x2]  }
0x7: {  	v2 =	vunpack.c.l.s4.s8 v2;
	v3 =	vunpack.c.l.s4.s8 v3;
	v4 =	vunpack.c.l.s4.s8 v4;
	[smem:$0x7FF] =	sst s2;
	s10 =	sor.u32 s4, s5;
	s4 =	ssub.s32 $0x2, s4  }
0x8: {  	v5 =	vunpack.c.l.s4.s8 v5;
	v6 =	vunpack.c.l.s4.s8 v6;
	v7 =	vunpack.c.l.s4.s8 v7;
	_ =	strace $0x80000047;
	s5 =	sshll.u32 s10, $0xC;
	s6 =	sshrl.u32 s4, $0x1  }
0x9: {  	v0 =	vunpack.c.0.s8.s32 v0;
	v1 =	vunpack.c.0.s8.s32 v1;
	v2 =	vunpack.c.0.s8.s32 v2;
	s14 =	sshll.u32 s10, $0x4;
	s12 =	sadd.s32 s5, s3;
	s13 =	ssub.s32 s4, s6  }
0xa: {  	v3 =	vunpack.c.0.s8.s32 v3;
	v4 =	vunpack.c.0.s8.s32 v4;
	v5 =	vunpack.c.0.s8.s32 v5;
	s11 =	sadd.s32 s11, s14;
	s14 =	simm.s32 $0x8000;
	s3 =	sadd.s32 $0x500000, s12  }
0xb: {  	v6 =	vunpack.c.0.s8.s32 v6;
	v7 =	vunpack.c.0.s8.s32 v7;
	v0 =	vand.u32 $0xF, v0;
	s4 =	sadd.s32 $0x520000, s12;
	s5 =	sadd.s32 $0x540000, s12;
	s6 =	sadd.s32 $0x560000, s12  }
0xc: {  	vm6 =	vcmask $0x1720;
	s7 =	sadd.s32 $0x580000, s12;
	s8 =	sadd.s32 $0x5A0000, s12;
	s9 =	sadd.s32 $0x5C0000, s12;
	v0 =	vcombine.low v0, v1;
	v1 =	vcombine.low v3, v2  }
0xd: {  	vm7 =	vcmask $0x1B20;
	s10 =	sadd.s32 $0x5E0000, s12;
	s12 =	smax.u32 s13, $0x1;
	s13 =	simm.s32 $0x1;
	v2 =	vcombine.low v5, v4;
	v3 =	vcombine.low v7, v6  }
.LBB2_1:
0xe: {  	[tilespmem:s2], [sflag:$0x1] =	stream.linear.gather [hbm4b:s3+s2], $0x8000, $0x38;
	[tilespmem:$0x8080] =	vst v63  }
0xf: {  	_ =	swait.ge [sflag:s13], $0x8000  }
0x10: {  	s16 =	sand.u32 $0x7000, s2;
	s17 =	sand.u32 $0x380, s2;
	[sflag:s13] =	ssyncset.done $0x0  }
0x11: {  	s19 =	sor.u32 s17, s16;
	[sflag:s13] =	ssyncadd.s32 $0xFFFF8000  }
0x12: {  	v4 =	vld [tilespmem:s19+$0x0]  }
0x13: {  	v5 =	vld [tilespmem:s19+$0x10]  }
0x14: {  	v6 =	vld [tilespmem:s19+$0x20]  }
0x15: {  	v7 =	vld [tilespmem:s19+$0x30]  }
0x16: {  	v8 =	vld [tilespmem:s19+$0x40]  }
0x17: {  	v9 =	vld [tilespmem:s19+$0x50]  }
0x18: {  	v4 =	vmax.f32 v4, v5;
	v5 =	vld [tilespmem:s19+$0x60]  }
0x19: {  	v4 =	vmax.f32 v4, v6;
	v6 =	vld [tilespmem:s19+$0x70]  }
0x1a: {  	v4 =	vmax.f32 v4, v7;
	v7 =	vld [tilespmem:s19+$0x400]  }
0x1b: {  	v4 =	vmax.f32 v4, v8;
	v8 =	vld [tilespmem:s19+$0x410]  }
0x1c: {  	v4 =	vmax.f32 v4, v9;
	v9 =	vld [tilespmem:s19+$0x420]  }
0x1d: {  	v4 =	vmax.f32 v4, v5;
	v5 =	vld [tilespmem:s19+$0x430]  }
0x1e: {  	v4 =	vmax.f32 v4, v6;
	v6 =	vld [tilespmem:s19+$0x440]  }
0x1f: {  	v4 =	vmax.f32 v4, v7;
	v7 =	vld [tilespmem:s19+$0x450]  }
0x20: {  	v4 =	vmax.f32 v4, v8;
	v8 =	vld [tilespmem:s19+$0x460]  }
0x21: {  	v4 =	vmax.f32 v4, v9;
	v9 =	vld [tilespmem:s19+$0x470]  }
0x22: {  	v4 =	vmax.f32 v4, v5;
	v5 =	vld [tilespmem:s19+$0x800]  }
0x23: {  	v4 =	vmax.f32 v4, v6;
	v6 =	vld [tilespmem:s19+$0x810]  }
0x24: {  	v4 =	vmax.f32 v4, v7;
	v7 =	vld [tilespmem:s19+$0x820]  }
0x25: {  	v4 =	vmax.f32 v4, v8;
	v8 =	vld [tilespmem:s19+$0x830]  }
0x26: {  	v4 =	vmax.f32 v4, v9;
	v9 =	vld [tilespmem:s19+$0x840]  }
0x27: {  	v4 =	vmax.f32 v4, v5;
	v5 =	vld [tilespmem:s19+$0x850]  }
0x28: {  	v4 =	vmax.f32 v4, v6;
	v6 =	vld [tilespmem:s19+$0x860]  }
0x29: {  	v10 =	vld [tilespmem:s19+$0x870];
	v4 =	vmax.f32 v4, v7  }
0x2a: {  	v4 =	vmax.f32 v4, v8;
	v8 =	vld [tilespmem:s19+$0xC00]  }
0x2b: {  	v4 =	vmax.f32 v4, v9;
	v9 =	vld [tilespmem:s19+$0xC10]  }
0x2c: {  	v11 =	vld [tilespmem:s19+$0xC20];
	v4 =	vmax.f32 v4, v5  }
0x2d: {  	v7 =	vld [tilespmem:s19+$0xC30];
	v4 =	vmax.f32 v4, v6  }
0x2e: {  	v6 =	vld [tilespmem:s19+$0xC40];
	v4 =	vmax.f32 v4, v10  }
0x2f: {  	s31 =	simm.s32 $0x200;
	s17 =	simm.s32 $0x80;
	v5 =	vld [tilespmem:s19+$0xC50];
	v4 =	vmax.f32 v4, v8  }
0x30: {  	s16 =	sand.u32 $0x7000, s31;
	s18 =	sand.u32 $0x380, s17;
	v8 =	vld [tilespmem:s19+$0xC60];
	v9 =	vmax.f32 v4, v9  }
0x31: {  	s16 =	sor.u32 s18, s16;
	s18 =	simm.s32 $0x400;
	v4 =	vimm.f32 $0.0e+00;
	v10 =	vmax.f32 v9, v11;
	v9 =	vld [tilespmem:s19+$0xC70]  }
.LBB2_2:
0x32: {  	p0 =	sne.s32 s18, $0x7E00;
	v11 =	vld [tilespmem:s16+$0x0];
	v7 =	vmax.f32 v10, v7  }
0x33: {  	v10 =	vld [tilespmem:s16+$0x10];
	v6 =	vmax.f32 v7, v6  }
0x34: {  	v7 =	vld [tilespmem:s16+$0x20];
	v5 =	vmax.f32 v6, v5  }
0x35: {  	v6 =	vld [tilespmem:s16+$0x30];
	v5 =	vmax.f32 v5, v8  }
0x36: {  	v8 =	vld [tilespmem:s16+$0x40];
	v5 =	vmax.f32 v5, v9  }
0x37: {  	v9 =	vld [tilespmem:s16+$0x50];
	v12 =	vperm.xlane v5, v0  }
0x38: {  	v10 =	vmax.f32 v11, v10;
	v11 =	vld [tilespmem:s16+$0x60]  }
0x39: {  	v7 =	vmax.f32 v10, v7;
	v10 =	vld [tilespmem:s16+$0x70];
	v5 =	vmax.f32 v5, v12  }
0x3a: {  	v6 =	vmax.f32 v7, v6;
	v7 =	vld [tilespmem:s16+$0x400];
	v12 =	vperm.xlane v5, v1  }
0x3b: {  	v6 =	vmax.f32 v6, v8;
	v8 =	vld [tilespmem:s16+$0x410]  }
0x3c: {  	v6 =	vmax.f32 v6, v9;
	v9 =	vld [tilespmem:s16+$0x420];
	v5 =	vmax.f32 v5, v12  }
0x3d: {  	v6 =	vmax.f32 v6, v11;
	v11 =	vld [tilespmem:s16+$0x430];
	v12 =	vperm.xlane v5, v2  }
0x3e: {  	v6 =	vmax.f32 v6, v10;
	v10 =	vld [tilespmem:s16+$0x440]  }
0x3f: {  	v6 =	vmax.f32 v6, v7;
	v7 =	vld [tilespmem:s16+$0x450];
	v5 =	vmax.f32 v5, v12  }
0x40: {  	v6 =	vmax.f32 v6, v8;
	v8 =	vld [tilespmem:s16+$0x460];
	v12 =	vperm.xlane v5, v3  }
0x41: {  	v6 =	vmax.f32 v6, v9;
	v9 =	vld [tilespmem:s16+$0x470]  }
0x42: {  	v6 =	vmax.f32 v6, v11;
	v11 =	vld [tilespmem:s16+$0x800];
	v5 =	vmax.f32 v5, v12  }
0x43: {  	v6 =	vmax.f32 v6, v10;
	v10 =	vld [tilespmem:s16+$0x810];
	v4 =	vadd.f32 v5, v4  }
0x44: {  	v5 =	vmax.f32 v6, v7;
	v6 =	vld [tilespmem:s16+$0x820]  }
0x45: {  	v5 =	vmax.f32 v5, v8;
	v7 =	vld [tilespmem:s16+$0x830]  }
0x46: {  	v5 =	vmax.f32 v5, v9;
	v8 =	vld [tilespmem:s16+$0x840]  }
0x47: {  	v5 =	vmax.f32 v5, v11;
	v9 =	vld [tilespmem:s16+$0x850]  }
0x48: {  	v5 =	vmax.f32 v5, v10;
	v10 =	vld [tilespmem:s16+$0x860]  }
0x49: {  	v5 =	vmax.f32 v5, v6;
	v6 =	vld [tilespmem:s16+$0x870]  }
0x4a: {  	v5 =	vmax.f32 v5, v7;
	v11 =	vld [tilespmem:s16+$0xC00]  }
0x4b: {  	v5 =	vmax.f32 v5, v8;
	v8 =	vld [tilespmem:s16+$0xC10]  }
0x4c: {  	v5 =	vmax.f32 v5, v9;
	v9 =	vld [tilespmem:s16+$0xC20]  }
.Ltmp0:
0x4d: {  	v5 =	vmax.f32 v5, v10;
	v7 =	vld [tilespmem:s16+$0xC30];
	(pc) =	sbr.rel @p0 .LBB2_2-.Ltmp0, $4  }
0x4e: {  	v5 =	vmax.f32 v5, v6;
	v6 =	vld [tilespmem:s16+$0xC40]  }
0x4f: {  	s17 =	sadd.s32 $0x80, s17;
	v10 =	vmax.f32 v5, v11;
	v5 =	vld [tilespmem:s16+$0xC50]  }
0x50: {  	s19 =	sand.u32 $0x7000, s18;
	s20 =	sand.u32 $0x380, s17;
	v10 =	vmax.f32 v10, v8;
	v8 =	vld [tilespmem:s16+$0xC60]  }
0x51: {  	s18 =	sadd.s32 $0x200, s18;
	v10 =	vmax.f32 v10, v9;
	v9 =	vld [tilespmem:s16+$0xC70];
	s16 =	sor.u32 s20, s19  }
0x52: {  	v11 =	vld [tilespmem:s16+$0x0]  }
0x53: {  	v12 =	vld [tilespmem:s16+$0x10]  }
0x54: {  	v13 =	vld [tilespmem:s16+$0x20]  }
0x55: {  	v14 =	vld [tilespmem:s16+$0x30]  }
0x56: {  	v15 =	vld [tilespmem:s16+$0x40]  }
0x57: {  	v16 =	vld [tilespmem:s16+$0x50]  }
0x58: {  	v17 =	vld [tilespmem:s16+$0x60]  }
0x59: {  	v18 =	vld [tilespmem:s16+$0x70]  }
0x5a: {  	v19 =	vld [tilespmem:s16+$0x400]  }
0x5b: {  	v20 =	vld [tilespmem:s16+$0x410]  }
0x5c: {  	v21 =	vld [tilespmem:s16+$0x420]  }
0x5d: {  	v22 =	vld [tilespmem:s16+$0x430]  }
0x5e: {  	v23 =	vld [tilespmem:s16+$0x440]  }
0x5f: {  	v24 =	vld [tilespmem:s16+$0x450]  }
0x60: {  	v25 =	vld [tilespmem:s16+$0x460]  }
0x61: {  	v26 =	vld [tilespmem:s16+$0x470]  }
0x62: {  	v27 =	vld [tilespmem:s16+$0x800]  }
0x63: {  	v28 =	vld [tilespmem:s16+$0x810]  }
0x64: {  	v29 =	vld [tilespmem:s16+$0x820]  }
0x65: {  	v30 =	vld [tilespmem:s16+$0x830]  }
0x66: {  	v31 =	vld [tilespmem:s16+$0x840]  }
0x67: {  	v32 =	vld [tilespmem:s16+$0x850]  }
0x68: {  	v33 =	vld [tilespmem:s16+$0x860]  }
0x69: {  	v34 =	vld [tilespmem:s16+$0x870];
	v11 =	vmax.f32 v11, v12  }
0x6a: {  	v63 =	vld [tilespmem:s16+$0xC00];
	v11 =	vmax.f32 v11, v13  }
0x6b: {  	v35 =	vld [tilespmem:s16+$0xC10];
	v11 =	vmax.f32 v11, v14  }
0x6c: {  	v36 =	vld [tilespmem:s16+$0xC20];
	v11 =	vmax.f32 v11, v15  }
0x6d: {  	v37 =	vld [tilespmem:s16+$0xC30];
	v11 =	vmax.f32 v11, v16  }
0x6e: {  	v38 =	vld [tilespmem:s16+$0xC40];
	v11 =	vmax.f32 v11, v17  }
0x6f: {  	v39 =	vld [tilespmem:s16+$0xC50];
	v11 =	vmax.f32 v11, v18  }
0x70: {  	v40 =	vld [tilespmem:s16+$0xC60];
	s30 =	simm.s32 $0x0;
	v11 =	vmax.f32 v11, v19  }
0x71: {  	v41 =	vld [tilespmem:s16+$0xC70];
	[tilespmem:s30], [sflag:$0x1] =	stream.linear.gather [hbm4b:s4+s30], $0x8000, $0x38;
	v11 =	vmax.f32 v11, v20  }
0x72: {  	_ =	swait.ge [sflag:s13], $0x8000;
	v11 =	vmax.f32 v11, v21  }
0x73: {  	s17 =	sand.u32 $0x7000, s30;
	s16 =	sand.u32 $0x380, s30;
	[sflag:s13] =	ssyncset.done $0x0;
	v11 =	vmax.f32 v11, v22  }
0x74: {  	s19 =	sor.u32 s16, s17;
	[sflag:s13] =	ssyncadd.s32 $0xFFFF8000;
	v11 =	vmax.f32 v11, v23  }
0x75: {  	v42 =	vld [tilespmem:s19+$0x0];
	v11 =	vmax.f32 v11, v24  }
0x76: {  	v43 =	vld [tilespmem:s19+$0x10];
	v11 =	vmax.f32 v11, v25  }
0x77: {  	v44 =	vld [tilespmem:s19+$0x20];
	v11 =	vmax.f32 v11, v26  }
0x78: {  	v45 =	vld [tilespmem:s19+$0x30];
	v11 =	vmax.f32 v11, v27  }
0x79: {  	v46 =	vld [tilespmem:s19+$0x40];
	v11 =	vmax.f32 v11, v28  }
0x7a: {  	v47 =	vld [tilespmem:s19+$0x50];
	v11 =	vmax.f32 v11, v29  }
0x7b: {  	v48 =	vld [tilespmem:s19+$0x60];
	v20 =	vmax.f32 v42, v43;
	v11 =	vmax.f32 v11, v30  }
0x7c: {  	v49 =	vld [tilespmem:s19+$0x70];
	v20 =	vmax.f32 v20, v44;
	v11 =	vmax.f32 v11, v31  }
0x7d: {  	v50 =	vld [tilespmem:s19+$0x400];
	v20 =	vmax.f32 v20, v45;
	v11 =	vmax.f32 v11, v32  }
0x7e: {  	v51 =	vld [tilespmem:s19+$0x410];
	v20 =	vmax.f32 v20, v46;
	v11 =	vmax.f32 v11, v33  }
0x7f: {  	v52 =	vld [tilespmem:s19+$0x420];
	v20 =	vmax.f32 v20, v47;
	v11 =	vmax.f32 v11, v34  }
0x80: {  	v54 =	vld [tilespmem:s19+$0x430];
	v53 =	vmax.f32 v20, v48;
	v11 =	vmax.f32 v11, v63  }
0x81: {  	v7 =	vmax.f32 v10, v7;
	v55 =	vld [tilespmem:s19+$0x440];
	v10 =	vmax.f32 v11, v35;
	v11 =	vmax.f32 v53, v49  }
0x82: {  	v6 =	vmax.f32 v7, v6;
	v7 =	vmax.f32 v10, v36;
	v10 =	vmax.f32 v11, v50;
	v11 =	vld [tilespmem:s19+$0x450]  }
0x83: {  	v5 =	vmax.f32 v6, v5;
	v6 =	vmax.f32 v7, v37;
	v7 =	vmax.f32 v10, v51;
	v10 =	vld [tilespmem:s19+$0x460]  }
0x84: {  	v5 =	vmax.f32 v5, v8;
	v8 =	vld [tilespmem:s19+$0x470];
	v6 =	vmax.f32 v6, v38;
	v7 =	vmax.f32 v7, v52  }
0x85: {  	v5 =	vmax.f32 v5, v9;
	v9 =	vld [tilespmem:s19+$0x800];
	v6 =	vmax.f32 v6, v39;
	v7 =	vmax.f32 v7, v54  }
0x86: {  	v56 =	vperm.xlane v5, v0;
	v57 =	vld [tilespmem:s19+$0x810];
	v6 =	vmax.f32 v6, v40;
	v7 =	vmax.f32 v7, v55  }
0x87: {  	v6 =	vmax.f32 v6, v41;
	v7 =	vmax.f32 v7, v11;
	v11 =	vld [tilespmem:s19+$0x820]  }
0x88: {  	v5 =	vmax.f32 v5, v56;
	v58 =	vperm.xlane v6, v0;
	v7 =	vmax.f32 v7, v10;
	v10 =	vld [tilespmem:s19+$0x830]  }
0x89: {  	v59 =	vperm.xlane v5, v1;
	v7 =	vmax.f32 v7, v8;
	v8 =	vld [tilespmem:s19+$0x840]  }
0x8a: {  	v6 =	vmax.f32 v6, v58;
	v7 =	vmax.f32 v7, v9;
	v9 =	vld [tilespmem:s19+$0x850]  }
0x8b: {  	v60 =	vld [tilespmem:s19+$0x860];
	v5 =	vmax.f32 v5, v59;
	v13 =	vperm.xlane v6, v1;
	v7 =	vmax.f32 v7, v57  }
0x8c: {  	v14 =	vperm.xlane v5, v2;
	v7 =	vmax.f32 v7, v11;
	v11 =	vld [tilespmem:s19+$0x870]  }
0x8d: {  	v6 =	vmax.f32 v6, v13;
	v7 =	vmax.f32 v7, v10;
	v10 =	vld [tilespmem:s19+$0xC00]  }
0x8e: {  	v61 =	vld [tilespmem:s19+$0xC10];
	v5 =	vmax.f32 v5, v14;
	v13 =	vperm.xlane v6, v2;
	v7 =	vmax.f32 v7, v8  }
0x8f: {  	v62 =	vld [tilespmem:s19+$0xC20];
	v8 =	vperm.xlane v5, v3;
	v7 =	vmax.f32 v7, v9  }
0x90: {  	v9 =	vmax.f32 v6, v13;
	v7 =	vmax.f32 v7, v60;
	v6 =	vld [tilespmem:s19+$0xC30]  }
0x91: {  	v5 =	vmax.f32 v5, v8;
	v63 =	vperm.xlane v9, v3;
	v8 =	vmax.f32 v7, v11;
	v7 =	vld [tilespmem:s19+$0xC40]  }
0x92: {  	s31 =	simm.s32 $0x200;
	s17 =	simm.s32 $0x80;
	v4 =	vadd.f32 v5, v4;
	v5 =	vmax.f32 v8, v10;
	v8 =	vld [tilespmem:s19+$0xC50]  }
0x93: {  	s16 =	sand.u32 $0x7000, s31;
	s18 =	sand.u32 $0x380, s17;
	v10 =	vmax.f32 v9, v63;
	v11 =	vmax.f32 v5, v61;
	v9 =	vld [tilespmem:s19+$0xC60]  }
0x94: {  	s16 =	sor.u32 s18, s16;
	s18 =	simm.s32 $0x400;
	v5 =	vimm.f32 $0.0e+00;
	v4 =	vadd.f32 v10, v4;
	v11 =	vmax.f32 v11, v62;
	v10 =	vld [tilespmem:s19+$0xC70]  }
.LBB2_4:
0x95: {  	p0 =	sne.s32 s18, $0x7E00;
	v12 =	vld [tilespmem:s16+$0x0];
	v6 =	vmax.f32 v11, v6  }
0x96: {  	v11 =	vld [tilespmem:s16+$0x10];
	v6 =	vmax.f32 v6, v7  }
0x97: {  	v7 =	vld [tilespmem:s16+$0x20];
	v6 =	vmax.f32 v6, v8  }
0x98: {  	v8 =	vld [tilespmem:s16+$0x30];
	v6 =	vmax.f32 v6, v9  }
0x99: {  	v9 =	vld [tilespmem:s16+$0x40];
	v6 =	vmax.f32 v6, v10  }
0x9a: {  	v10 =	vld [tilespmem:s16+$0x50];
	v13 =	vperm.xlane v6, v0  }
0x9b: {  	v11 =	vmax.f32 v12, v11;
	v12 =	vld [tilespmem:s16+$0x60]  }
0x9c: {  	v7 =	vmax.f32 v11, v7;
	v11 =	vld [tilespmem:s16+$0x70];
	v6 =	vmax.f32 v6, v13  }
0x9d: {  	v7 =	vmax.f32 v7, v8;
	v8 =	vld [tilespmem:s16+$0x400];
	v13 =	vperm.xlane v6, v1  }
0x9e: {  	v7 =	vmax.f32 v7, v9;
	v9 =	vld [tilespmem:s16+$0x410]  }
0x9f: {  	v7 =	vmax.f32 v7, v10;
	v10 =	vld [tilespmem:s16+$0x420];
	v6 =	vmax.f32 v6, v13  }
0xa0: {  	v7 =	vmax.f32 v7, v12;
	v12 =	vld [tilespmem:s16+$0x430];
	v13 =	vperm.xlane v6, v2  }
0xa1: {  	v7 =	vmax.f32 v7, v11;
	v11 =	vld [tilespmem:s16+$0x440]  }
0xa2: {  	v7 =	vmax.f32 v7, v8;
	v8 =	vld [tilespmem:s16+$0x450];
	v6 =	vmax.f32 v6, v13  }
0xa3: {  	v7 =	vmax.f32 v7, v9;
	v9 =	vld [tilespmem:s16+$0x460];
	v13 =	vperm.xlane v6, v3  }
0xa4: {  	v7 =	vmax.f32 v7, v10;
	v10 =	vld [tilespmem:s16+$0x470]  }
0xa5: {  	v7 =	vmax.f32 v7, v12;
	v12 =	vld [tilespmem:s16+$0x800];
	v6 =	vmax.f32 v6, v13  }
0xa6: {  	v7 =	vmax.f32 v7, v11;
	v11 =	vld [tilespmem:s16+$0x810];
	v5 =	vadd.f32 v6, v5  }
0xa7: {  	v6 =	vmax.f32 v7, v8;
	v7 =	vld [tilespmem:s16+$0x820]  }
0xa8: {  	v6 =	vmax.f32 v6, v9;
	v8 =	vld [tilespmem:s16+$0x830]  }
0xa9: {  	v6 =	vmax.f32 v6, v10;
	v9 =	vld [tilespmem:s16+$0x840]  }
0xaa: {  	v6 =	vmax.f32 v6, v12;
	v10 =	vld [tilespmem:s16+$0x850]  }
0xab: {  	v6 =	vmax.f32 v6, v11;
	v11 =	vld [tilespmem:s16+$0x860]  }
0xac: {  	v6 =	vmax.f32 v6, v7;
	v7 =	vld [tilespmem:s16+$0x870]  }
0xad: {  	v6 =	vmax.f32 v6, v8;
	v8 =	vld [tilespmem:s16+$0xC00]  }
0xae: {  	v6 =	vmax.f32 v6, v9;
	v9 =	vld [tilespmem:s16+$0xC10]  }
0xaf: {  	v6 =	vmax.f32 v6, v10;
	v10 =	vld [tilespmem:s16+$0xC20]  }
.Ltmp1:
0xb0: {  	v11 =	vmax.f32 v6, v11;
	v6 =	vld [tilespmem:s16+$0xC30];
	(pc) =	sbr.rel @p0 .LBB2_4-.Ltmp1, $4  }
0xb1: {  	v11 =	vmax.f32 v11, v7;
	v7 =	vld [tilespmem:s16+$0xC40]  }
0xb2: {  	s17 =	sadd.s32 $0x80, s17;
	v11 =	vmax.f32 v11, v8;
	v8 =	vld [tilespmem:s16+$0xC50]  }
0xb3: {  	s19 =	sand.u32 $0x7000, s18;
	s20 =	sand.u32 $0x380, s17;
	v11 =	vmax.f32 v11, v9;
	v9 =	vld [tilespmem:s16+$0xC60]  }
0xb4: {  	s18 =	sadd.s32 $0x200, s18;
	v11 =	vmax.f32 v11, v10;
	v10 =	vld [tilespmem:s16+$0xC70];
	s16 =	sor.u32 s20, s19  }
0xb5: {  	v12 =	vld [tilespmem:s16+$0x0]  }
0xb6: {  	v13 =	vld [tilespmem:s16+$0x10]  }
0xb7: {  	v14 =	vld [tilespmem:s16+$0x20]  }
0xb8: {  	v15 =	vld [tilespmem:s16+$0x30]  }
0xb9: {  	v16 =	vld [tilespmem:s16+$0x40]  }
0xba: {  	v17 =	vld [tilespmem:s16+$0x50]  }
0xbb: {  	v18 =	vld [tilespmem:s16+$0x60]  }
0xbc: {  	v19 =	vld [tilespmem:s16+$0x70]  }
0xbd: {  	v20 =	vld [tilespmem:s16+$0x400]  }
0xbe: {  	v21 =	vld [tilespmem:s16+$0x410]  }
0xbf: {  	v22 =	vld [tilespmem:s16+$0x420]  }
0xc0: {  	v23 =	vld [tilespmem:s16+$0x430]  }
0xc1: {  	v24 =	vld [tilespmem:s16+$0x440]  }
0xc2: {  	v25 =	vld [tilespmem:s16+$0x450]  }
0xc3: {  	v26 =	vld [tilespmem:s16+$0x460]  }
0xc4: {  	v27 =	vld [tilespmem:s16+$0x470]  }
0xc5: {  	v28 =	vld [tilespmem:s16+$0x800]  }
0xc6: {  	v29 =	vld [tilespmem:s16+$0x810]  }
0xc7: {  	v30 =	vld [tilespmem:s16+$0x820]  }
0xc8: {  	v31 =	vld [tilespmem:s16+$0x830]  }
0xc9: {  	v32 =	vld [tilespmem:s16+$0x840]  }
0xca: {  	v33 =	vld [tilespmem:s16+$0x850]  }
0xcb: {  	v34 =	vld [tilespmem:s16+$0x860]  }
0xcc: {  	v35 =	vld [tilespmem:s16+$0x870];
	v12 =	vmax.f32 v12, v13  }
0xcd: {  	v46 =	vld [tilespmem:s16+$0xC30];
	v12 =	vmax.f32 v12, v14  }
0xce: {  	v47 =	vld [tilespmem:s16+$0xC40];
	v12 =	vmax.f32 v12, v15  }
0xcf: {  	v48 =	vld [tilespmem:s16+$0xC50];
	v12 =	vmax.f32 v12, v16  }
0xd0: {  	v49 =	vld [tilespmem:s16+$0xC60];
	v12 =	vmax.f32 v12, v17  }
0xd1: {  	v50 =	vld [tilespmem:s16+$0xC70];
	v12 =	vmax.f32 v12, v18  }
0xd2: {  	v13 =	vld [tilespmem:s16+$0xC00];
	v12 =	vmax.f32 v12, v19  }
0xd3: {  	s30 =	simm.s32 $0x0;
	v14 =	vld [tilespmem:s16+$0xC10];
	v12 =	vmax.f32 v12, v20  }
0xd4: {  	v15 =	vld [tilespmem:s16+$0xC20];
	[tilespmem:s30], [sflag:$0x1] =	stream.linear.gather [hbm4b:s5+s30], $0x8000, $0x38;
	v12 =	vmax.f32 v12, v21  }
0xd5: {  	_ =	swait.ge [sflag:s13], $0x8000;
	v12 =	vmax.f32 v12, v22  }
0xd6: {  	s17 =	sand.u32 $0x7000, s30;
	s16 =	sand.u32 $0x380, s30;
	[sflag:s13] =	ssyncset.done $0x0;
	v12 =	vmax.f32 v12, v23  }
0xd7: {  	s19 =	sor.u32 s16, s17;
	[sflag:s13] =	ssyncadd.s32 $0xFFFF8000;
	v12 =	vmax.f32 v12, v24  }
0xd8: {  	v51 =	vld [tilespmem:s19+$0x0];
	v12 =	vmax.f32 v12, v25  }
0xd9: {  	v52 =	vld [tilespmem:s19+$0x10];
	v12 =	vmax.f32 v12, v26  }
0xda: {  	v53 =	vld [tilespmem:s19+$0x20];
	v12 =	vmax.f32 v12, v27  }
0xdb: {  	v54 =	vld [tilespmem:s19+$0x30];
	v12 =	vmax.f32 v12, v28  }
0xdc: {  	v55 =	vld [tilespmem:s19+$0x40];
	v12 =	vmax.f32 v12, v29  }
0xdd: {  	v56 =	vld [tilespmem:s19+$0x50];
	v12 =	vmax.f32 v12, v30  }
0xde: {  	v57 =	vld [tilespmem:s19+$0x60];
	v21 =	vmax.f32 v51, v52;
	v12 =	vmax.f32 v12, v31  }
0xdf: {  	v58 =	vld [tilespmem:s19+$0x70];
	v21 =	vmax.f32 v21, v53;
	v12 =	vmax.f32 v12, v32  }
0xe0: {  	v59 =	vld [tilespmem:s19+$0x400];
	v21 =	vmax.f32 v21, v54;
	v12 =	vmax.f32 v12, v33  }
0xe1: {  	v60 =	vld [tilespmem:s19+$0x410];
	v21 =	vmax.f32 v21, v55;
	v12 =	vmax.f32 v12, v34  }
0xe2: {  	v61 =	vld [tilespmem:s19+$0x420];
	v21 =	vmax.f32 v21, v56;
	v12 =	vmax.f32 v12, v35  }
0xe3: {  	v62 =	vld [tilespmem:s19+$0x430];
	v12 =	vmax.f32 v12, v13;
	v13 =	vmax.f32 v21, v57  }
0xe4: {  	v6 =	vmax.f32 v11, v6;
	v11 =	vmax.f32 v12, v14;
	v12 =	vmax.f32 v13, v58;
	v13 =	vld [tilespmem:s19+$0x440]  }
0xe5: {  	v6 =	vmax.f32 v6, v7;
	v7 =	vmax.f32 v11, v15;
	v11 =	vmax.f32 v12, v59;
	v12 =	vld [tilespmem:s19+$0x450]  }
0xe6: {  	v6 =	vmax.f32 v6, v8;
	v7 =	vmax.f32 v7, v46;
	v8 =	vmax.f32 v11, v60;
	v11 =	vld [tilespmem:s19+$0x460]  }
0xe7: {  	v6 =	vmax.f32 v6, v9;
	v9 =	vld [tilespmem:s19+$0x470];
	v7 =	vmax.f32 v7, v47;
	v8 =	vmax.f32 v8, v61  }
0xe8: {  	v6 =	vmax.f32 v6, v10;
	v10 =	vld [tilespmem:s19+$0x800];
	v7 =	vmax.f32 v7, v48;
	v8 =	vmax.f32 v8, v62  }
0xe9: {  	v14 =	vperm.xlane v6, v0;
	v7 =	vmax.f32 v7, v49;
	v8 =	vmax.f32 v8, v13;
	v13 =	vld [tilespmem:s19+$0x810]  }
0xea: {  	v7 =	vmax.f32 v7, v50;
	v8 =	vmax.f32 v8, v12;
	v12 =	vld [tilespmem:s19+$0x820]  }
0xeb: {  	v6 =	vmax.f32 v6, v14;
	v14 =	vperm.xlane v7, v0;
	v8 =	vmax.f32 v8, v11;
	v11 =	vld [tilespmem:s19+$0x830]  }
0xec: {  	v15 =	vperm.xlane v6, v1;
	v8 =	vmax.f32 v8, v9;
	v9 =	vld [tilespmem:s19+$0x840]  }
0xed: {  	v7 =	vmax.f32 v7, v14;
	v8 =	vmax.f32 v8, v10;
	v10 =	vld [tilespmem:s19+$0x850]  }
0xee: {  	v6 =	vmax.f32 v6, v15;
	v14 =	vperm.xlane v7, v1;
	v8 =	vmax.f32 v8, v13;
	v13 =	vld [tilespmem:s19+$0x860]  }
0xef: {  	v15 =	vperm.xlane v6, v2;
	v8 =	vmax.f32 v8, v12;
	v12 =	vld [tilespmem:s19+$0x870]  }
0xf0: {  	v7 =	vmax.f32 v7, v14;
	v8 =	vmax.f32 v8, v11;
	v11 =	vld [tilespmem:s19+$0xC00]  }
0xf1: {  	v6 =	vmax.f32 v6, v15;
	v15 =	vld [tilespmem:s19+$0xC10];
	v14 =	vperm.xlane v7, v2;
	v8 =	vmax.f32 v8, v9  }
0xf2: {  	v63 =	vld [tilespmem:s19+$0xC20];
	v9 =	vperm.xlane v6, v3;
	v8 =	vmax.f32 v8, v10  }
0xf3: {  	v10 =	vmax.f32 v7, v14;
	v8 =	vmax.f32 v8, v13;
	v7 =	vld [tilespmem:s19+$0xC30]  }
0xf4: {  	v6 =	vmax.f32 v6, v9;
	v13 =	vperm.xlane v10, v3;
	v9 =	vmax.f32 v8, v12;
	v8 =	vld [tilespmem:s19+$0xC40]  }
0xf5: {  	s31 =	simm.s32 $0x200;
	s17 =	simm.s32 $0x80;
	v5 =	vadd.f32 v6, v5;
	v6 =	vmax.f32 v9, v11;
	v9 =	vld [tilespmem:s19+$0xC50]  }
0xf6: {  	s16 =	sand.u32 $0x7000, s31;
	s18 =	sand.u32 $0x380, s17;
	v11 =	vmax.f32 v10, v13;
	v12 =	vmax.f32 v6, v15;
	v10 =	vld [tilespmem:s19+$0xC60]  }
0xf7: {  	s16 =	sor.u32 s18, s16;
	s18 =	simm.s32 $0x400;
	v6 =	vimm.f32 $0.0e+00;
	v5 =	vadd.f32 v11, v5;
	v12 =	vmax.f32 v12, v63;
	v11 =	vld [tilespmem:s19+$0xC70]  }
.LBB2_6:
0xf8: {  	p0 =	sne.s32 s18, $0x7E00;
	v13 =	vld [tilespmem:s16+$0x0];
	v7 =	vmax.f32 v12, v7  }
0xf9: {  	v12 =	vld [tilespmem:s16+$0x10];
	v7 =	vmax.f32 v7, v8  }
0xfa: {  	v8 =	vld [tilespmem:s16+$0x20];
	v7 =	vmax.f32 v7, v9  }
0xfb: {  	v9 =	vld [tilespmem:s16+$0x30];
	v7 =	vmax.f32 v7, v10  }
0xfc: {  	v10 =	vld [tilespmem:s16+$0x40];
	v7 =	vmax.f32 v7, v11  }
0xfd: {  	v11 =	vld [tilespmem:s16+$0x50];
	v14 =	vperm.xlane v7, v0  }
0xfe: {  	v12 =	vmax.f32 v13, v12;
	v13 =	vld [tilespmem:s16+$0x60]  }
0xff: {  	v8 =	vmax.f32 v12, v8;
	v12 =	vld [tilespmem:s16+$0x70];
	v7 =	vmax.f32 v7, v14  }
0x100: {  	v8 =	vmax.f32 v8, v9;
	v9 =	vld [tilespmem:s16+$0x400];
	v14 =	vperm.xlane v7, v1  }
0x101: {  	v8 =	vmax.f32 v8, v10;
	v10 =	vld [tilespmem:s16+$0x410]  }
0x102: {  	v8 =	vmax.f32 v8, v11;
	v11 =	vld [tilespmem:s16+$0x420];
	v7 =	vmax.f32 v7, v14  }
0x103: {  	v8 =	vmax.f32 v8, v13;
	v13 =	vld [tilespmem:s16+$0x430];
	v14 =	vperm.xlane v7, v2  }
0x104: {  	v8 =	vmax.f32 v8, v12;
	v12 =	vld [tilespmem:s16+$0x440]  }
0x105: {  	v8 =	vmax.f32 v8, v9;
	v9 =	vld [tilespmem:s16+$0x450];
	v7 =	vmax.f32 v7, v14  }
0x106: {  	v8 =	vmax.f32 v8, v10;
	v10 =	vld [tilespmem:s16+$0x460];
	v14 =	vperm.xlane v7, v3  }
0x107: {  	v8 =	vmax.f32 v8, v11;
	v11 =	vld [tilespmem:s16+$0x470]  }
0x108: {  	v8 =	vmax.f32 v8, v13;
	v13 =	vld [tilespmem:s16+$0x800];
	v7 =	vmax.f32 v7, v14  }
0x109: {  	v8 =	vmax.f32 v8, v12;
	v12 =	vld [tilespmem:s16+$0x810];
	v6 =	vadd.f32 v7, v6  }
0x10a: {  	v7 =	vmax.f32 v8, v9;
	v8 =	vld [tilespmem:s16+$0x820]  }
0x10b: {  	v7 =	vmax.f32 v7, v10;
	v9 =	vld [tilespmem:s16+$0x830]  }
0x10c: {  	v7 =	vmax.f32 v7, v11;
	v10 =	vld [tilespmem:s16+$0x840]  }
0x10d: {  	v7 =	vmax.f32 v7, v13;
	v11 =	vld [tilespmem:s16+$0x850]  }
0x10e: {  	v7 =	vmax.f32 v7, v12;
	v12 =	vld [tilespmem:s16+$0x860]  }
0x10f: {  	v7 =	vmax.f32 v7, v8;
	v8 =	vld [tilespmem:s16+$0x870]  }
0x110: {  	v7 =	vmax.f32 v7, v9;
	v9 =	vld [tilespmem:s16+$0xC00]  }
0x111: {  	v7 =	vmax.f32 v7, v10;
	v10 =	vld [tilespmem:s16+$0xC10]  }
0x112: {  	v7 =	vmax.f32 v7, v11;
	v11 =	vld [tilespmem:s16+$0xC20]  }
.Ltmp2:
0x113: {  	v12 =	vmax.f32 v7, v12;
	v7 =	vld [tilespmem:s16+$0xC30];
	(pc) =	sbr.rel @p0 .LBB2_6-.Ltmp2, $4  }
0x114: {  	v12 =	vmax.f32 v12, v8;
	v8 =	vld [tilespmem:s16+$0xC40]  }
0x115: {  	s17 =	sadd.s32 $0x80, s17;
	v12 =	vmax.f32 v12, v9;
	v9 =	vld [tilespmem:s16+$0xC50]  }
0x116: {  	s19 =	sand.u32 $0x7000, s18;
	s20 =	sand.u32 $0x380, s17;
	v12 =	vmax.f32 v12, v10;
	v10 =	vld [tilespmem:s16+$0xC60]  }
0x117: {  	s18 =	sadd.s32 $0x200, s18;
	v12 =	vmax.f32 v12, v11;
	v11 =	vld [tilespmem:s16+$0xC70];
	s16 =	sor.u32 s20, s19  }
0x118: {  	v13 =	vld [tilespmem:s16+$0x0]  }
0x119: {  	v14 =	vld [tilespmem:s16+$0x10]  }
0x11a: {  	v15 =	vld [tilespmem:s16+$0x20]  }
0x11b: {  	v16 =	vld [tilespmem:s16+$0x30]  }
0x11c: {  	v17 =	vld [tilespmem:s16+$0x40]  }
0x11d: {  	v18 =	vld [tilespmem:s16+$0x50]  }
0x11e: {  	v19 =	vld [tilespmem:s16+$0x60]  }
0x11f: {  	v20 =	vld [tilespmem:s16+$0x70]  }
0x120: {  	v21 =	vld [tilespmem:s16+$0x400]  }
0x121: {  	v22 =	vld [tilespmem:s16+$0x410]  }
0x122: {  	v23 =	vld [tilespmem:s16+$0x420]  }
0x123: {  	v24 =	vld [tilespmem:s16+$0x430]  }
0x124: {  	v25 =	vld [tilespmem:s16+$0x440]  }
0x125: {  	v26 =	vld [tilespmem:s16+$0x450]  }
0x126: {  	v27 =	vld [tilespmem:s16+$0x460]  }
0x127: {  	v28 =	vld [tilespmem:s16+$0x470]  }
0x128: {  	v29 =	vld [tilespmem:s16+$0x800]  }
0x129: {  	v30 =	vld [tilespmem:s16+$0x810]  }
0x12a: {  	v31 =	vld [tilespmem:s16+$0x820]  }
0x12b: {  	v32 =	vld [tilespmem:s16+$0x830]  }
0x12c: {  	v33 =	vld [tilespmem:s16+$0x840]  }
0x12d: {  	v34 =	vld [tilespmem:s16+$0x850]  }
0x12e: {  	v35 =	vld [tilespmem:s16+$0x860]  }
0x12f: {  	v36 =	vld [tilespmem:s16+$0x870];
	v13 =	vmax.f32 v13, v14  }
0x130: {  	v43 =	vld [tilespmem:s16+$0xC20];
	v13 =	vmax.f32 v13, v15  }
0x131: {  	v44 =	vld [tilespmem:s16+$0xC30];
	v13 =	vmax.f32 v13, v16  }
0x132: {  	v45 =	vld [tilespmem:s16+$0xC40];
	v13 =	vmax.f32 v13, v17  }
0x133: {  	v46 =	vld [tilespmem:s16+$0xC50];
	v13 =	vmax.f32 v13, v18  }
0x134: {  	v47 =	vld [tilespmem:s16+$0xC60];
	v13 =	vmax.f32 v13, v19  }
0x135: {  	v48 =	vld [tilespmem:s16+$0xC70];
	v13 =	vmax.f32 v13, v20  }
0x136: {  	s30 =	simm.s32 $0x0;
	v14 =	vld [tilespmem:s16+$0xC00];
	v13 =	vmax.f32 v13, v21  }
0x137: {  	v15 =	vld [tilespmem:s16+$0xC10];
	[tilespmem:s30], [sflag:$0x1] =	stream.linear.gather [hbm4b:s6+s30], $0x8000, $0x38;
	v13 =	vmax.f32 v13, v22  }
0x138: {  	_ =	swait.ge [sflag:s13], $0x8000;
	v13 =	vmax.f32 v13, v23  }
0x139: {  	s17 =	sand.u32 $0x7000, s30;
	s16 =	sand.u32 $0x380, s30;
	[sflag:s13] =	ssyncset.done $0x0;
	v13 =	vmax.f32 v13, v24  }
0x13a: {  	s19 =	sor.u32 s16, s17;
	[sflag:s13] =	ssyncadd.s32 $0xFFFF8000;
	v13 =	vmax.f32 v13, v25  }
0x13b: {  	v49 =	vld [tilespmem:s19+$0x0];
	v13 =	vmax.f32 v13, v26  }
0x13c: {  	v50 =	vld [tilespmem:s19+$0x10];
	v13 =	vmax.f32 v13, v27  }
0x13d: {  	v51 =	vld [tilespmem:s19+$0x20];
	v13 =	vmax.f32 v13, v28  }
0x13e: {  	v52 =	vld [tilespmem:s19+$0x30];
	v13 =	vmax.f32 v13, v29  }
0x13f: {  	v53 =	vld [tilespmem:s19+$0x40];
	v13 =	vmax.f32 v13, v30  }
0x140: {  	v54 =	vld [tilespmem:s19+$0x50];
	v13 =	vmax.f32 v13, v31  }
0x141: {  	v55 =	vld [tilespmem:s19+$0x60];
	v22 =	vmax.f32 v49, v50;
	v13 =	vmax.f32 v13, v32  }
0x142: {  	v56 =	vld [tilespmem:s19+$0x70];
	v22 =	vmax.f32 v22, v51;
	v13 =	vmax.f32 v13, v33  }
0x143: {  	v57 =	vld [tilespmem:s19+$0x400];
	v22 =	vmax.f32 v22, v52;
	v13 =	vmax.f32 v13, v34  }
0x144: {  	v58 =	vld [tilespmem:s19+$0x410];
	v22 =	vmax.f32 v22, v53;
	v13 =	vmax.f32 v13, v35  }
0x145: {  	v59 =	vld [tilespmem:s19+$0x420];
	v22 =	vmax.f32 v22, v54;
	v13 =	vmax.f32 v13, v36  }
0x146: {  	v60 =	vld [tilespmem:s19+$0x430];
	v13 =	vmax.f32 v13, v14;
	v14 =	vmax.f32 v22, v55  }
0x147: {  	v7 =	vmax.f32 v12, v7;
	v12 =	vmax.f32 v13, v15;
	v13 =	vmax.f32 v14, v56;
	v14 =	vld [tilespmem:s19+$0x440]  }
0x148: {  	v7 =	vmax.f32 v7, v8;
	v8 =	vmax.f32 v12, v43;
	v12 =	vmax.f32 v13, v57;
	v13 =	vld [tilespmem:s19+$0x450]  }
0x149: {  	v7 =	vmax.f32 v7, v9;
	v8 =	vmax.f32 v8, v44;
	v9 =	vmax.f32 v12, v58;
	v12 =	vld [tilespmem:s19+$0x460]  }
0x14a: {  	v7 =	vmax.f32 v7, v10;
	v10 =	vld [tilespmem:s19+$0x470];
	v8 =	vmax.f32 v8, v45;
	v9 =	vmax.f32 v9, v59  }
0x14b: {  	v7 =	vmax.f32 v7, v11;
	v11 =	vld [tilespmem:s19+$0x800];
	v8 =	vmax.f32 v8, v46;
	v9 =	vmax.f32 v9, v60  }
0x14c: {  	v15 =	vperm.xlane v7, v0;
	v8 =	vmax.f32 v8, v47;
	v9 =	vmax.f32 v9, v14;
	v14 =	vld [tilespmem:s19+$0x810]  }
0x14d: {  	v8 =	vmax.f32 v8, v48;
	v9 =	vmax.f32 v9, v13;
	v13 =	vld [tilespmem:s19+$0x820]  }
0x14e: {  	v7 =	vmax.f32 v7, v15;
	v15 =	vperm.xlane v8, v0;
	v9 =	vmax.f32 v9, v12;
	v12 =	vld [tilespmem:s19+$0x830]  }
0x14f: {  	v61 =	vperm.xlane v7, v1;
	v9 =	vmax.f32 v9, v10;
	v10 =	vld [tilespmem:s19+$0x840]  }
0x150: {  	v8 =	vmax.f32 v8, v15;
	v9 =	vmax.f32 v9, v11;
	v11 =	vld [tilespmem:s19+$0x850]  }
0x151: {  	v7 =	vmax.f32 v7, v61;
	v15 =	vperm.xlane v8, v1;
	v9 =	vmax.f32 v9, v14;
	v14 =	vld [tilespmem:s19+$0x860]  }
0x152: {  	v16 =	vperm.xlane v7, v2;
	v9 =	vmax.f32 v9, v13;
	v13 =	vld [tilespmem:s19+$0x870]  }
0x153: {  	v8 =	vmax.f32 v8, v15;
	v9 =	vmax.f32 v9, v12;
	v12 =	vld [tilespmem:s19+$0xC00]  }
0x154: {  	v62 =	vld [tilespmem:s19+$0xC10];
	v7 =	vmax.f32 v7, v16;
	v15 =	vperm.xlane v8, v2;
	v9 =	vmax.f32 v9, v10  }
0x155: {  	v63 =	vld [tilespmem:s19+$0xC20];
	v10 =	vperm.xlane v7, v3;
	v9 =	vmax.f32 v9, v11  }
0x156: {  	v11 =	vmax.f32 v8, v15;
	v9 =	vmax.f32 v9, v14;
	v8 =	vld [tilespmem:s19+$0xC30]  }
0x157: {  	v7 =	vmax.f32 v7, v10;
	v14 =	vperm.xlane v11, v3;
	v10 =	vmax.f32 v9, v13;
	v9 =	vld [tilespmem:s19+$0xC40]  }
0x158: {  	s31 =	simm.s32 $0x200;
	s17 =	simm.s32 $0x80;
	v6 =	vadd.f32 v7, v6;
	v7 =	vmax.f32 v10, v12;
	v10 =	vld [tilespmem:s19+$0xC50]  }
0x159: {  	s16 =	sand.u32 $0x7000, s31;
	s18 =	sand.u32 $0x380, s17;
	v12 =	vmax.f32 v11, v14;
	v13 =	vmax.f32 v7, v62;
	v11 =	vld [tilespmem:s19+$0xC60]  }
0x15a: {  	s16 =	sor.u32 s18, s16;
	s18 =	simm.s32 $0x400;
	v7 =	vimm.f32 $0.0e+00;
	v6 =	vadd.f32 v12, v6;
	v13 =	vmax.f32 v13, v63;
	v12 =	vld [tilespmem:s19+$0xC70]  }
.LBB2_8:
0x15b: {  	p0 =	sne.s32 s18, $0x7E00;
	v14 =	vld [tilespmem:s16+$0x0];
	v8 =	vmax.f32 v13, v8  }
0x15c: {  	v13 =	vld [tilespmem:s16+$0x10];
	v8 =	vmax.f32 v8, v9  }
0x15d: {  	v9 =	vld [tilespmem:s16+$0x20];
	v8 =	vmax.f32 v8, v10  }
0x15e: {  	v10 =	vld [tilespmem:s16+$0x30];
	v8 =	vmax.f32 v8, v11  }
0x15f: {  	v11 =	vld [tilespmem:s16+$0x40];
	v8 =	vmax.f32 v8, v12  }
0x160: {  	v12 =	vld [tilespmem:s16+$0x50];
	v15 =	vperm.xlane v8, v0  }
0x161: {  	v13 =	vmax.f32 v14, v13;
	v14 =	vld [tilespmem:s16+$0x60]  }
0x162: {  	v9 =	vmax.f32 v13, v9;
	v13 =	vld [tilespmem:s16+$0x70];
	v8 =	vmax.f32 v8, v15  }
0x163: {  	v9 =	vmax.f32 v9, v10;
	v10 =	vld [tilespmem:s16+$0x400];
	v15 =	vperm.xlane v8, v1  }
0x164: {  	v9 =	vmax.f32 v9, v11;
	v11 =	vld [tilespmem:s16+$0x410]  }
0x165: {  	v9 =	vmax.f32 v9, v12;
	v12 =	vld [tilespmem:s16+$0x420];
	v8 =	vmax.f32 v8, v15  }
0x166: {  	v9 =	vmax.f32 v9, v14;
	v14 =	vld [tilespmem:s16+$0x430];
	v15 =	vperm.xlane v8, v2  }
0x167: {  	v9 =	vmax.f32 v9, v13;
	v13 =	vld [tilespmem:s16+$0x440]  }
0x168: {  	v9 =	vmax.f32 v9, v10;
	v10 =	vld [tilespmem:s16+$0x450];
	v8 =	vmax.f32 v8, v15  }
0x169: {  	v9 =	vmax.f32 v9, v11;
	v11 =	vld [tilespmem:s16+$0x460];
	v15 =	vperm.xlane v8, v3  }
0x16a: {  	v9 =	vmax.f32 v9, v12;
	v12 =	vld [tilespmem:s16+$0x470]  }
0x16b: {  	v9 =	vmax.f32 v9, v14;
	v14 =	vld [tilespmem:s16+$0x800];
	v8 =	vmax.f32 v8, v15  }
0x16c: {  	v9 =	vmax.f32 v9, v13;
	v13 =	vld [tilespmem:s16+$0x810];
	v7 =	vadd.f32 v8, v7  }
0x16d: {  	v8 =	vmax.f32 v9, v10;
	v9 =	vld [tilespmem:s16+$0x820]  }
0x16e: {  	v8 =	vmax.f32 v8, v11;
	v10 =	vld [tilespmem:s16+$0x830]  }
0x16f: {  	v8 =	vmax.f32 v8, v12;
	v11 =	vld [tilespmem:s16+$0x840]  }
0x170: {  	v8 =	vmax.f32 v8, v14;
	v12 =	vld [tilespmem:s16+$0x850]  }
0x171: {  	v8 =	vmax.f32 v8, v13;
	v13 =	vld [tilespmem:s16+$0x860]  }
0x172: {  	v8 =	vmax.f32 v8, v9;
	v9 =	vld [tilespmem:s16+$0x870]  }
0x173: {  	v8 =	vmax.f32 v8, v10;
	v10 =	vld [tilespmem:s16+$0xC00]  }
0x174: {  	v8 =	vmax.f32 v8, v11;
	v11 =	vld [tilespmem:s16+$0xC10]  }
0x175: {  	v8 =	vmax.f32 v8, v12;
	v12 =	vld [tilespmem:s16+$0xC20]  }
.Ltmp3:
0x176: {  	v13 =	vmax.f32 v8, v13;
	v8 =	vld [tilespmem:s16+$0xC30];
	(pc) =	sbr.rel @p0 .LBB2_8-.Ltmp3, $4  }
0x177: {  	v13 =	vmax.f32 v13, v9;
	v9 =	vld [tilespmem:s16+$0xC40]  }
0x178: {  	s17 =	sadd.s32 $0x80, s17;
	v13 =	vmax.f32 v13, v10;
	v10 =	vld [tilespmem:s16+$0xC50]  }
0x179: {  	s19 =	sand.u32 $0x7000, s18;
	s20 =	sand.u32 $0x380, s17;
	v13 =	vmax.f32 v13, v11;
	v11 =	vld [tilespmem:s16+$0xC60]  }
0x17a: {  	s18 =	sadd.s32 $0x200, s18;
	v13 =	vmax.f32 v13, v12;
	v12 =	vld [tilespmem:s16+$0xC70];
	s16 =	sor.u32 s20, s19  }
0x17b: {  	v14 =	vld [tilespmem:s16+$0x0]  }
0x17c: {  	v15 =	vld [tilespmem:s16+$0x10]  }
0x17d: {  	v16 =	vld [tilespmem:s16+$0x20]  }
0x17e: {  	v17 =	vld [tilespmem:s16+$0x30]  }
0x17f: {  	v18 =	vld [tilespmem:s16+$0x40]  }
0x180: {  	v19 =	vld [tilespmem:s16+$0x50]  }
0x181: {  	v20 =	vld [tilespmem:s16+$0x60]  }
0x182: {  	v21 =	vld [tilespmem:s16+$0x70]  }
0x183: {  	v22 =	vld [tilespmem:s16+$0x400]  }
0x184: {  	v23 =	vld [tilespmem:s16+$0x410]  }
0x185: {  	v24 =	vld [tilespmem:s16+$0x420]  }
0x186: {  	v25 =	vld [tilespmem:s16+$0x430]  }
0x187: {  	v26 =	vld [tilespmem:s16+$0x440]  }
0x188: {  	v27 =	vld [tilespmem:s16+$0x450]  }
0x189: {  	v28 =	vld [tilespmem:s16+$0x460]  }
0x18a: {  	v29 =	vld [tilespmem:s16+$0x470]  }
0x18b: {  	v30 =	vld [tilespmem:s16+$0x800]  }
0x18c: {  	v31 =	vld [tilespmem:s16+$0x810]  }
0x18d: {  	v32 =	vld [tilespmem:s16+$0x820]  }
0x18e: {  	v33 =	vld [tilespmem:s16+$0x830]  }
0x18f: {  	v34 =	vld [tilespmem:s16+$0x840]  }
0x190: {  	v35 =	vld [tilespmem:s16+$0x850]  }
0x191: {  	v36 =	vld [tilespmem:s16+$0x860]  }
0x192: {  	v37 =	vld [tilespmem:s16+$0x870];
	v14 =	vmax.f32 v14, v15  }
0x193: {  	v40 =	vld [tilespmem:s16+$0xC10];
	v14 =	vmax.f32 v14, v16  }
0x194: {  	v41 =	vld [tilespmem:s16+$0xC20];
	v14 =	vmax.f32 v14, v17  }
0x195: {  	v42 =	vld [tilespmem:s16+$0xC30];
	v14 =	vmax.f32 v14, v18  }
0x196: {  	v43 =	vld [tilespmem:s16+$0xC40];
	v14 =	vmax.f32 v14, v19  }
0x197: {  	v44 =	vld [tilespmem:s16+$0xC50];
	v14 =	vmax.f32 v14, v20  }
0x198: {  	v45 =	vld [tilespmem:s16+$0xC60];
	v14 =	vmax.f32 v14, v21  }
0x199: {  	v46 =	vld [tilespmem:s16+$0xC70];
	s30 =	simm.s32 $0x0;
	v14 =	vmax.f32 v14, v22  }
0x19a: {  	v15 =	vld [tilespmem:s16+$0xC00];
	[tilespmem:s30], [sflag:$0x1] =	stream.linear.gather [hbm4b:s7+s30], $0x8000, $0x38;
	v14 =	vmax.f32 v14, v23  }
0x19b: {  	_ =	swait.ge [sflag:s13], $0x8000;
	v14 =	vmax.f32 v14, v24  }
0x19c: {  	s17 =	sand.u32 $0x7000, s30;
	s16 =	sand.u32 $0x380, s30;
	[sflag:s13] =	ssyncset.done $0x0;
	v14 =	vmax.f32 v14, v25  }
0x19d: {  	s19 =	sor.u32 s16, s17;
	[sflag:s13] =	ssyncadd.s32 $0xFFFF8000;
	v14 =	vmax.f32 v14, v26  }
0x19e: {  	v47 =	vld [tilespmem:s19+$0x0];
	v14 =	vmax.f32 v14, v27  }
0x19f: {  	v48 =	vld [tilespmem:s19+$0x10];
	v14 =	vmax.f32 v14, v28  }
0x1a0: {  	v49 =	vld [tilespmem:s19+$0x20];
	v14 =	vmax.f32 v14, v29  }
0x1a1: {  	v50 =	vld [tilespmem:s19+$0x30];
	v14 =	vmax.f32 v14, v30  }
0x1a2: {  	v51 =	vld [tilespmem:s19+$0x40];
	v14 =	vmax.f32 v14, v31  }
0x1a3: {  	v52 =	vld [tilespmem:s19+$0x50];
	v14 =	vmax.f32 v14, v32  }
0x1a4: {  	v53 =	vld [tilespmem:s19+$0x60];
	v23 =	vmax.f32 v47, v48;
	v14 =	vmax.f32 v14, v33  }
0x1a5: {  	v54 =	vld [tilespmem:s19+$0x70];
	v23 =	vmax.f32 v23, v49;
	v14 =	vmax.f32 v14, v34  }
0x1a6: {  	v55 =	vld [tilespmem:s19+$0x400];
	v23 =	vmax.f32 v23, v50;
	v14 =	vmax.f32 v14, v35  }
0x1a7: {  	v56 =	vld [tilespmem:s19+$0x410];
	v23 =	vmax.f32 v23, v51;
	v14 =	vmax.f32 v14, v36  }
0x1a8: {  	v57 =	vld [tilespmem:s19+$0x420];
	v23 =	vmax.f32 v23, v52;
	v14 =	vmax.f32 v14, v37  }
0x1a9: {  	v58 =	vld [tilespmem:s19+$0x430];
	v14 =	vmax.f32 v14, v15;
	v15 =	vmax.f32 v23, v53  }
0x1aa: {  	v8 =	vmax.f32 v13, v8;
	v13 =	vmax.f32 v14, v40;
	v14 =	vmax.f32 v15, v54;
	v15 =	vld [tilespmem:s19+$0x440]  }
0x1ab: {  	v8 =	vmax.f32 v8, v9;
	v9 =	vmax.f32 v13, v41;
	v13 =	vmax.f32 v14, v55;
	v14 =	vld [tilespmem:s19+$0x450]  }
0x1ac: {  	v8 =	vmax.f32 v8, v10;
	v9 =	vmax.f32 v9, v42;
	v10 =	vmax.f32 v13, v56;
	v13 =	vld [tilespmem:s19+$0x460]  }
0x1ad: {  	v8 =	vmax.f32 v8, v11;
	v11 =	vld [tilespmem:s19+$0x470];
	v9 =	vmax.f32 v9, v43;
	v10 =	vmax.f32 v10, v57  }
0x1ae: {  	v8 =	vmax.f32 v8, v12;
	v12 =	vld [tilespmem:s19+$0x800];
	v9 =	vmax.f32 v9, v44;
	v10 =	vmax.f32 v10, v58  }
0x1af: {  	v59 =	vperm.xlane v8, v0;
	v9 =	vmax.f32 v9, v45;
	v10 =	vmax.f32 v10, v15;
	v15 =	vld [tilespmem:s19+$0x810]  }
0x1b0: {  	v9 =	vmax.f32 v9, v46;
	v10 =	vmax.f32 v10, v14;
	v14 =	vld [tilespmem:s19+$0x820]  }
0x1b1: {  	v8 =	vmax.f32 v8, v59;
	v60 =	vperm.xlane v9, v0;
	v10 =	vmax.f32 v10, v13;
	v13 =	vld [tilespmem:s19+$0x830]  }
0x1b2: {  	v61 =	vperm.xlane v8, v1;
	v10 =	vmax.f32 v10, v11;
	v11 =	vld [tilespmem:s19+$0x840]  }
0x1b3: {  	v9 =	vmax.f32 v9, v60;
	v10 =	vmax.f32 v10, v12;
	v12 =	vld [tilespmem:s19+$0x850]  }
0x1b4: {  	v8 =	vmax.f32 v8, v61;
	v16 =	vperm.xlane v9, v1;
	v10 =	vmax.f32 v10, v15;
	v15 =	vld [tilespmem:s19+$0x860]  }
0x1b5: {  	v17 =	vperm.xlane v8, v2;
	v10 =	vmax.f32 v10, v14;
	v14 =	vld [tilespmem:s19+$0x870]  }
0x1b6: {  	v9 =	vmax.f32 v9, v16;
	v10 =	vmax.f32 v10, v13;
	v13 =	vld [tilespmem:s19+$0xC00]  }
0x1b7: {  	v62 =	vld [tilespmem:s19+$0xC10];
	v8 =	vmax.f32 v8, v17;
	v16 =	vperm.xlane v9, v2;
	v10 =	vmax.f32 v10, v11  }
0x1b8: {  	v63 =	vld [tilespmem:s19+$0xC20];
	v11 =	vperm.xlane v8, v3;
	v10 =	vmax.f32 v10, v12  }
0x1b9: {  	v12 =	vmax.f32 v9, v16;
	v10 =	vmax.f32 v10, v15;
	v9 =	vld [tilespmem:s19+$0xC30]  }
0x1ba: {  	v8 =	vmax.f32 v8, v11;
	v15 =	vperm.xlane v12, v3;
	v11 =	vmax.f32 v10, v14;
	v10 =	vld [tilespmem:s19+$0xC40]  }
0x1bb: {  	s31 =	simm.s32 $0x200;
	s17 =	simm.s32 $0x80;
	v7 =	vadd.f32 v8, v7;
	v8 =	vmax.f32 v11, v13;
	v11 =	vld [tilespmem:s19+$0xC50]  }
0x1bc: {  	s16 =	sand.u32 $0x7000, s31;
	s18 =	sand.u32 $0x380, s17;
	v13 =	vmax.f32 v12, v15;
	v14 =	vmax.f32 v8, v62;
	v12 =	vld [tilespmem:s19+$0xC60]  }
0x1bd: {  	s16 =	sor.u32 s18, s16;
	s18 =	simm.s32 $0x400;
	v8 =	vimm.f32 $0.0e+00;
	v7 =	vadd.f32 v13, v7;
	v14 =	vmax.f32 v14, v63;
	v13 =	vld [tilespmem:s19+$0xC70]  }
.LBB2_10:
0x1be: {  	p0 =	sne.s32 s18, $0x7E00;
	v15 =	vld [tilespmem:s16+$0x0];
	v9 =	vmax.f32 v14, v9  }
0x1bf: {  	v14 =	vld [tilespmem:s16+$0x10];
	v9 =	vmax.f32 v9, v10  }
0x1c0: {  	v10 =	vld [tilespmem:s16+$0x20];
	v9 =	vmax.f32 v9, v11  }
0x1c1: {  	v11 =	vld [tilespmem:s16+$0x30];
	v9 =	vmax.f32 v9, v12  }
0x1c2: {  	v12 =	vld [tilespmem:s16+$0x40];
	v9 =	vmax.f32 v9, v13  }
0x1c3: {  	v13 =	vld [tilespmem:s16+$0x50];
	v16 =	vperm.xlane v9, v0  }
0x1c4: {  	v14 =	vmax.f32 v15, v14;
	v15 =	vld [tilespmem:s16+$0x60]  }
0x1c5: {  	v10 =	vmax.f32 v14, v10;
	v14 =	vld [tilespmem:s16+$0x70];
	v9 =	vmax.f32 v9, v16  }
0x1c6: {  	v10 =	vmax.f32 v10, v11;
	v11 =	vld [tilespmem:s16+$0x400];
	v16 =	vperm.xlane v9, v1  }
0x1c7: {  	v10 =	vmax.f32 v10, v12;
	v12 =	vld [tilespmem:s16+$0x410]  }
0x1c8: {  	v10 =	vmax.f32 v10, v13;
	v13 =	vld [tilespmem:s16+$0x420];
	v9 =	vmax.f32 v9, v16  }
0x1c9: {  	v10 =	vmax.f32 v10, v15;
	v15 =	vld [tilespmem:s16+$0x430];
	v16 =	vperm.xlane v9, v2  }
0x1ca: {  	v10 =	vmax.f32 v10, v14;
	v14 =	vld [tilespmem:s16+$0x440]  }
0x1cb: {  	v10 =	vmax.f32 v10, v11;
	v11 =	vld [tilespmem:s16+$0x450];
	v9 =	vmax.f32 v9, v16  }
0x1cc: {  	v10 =	vmax.f32 v10, v12;
	v12 =	vld [tilespmem:s16+$0x460];
	v16 =	vperm.xlane v9, v3  }
0x1cd: {  	v10 =	vmax.f32 v10, v13;
	v13 =	vld [tilespmem:s16+$0x470]  }
0x1ce: {  	v10 =	vmax.f32 v10, v15;
	v15 =	vld [tilespmem:s16+$0x800];
	v9 =	vmax.f32 v9, v16  }
0x1cf: {  	v10 =	vmax.f32 v10, v14;
	v14 =	vld [tilespmem:s16+$0x810];
	v8 =	vadd.f32 v9, v8  }
0x1d0: {  	v9 =	vmax.f32 v10, v11;
	v10 =	vld [tilespmem:s16+$0x820]  }
0x1d1: {  	v9 =	vmax.f32 v9, v12;
	v11 =	vld [tilespmem:s16+$0x830]  }
0x1d2: {  	v9 =	vmax.f32 v9, v13;
	v12 =	vld [tilespmem:s16+$0x840]  }
0x1d3: {  	v9 =	vmax.f32 v9, v15;
	v13 =	vld [tilespmem:s16+$0x850]  }
0x1d4: {  	v9 =	vmax.f32 v9, v14;
	v14 =	vld [tilespmem:s16+$0x860]  }
0x1d5: {  	v9 =	vmax.f32 v9, v10;
	v10 =	vld [tilespmem:s16+$0x870]  }
0x1d6: {  	v9 =	vmax.f32 v9, v11;
	v11 =	vld [tilespmem:s16+$0xC00]  }
0x1d7: {  	v9 =	vmax.f32 v9, v12;
	v12 =	vld [tilespmem:s16+$0xC10]  }
0x1d8: {  	v9 =	vmax.f32 v9, v13;
	v13 =	vld [tilespmem:s16+$0xC20]  }
.Ltmp4:
0x1d9: {  	v14 =	vmax.f32 v9, v14;
	v9 =	vld [tilespmem:s16+$0xC30];
	(pc) =	sbr.rel @p0 .LBB2_10-.Ltmp4, $4  }
0x1da: {  	v14 =	vmax.f32 v14, v10;
	v10 =	vld [tilespmem:s16+$0xC40]  }
0x1db: {  	s17 =	sadd.s32 $0x80, s17;
	v14 =	vmax.f32 v14, v11;
	v11 =	vld [tilespmem:s16+$0xC50]  }
0x1dc: {  	s19 =	sand.u32 $0x7000, s18;
	s20 =	sand.u32 $0x380, s17;
	v14 =	vmax.f32 v14, v12;
	v12 =	vld [tilespmem:s16+$0xC60]  }
0x1dd: {  	s18 =	sadd.s32 $0x200, s18;
	v14 =	vmax.f32 v14, v13;
	v13 =	vld [tilespmem:s16+$0xC70];
	s16 =	sor.u32 s20, s19  }
0x1de: {  	v15 =	vld [tilespmem:s16+$0x0]  }
0x1df: {  	v16 =	vld [tilespmem:s16+$0x10]  }
0x1e0: {  	v17 =	vld [tilespmem:s16+$0x20]  }
0x1e1: {  	v18 =	vld [tilespmem:s16+$0x30]  }
0x1e2: {  	v19 =	vld [tilespmem:s16+$0x40]  }
0x1e3: {  	v20 =	vld [tilespmem:s16+$0x50]  }
0x1e4: {  	v21 =	vld [tilespmem:s16+$0x60]  }
0x1e5: {  	v22 =	vld [tilespmem:s16+$0x70]  }
0x1e6: {  	v23 =	vld [tilespmem:s16+$0x400]  }
0x1e7: {  	v24 =	vld [tilespmem:s16+$0x410]  }
0x1e8: {  	v25 =	vld [tilespmem:s16+$0x420]  }
0x1e9: {  	v26 =	vld [tilespmem:s16+$0x430]  }
0x1ea: {  	v27 =	vld [tilespmem:s16+$0x440]  }
0x1eb: {  	v28 =	vld [tilespmem:s16+$0x450]  }
0x1ec: {  	v29 =	vld [tilespmem:s16+$0x460]  }
0x1ed: {  	v30 =	vld [tilespmem:s16+$0x470]  }
0x1ee: {  	v31 =	vld [tilespmem:s16+$0x800]  }
0x1ef: {  	v32 =	vld [tilespmem:s16+$0x810]  }
0x1f0: {  	v33 =	vld [tilespmem:s16+$0x820]  }
0x1f1: {  	v34 =	vld [tilespmem:s16+$0x830]  }
0x1f2: {  	v35 =	vld [tilespmem:s16+$0x840]  }
0x1f3: {  	v36 =	vld [tilespmem:s16+$0x850]  }
0x1f4: {  	v37 =	vld [tilespmem:s16+$0x860]  }
0x1f5: {  	v38 =	vld [tilespmem:s16+$0x870];
	v15 =	vmax.f32 v15, v16  }
0x1f6: {  	v43 =	vld [tilespmem:s16+$0xC20];
	v15 =	vmax.f32 v15, v17  }
0x1f7: {  	v44 =	vld [tilespmem:s16+$0xC30];
	v15 =	vmax.f32 v15, v18  }
0x1f8: {  	v45 =	vld [tilespmem:s16+$0xC40];
	v15 =	vmax.f32 v15, v19  }
0x1f9: {  	v46 =	vld [tilespmem:s16+$0xC50];
	v15 =	vmax.f32 v15, v20  }
0x1fa: {  	v47 =	vld [tilespmem:s16+$0xC60];
	v15 =	vmax.f32 v15, v21  }
0x1fb: {  	v48 =	vld [tilespmem:s16+$0xC70];
	v15 =	vmax.f32 v15, v22  }
0x1fc: {  	s30 =	simm.s32 $0x0;
	v16 =	vld [tilespmem:s16+$0xC00];
	v15 =	vmax.f32 v15, v23  }
0x1fd: {  	v17 =	vld [tilespmem:s16+$0xC10];
	[tilespmem:s30], [sflag:$0x1] =	stream.linear.gather [hbm4b:s8+s30], $0x8000, $0x38;
	v15 =	vmax.f32 v15, v24  }
0x1fe: {  	_ =	swait.ge [sflag:s13], $0x8000;
	v15 =	vmax.f32 v15, v25  }
0x1ff: {  	s17 =	sand.u32 $0x7000, s30;
	s16 =	sand.u32 $0x380, s30;
	[sflag:s13] =	ssyncset.done $0x0;
	v15 =	vmax.f32 v15, v26  }
0x200: {  	s19 =	sor.u32 s16, s17;
	[sflag:s13] =	ssyncadd.s32 $0xFFFF8000;
	v15 =	vmax.f32 v15, v27  }
0x201: {  	v49 =	vld [tilespmem:s19+$0x0];
	v15 =	vmax.f32 v15, v28  }
0x202: {  	v50 =	vld [tilespmem:s19+$0x10];
	v15 =	vmax.f32 v15, v29  }
0x203: {  	v51 =	vld [tilespmem:s19+$0x20];
	v15 =	vmax.f32 v15, v30  }
0x204: {  	v52 =	vld [tilespmem:s19+$0x30];
	v15 =	vmax.f32 v15, v31  }
0x205: {  	v53 =	vld [tilespmem:s19+$0x40];
	v15 =	vmax.f32 v15, v32  }
0x206: {  	v54 =	vld [tilespmem:s19+$0x50];
	v15 =	vmax.f32 v15, v33  }
0x207: {  	v55 =	vld [tilespmem:s19+$0x60];
	v24 =	vmax.f32 v49, v50;
	v15 =	vmax.f32 v15, v34  }
0x208: {  	v56 =	vld [tilespmem:s19+$0x70];
	v24 =	vmax.f32 v24, v51;
	v15 =	vmax.f32 v15, v35  }
0x209: {  	v57 =	vld [tilespmem:s19+$0x400];
	v24 =	vmax.f32 v24, v52;
	v15 =	vmax.f32 v15, v36  }
0x20a: {  	v58 =	vld [tilespmem:s19+$0x410];
	v24 =	vmax.f32 v24, v53;
	v15 =	vmax.f32 v15, v37  }
0x20b: {  	v59 =	vld [tilespmem:s19+$0x420];
	v24 =	vmax.f32 v24, v54;
	v15 =	vmax.f32 v15, v38  }
0x20c: {  	v60 =	vld [tilespmem:s19+$0x430];
	v15 =	vmax.f32 v15, v16;
	v16 =	vmax.f32 v24, v55  }
0x20d: {  	v9 =	vmax.f32 v14, v9;
	v14 =	vmax.f32 v15, v17;
	v15 =	vmax.f32 v16, v56;
	v16 =	vld [tilespmem:s19+$0x440]  }
0x20e: {  	v9 =	vmax.f32 v9, v10;
	v10 =	vmax.f32 v14, v43;
	v14 =	vmax.f32 v15, v57;
	v15 =	vld [tilespmem:s19+$0x450]  }
0x20f: {  	v9 =	vmax.f32 v9, v11;
	v10 =	vmax.f32 v10, v44;
	v11 =	vmax.f32 v14, v58;
	v14 =	vld [tilespmem:s19+$0x460]  }
0x210: {  	v9 =	vmax.f32 v9, v12;
	v12 =	vld [tilespmem:s19+$0x470];
	v10 =	vmax.f32 v10, v45;
	v11 =	vmax.f32 v11, v59  }
0x211: {  	v9 =	vmax.f32 v9, v13;
	v13 =	vld [tilespmem:s19+$0x800];
	v10 =	vmax.f32 v10, v46;
	v11 =	vmax.f32 v11, v60  }
0x212: {  	v17 =	vperm.xlane v9, v0;
	v10 =	vmax.f32 v10, v47;
	v11 =	vmax.f32 v11, v16;
	v16 =	vld [tilespmem:s19+$0x810]  }
0x213: {  	v10 =	vmax.f32 v10, v48;
	v11 =	vmax.f32 v11, v15;
	v15 =	vld [tilespmem:s19+$0x820]  }
0x214: {  	v9 =	vmax.f32 v9, v17;
	v17 =	vperm.xlane v10, v0;
	v11 =	vmax.f32 v11, v14;
	v14 =	vld [tilespmem:s19+$0x830]  }
0x215: {  	v61 =	vperm.xlane v9, v1;
	v11 =	vmax.f32 v11, v12;
	v12 =	vld [tilespmem:s19+$0x840]  }
0x216: {  	v10 =	vmax.f32 v10, v17;
	v11 =	vmax.f32 v11, v13;
	v13 =	vld [tilespmem:s19+$0x850]  }
0x217: {  	v9 =	vmax.f32 v9, v61;
	v17 =	vperm.xlane v10, v1;
	v11 =	vmax.f32 v11, v16;
	v16 =	vld [tilespmem:s19+$0x860]  }
0x218: {  	v18 =	vperm.xlane v9, v2;
	v11 =	vmax.f32 v11, v15;
	v15 =	vld [tilespmem:s19+$0x870]  }
0x219: {  	v10 =	vmax.f32 v10, v17;
	v11 =	vmax.f32 v11, v14;
	v14 =	vld [tilespmem:s19+$0xC00]  }
0x21a: {  	v62 =	vld [tilespmem:s19+$0xC10];
	v9 =	vmax.f32 v9, v18;
	v17 =	vperm.xlane v10, v2;
	v11 =	vmax.f32 v11, v12  }
0x21b: {  	v63 =	vld [tilespmem:s19+$0xC20];
	v12 =	vperm.xlane v9, v3;
	v11 =	vmax.f32 v11, v13  }
0x21c: {  	v13 =	vmax.f32 v10, v17;
	v11 =	vmax.f32 v11, v16;
	v10 =	vld [tilespmem:s19+$0xC30]  }
0x21d: {  	v9 =	vmax.f32 v9, v12;
	v16 =	vperm.xlane v13, v3;
	v12 =	vmax.f32 v11, v15;
	v11 =	vld [tilespmem:s19+$0xC40]  }
0x21e: {  	s31 =	simm.s32 $0x200;
	s17 =	simm.s32 $0x80;
	v8 =	vadd.f32 v9, v8;
	v9 =	vmax.f32 v12, v14;
	v12 =	vld [tilespmem:s19+$0xC50]  }
0x21f: {  	s16 =	sand.u32 $0x7000, s31;
	s18 =	sand.u32 $0x380, s17;
	v14 =	vmax.f32 v13, v16;
	v15 =	vmax.f32 v9, v62;
	v13 =	vld [tilespmem:s19+$0xC60]  }
0x220: {  	s16 =	sor.u32 s18, s16;
	s18 =	simm.s32 $0x400;
	v9 =	vimm.f32 $0.0e+00;
	v8 =	vadd.f32 v14, v8;
	v15 =	vmax.f32 v15, v63;
	v14 =	vld [tilespmem:s19+$0xC70]  }
.LBB2_12:
0x221: {  	p0 =	sne.s32 s18, $0x7E00;
	v16 =	vld [tilespmem:s16+$0x0];
	v10 =	vmax.f32 v15, v10  }
0x222: {  	v15 =	vld [tilespmem:s16+$0x10];
	v10 =	vmax.f32 v10, v11  }
0x223: {  	v11 =	vld [tilespmem:s16+$0x20];
	v10 =	vmax.f32 v10, v12  }
0x224: {  	v12 =	vld [tilespmem:s16+$0x30];
	v10 =	vmax.f32 v10, v13  }
0x225: {  	v13 =	vld [tilespmem:s16+$0x40];
	v10 =	vmax.f32 v10, v14  }
0x226: {  	v14 =	vld [tilespmem:s16+$0x50];
	v17 =	vperm.xlane v10, v0  }
0x227: {  	v15 =	vmax.f32 v16, v15;
	v16 =	vld [tilespmem:s16+$0x60]  }
0x228: {  	v11 =	vmax.f32 v15, v11;
	v15 =	vld [tilespmem:s16+$0x70];
	v10 =	vmax.f32 v10, v17  }
0x229: {  	v11 =	vmax.f32 v11, v12;
	v12 =	vld [tilespmem:s16+$0x400];
	v17 =	vperm.xlane v10, v1  }
0x22a: {  	v11 =	vmax.f32 v11, v13;
	v13 =	vld [tilespmem:s16+$0x410]  }
0x22b: {  	v11 =	vmax.f32 v11, v14;
	v14 =	vld [tilespmem:s16+$0x420];
	v10 =	vmax.f32 v10, v17  }
0x22c: {  	v11 =	vmax.f32 v11, v16;
	v16 =	vld [tilespmem:s16+$0x430];
	v17 =	vperm.xlane v10, v2  }
0x22d: {  	v11 =	vmax.f32 v11, v15;
	v15 =	vld [tilespmem:s16+$0x440]  }
0x22e: {  	v11 =	vmax.f32 v11, v12;
	v12 =	vld [tilespmem:s16+$0x450];
	v10 =	vmax.f32 v10, v17  }
0x22f: {  	v11 =	vmax.f32 v11, v13;
	v13 =	vld [tilespmem:s16+$0x460];
	v17 =	vperm.xlane v10, v3  }
0x230: {  	v11 =	vmax.f32 v11, v14;
	v14 =	vld [tilespmem:s16+$0x470]  }
0x231: {  	v11 =	vmax.f32 v11, v16;
	v16 =	vld [tilespmem:s16+$0x800];
	v10 =	vmax.f32 v10, v17  }
0x232: {  	v11 =	vmax.f32 v11, v15;
	v15 =	vld [tilespmem:s16+$0x810];
	v9 =	vadd.f32 v10, v9  }
0x233: {  	v10 =	vmax.f32 v11, v12;
	v11 =	vld [tilespmem:s16+$0x820]  }
0x234: {  	v10 =	vmax.f32 v10, v13;
	v12 =	vld [tilespmem:s16+$0x830]  }
0x235: {  	v10 =	vmax.f32 v10, v14;
	v13 =	vld [tilespmem:s16+$0x840]  }
0x236: {  	v10 =	vmax.f32 v10, v16;
	v14 =	vld [tilespmem:s16+$0x850]  }
0x237: {  	v10 =	vmax.f32 v10, v15;
	v15 =	vld [tilespmem:s16+$0x860]  }
0x238: {  	v10 =	vmax.f32 v10, v11;
	v11 =	vld [tilespmem:s16+$0x870]  }
0x239: {  	v10 =	vmax.f32 v10, v12;
	v12 =	vld [tilespmem:s16+$0xC00]  }
0x23a: {  	v10 =	vmax.f32 v10, v13;
	v13 =	vld [tilespmem:s16+$0xC10]  }
0x23b: {  	v10 =	vmax.f32 v10, v14;
	v14 =	vld [tilespmem:s16+$0xC20]  }
.Ltmp5:
0x23c: {  	v15 =	vmax.f32 v10, v15;
	v10 =	vld [tilespmem:s16+$0xC30];
	(pc) =	sbr.rel @p0 .LBB2_12-.Ltmp5, $4  }
0x23d: {  	v15 =	vmax.f32 v15, v11;
	v11 =	vld [tilespmem:s16+$0xC40]  }
0x23e: {  	s17 =	sadd.s32 $0x80, s17;
	v15 =	vmax.f32 v15, v12;
	v12 =	vld [tilespmem:s16+$0xC50]  }
0x23f: {  	s19 =	sand.u32 $0x7000, s18;
	s20 =	sand.u32 $0x380, s17;
	v15 =	vmax.f32 v15, v13;
	v13 =	vld [tilespmem:s16+$0xC60]  }
0x240: {  	s18 =	sadd.s32 $0x200, s18;
	v15 =	vmax.f32 v15, v14;
	v14 =	vld [tilespmem:s16+$0xC70];
	s16 =	sor.u32 s20, s19  }
0x241: {  	v16 =	vld [tilespmem:s16+$0x0]  }
0x242: {  	v17 =	vld [tilespmem:s16+$0x10]  }
0x243: {  	v18 =	vld [tilespmem:s16+$0x20]  }
0x244: {  	v19 =	vld [tilespmem:s16+$0x30]  }
0x245: {  	v20 =	vld [tilespmem:s16+$0x40]  }
0x246: {  	v21 =	vld [tilespmem:s16+$0x50]  }
0x247: {  	v22 =	vld [tilespmem:s16+$0x60]  }
0x248: {  	v23 =	vld [tilespmem:s16+$0x70]  }
0x249: {  	v24 =	vld [tilespmem:s16+$0x400]  }
0x24a: {  	v25 =	vld [tilespmem:s16+$0x410]  }
0x24b: {  	v26 =	vld [tilespmem:s16+$0x420]  }
0x24c: {  	v27 =	vld [tilespmem:s16+$0x430]  }
0x24d: {  	v28 =	vld [tilespmem:s16+$0x440]  }
0x24e: {  	v29 =	vld [tilespmem:s16+$0x450]  }
0x24f: {  	v30 =	vld [tilespmem:s16+$0x460]  }
0x250: {  	v31 =	vld [tilespmem:s16+$0x470]  }
0x251: {  	v32 =	vld [tilespmem:s16+$0x800]  }
0x252: {  	v33 =	vld [tilespmem:s16+$0x810]  }
0x253: {  	v34 =	vld [tilespmem:s16+$0x820]  }
0x254: {  	v35 =	vld [tilespmem:s16+$0x830]  }
0x255: {  	v36 =	vld [tilespmem:s16+$0x840]  }
0x256: {  	v37 =	vld [tilespmem:s16+$0x850]  }
0x257: {  	v38 =	vld [tilespmem:s16+$0x860]  }
0x258: {  	v39 =	vld [tilespmem:s16+$0x870];
	v16 =	vmax.f32 v16, v17  }
0x259: {  	v46 =	vld [tilespmem:s16+$0xC30];
	v16 =	vmax.f32 v16, v18  }
0x25a: {  	v47 =	vld [tilespmem:s16+$0xC40];
	v16 =	vmax.f32 v16, v19  }
0x25b: {  	v48 =	vld [tilespmem:s16+$0xC50];
	v16 =	vmax.f32 v16, v20  }
0x25c: {  	v49 =	vld [tilespmem:s16+$0xC60];
	v16 =	vmax.f32 v16, v21  }
0x25d: {  	v50 =	vld [tilespmem:s16+$0xC70];
	v16 =	vmax.f32 v16, v22  }
0x25e: {  	v17 =	vld [tilespmem:s16+$0xC00];
	v16 =	vmax.f32 v16, v23  }
0x25f: {  	s30 =	simm.s32 $0x0;
	v18 =	vld [tilespmem:s16+$0xC10];
	v16 =	vmax.f32 v16, v24  }
0x260: {  	v19 =	vld [tilespmem:s16+$0xC20];
	[tilespmem:s30], [sflag:$0x1] =	stream.linear.gather [hbm4b:s9+s30], $0x8000, $0x38;
	v16 =	vmax.f32 v16, v25  }
0x261: {  	_ =	swait.ge [sflag:s13], $0x8000;
	v16 =	vmax.f32 v16, v26  }
0x262: {  	s17 =	sand.u32 $0x7000, s30;
	s16 =	sand.u32 $0x380, s30;
	[sflag:s13] =	ssyncset.done $0x0;
	v16 =	vmax.f32 v16, v27  }
0x263: {  	s19 =	sor.u32 s16, s17;
	[sflag:s13] =	ssyncadd.s32 $0xFFFF8000;
	v16 =	vmax.f32 v16, v28  }
0x264: {  	v51 =	vld [tilespmem:s19+$0x0];
	v16 =	vmax.f32 v16, v29  }
0x265: {  	v52 =	vld [tilespmem:s19+$0x10];
	v16 =	vmax.f32 v16, v30  }
0x266: {  	v53 =	vld [tilespmem:s19+$0x20];
	v16 =	vmax.f32 v16, v31  }
0x267: {  	v54 =	vld [tilespmem:s19+$0x30];
	v16 =	vmax.f32 v16, v32  }
0x268: {  	v55 =	vld [tilespmem:s19+$0x40];
	v16 =	vmax.f32 v16, v33  }
0x269: {  	v56 =	vld [tilespmem:s19+$0x50];
	v16 =	vmax.f32 v16, v34  }
0x26a: {  	v57 =	vld [tilespmem:s19+$0x60];
	v25 =	vmax.f32 v51, v52;
	v16 =	vmax.f32 v16, v35  }
0x26b: {  	v58 =	vld [tilespmem:s19+$0x70];
	v25 =	vmax.f32 v25, v53;
	v16 =	vmax.f32 v16, v36  }
0x26c: {  	v59 =	vld [tilespmem:s19+$0x400];
	v25 =	vmax.f32 v25, v54;
	v16 =	vmax.f32 v16, v37  }
0x26d: {  	v60 =	vld [tilespmem:s19+$0x410];
	v25 =	vmax.f32 v25, v55;
	v16 =	vmax.f32 v16, v38  }
0x26e: {  	v61 =	vld [tilespmem:s19+$0x420];
	v25 =	vmax.f32 v25, v56;
	v16 =	vmax.f32 v16, v39  }
0x26f: {  	v62 =	vld [tilespmem:s19+$0x430];
	v16 =	vmax.f32 v16, v17;
	v17 =	vmax.f32 v25, v57  }
0x270: {  	v10 =	vmax.f32 v15, v10;
	v15 =	vmax.f32 v16, v18;
	v16 =	vmax.f32 v17, v58;
	v17 =	vld [tilespmem:s19+$0x440]  }
0x271: {  	v10 =	vmax.f32 v10, v11;
	v11 =	vmax.f32 v15, v19;
	v15 =	vmax.f32 v16, v59;
	v16 =	vld [tilespmem:s19+$0x450]  }
0x272: {  	v10 =	vmax.f32 v10, v12;
	v11 =	vmax.f32 v11, v46;
	v12 =	vmax.f32 v15, v60;
	v15 =	vld [tilespmem:s19+$0x460]  }
0x273: {  	v10 =	vmax.f32 v10, v13;
	v13 =	vld [tilespmem:s19+$0x470];
	v11 =	vmax.f32 v11, v47;
	v12 =	vmax.f32 v12, v61  }
0x274: {  	v10 =	vmax.f32 v10, v14;
	v14 =	vld [tilespmem:s19+$0x800];
	v11 =	vmax.f32 v11, v48;
	v12 =	vmax.f32 v12, v62  }
0x275: {  	v18 =	vperm.xlane v10, v0;
	v11 =	vmax.f32 v11, v49;
	v12 =	vmax.f32 v12, v17;
	v17 =	vld [tilespmem:s19+$0x810]  }
0x276: {  	v11 =	vmax.f32 v11, v50;
	v12 =	vmax.f32 v12, v16;
	v16 =	vld [tilespmem:s19+$0x820]  }
0x277: {  	v10 =	vmax.f32 v10, v18;
	v18 =	vperm.xlane v11, v0;
	v12 =	vmax.f32 v12, v15;
	v15 =	vld [tilespmem:s19+$0x830]  }
0x278: {  	v19 =	vperm.xlane v10, v1;
	v12 =	vmax.f32 v12, v13;
	v13 =	vld [tilespmem:s19+$0x840]  }
0x279: {  	v11 =	vmax.f32 v11, v18;
	v12 =	vmax.f32 v12, v14;
	v14 =	vld [tilespmem:s19+$0x850]  }
0x27a: {  	v10 =	vmax.f32 v10, v19;
	v18 =	vperm.xlane v11, v1;
	v12 =	vmax.f32 v12, v17;
	v17 =	vld [tilespmem:s19+$0x860]  }
0x27b: {  	v19 =	vperm.xlane v10, v2;
	v12 =	vmax.f32 v12, v16;
	v16 =	vld [tilespmem:s19+$0x870]  }
0x27c: {  	v11 =	vmax.f32 v11, v18;
	v12 =	vmax.f32 v12, v15;
	v15 =	vld [tilespmem:s19+$0xC00]  }
0x27d: {  	v10 =	vmax.f32 v10, v19;
	v19 =	vld [tilespmem:s19+$0xC10];
	v18 =	vperm.xlane v11, v2;
	v12 =	vmax.f32 v12, v13  }
0x27e: {  	v63 =	vld [tilespmem:s19+$0xC20];
	v13 =	vperm.xlane v10, v3;
	v12 =	vmax.f32 v12, v14  }
0x27f: {  	v14 =	vmax.f32 v11, v18;
	v12 =	vmax.f32 v12, v17;
	v11 =	vld [tilespmem:s19+$0xC30]  }
0x280: {  	v10 =	vmax.f32 v10, v13;
	v17 =	vperm.xlane v14, v3;
	v13 =	vmax.f32 v12, v16;
	v12 =	vld [tilespmem:s19+$0xC40]  }
0x281: {  	s31 =	simm.s32 $0x200;
	s17 =	simm.s32 $0x80;
	v9 =	vadd.f32 v10, v9;
	v10 =	vmax.f32 v13, v15;
	v13 =	vld [tilespmem:s19+$0xC50]  }
0x282: {  	s16 =	sand.u32 $0x7000, s31;
	s18 =	sand.u32 $0x380, s17;
	v15 =	vmax.f32 v14, v17;
	v16 =	vmax.f32 v10, v19;
	v14 =	vld [tilespmem:s19+$0xC60]  }
0x283: {  	s16 =	sor.u32 s18, s16;
	s18 =	simm.s32 $0x400;
	v10 =	vimm.f32 $0.0e+00;
	v9 =	vadd.f32 v15, v9;
	v16 =	vmax.f32 v16, v63;
	v15 =	vld [tilespmem:s19+$0xC70]  }
.LBB2_14:
0x284: {  	p0 =	sne.s32 s18, $0x7E00;
	v17 =	vld [tilespmem:s16+$0x0];
	v11 =	vmax.f32 v16, v11  }
0x285: {  	v16 =	vld [tilespmem:s16+$0x10];
	v11 =	vmax.f32 v11, v12  }
0x286: {  	v12 =	vld [tilespmem:s16+$0x20];
	v11 =	vmax.f32 v11, v13  }
0x287: {  	v13 =	vld [tilespmem:s16+$0x30];
	v11 =	vmax.f32 v11, v14  }
0x288: {  	v14 =	vld [tilespmem:s16+$0x40];
	v11 =	vmax.f32 v11, v15  }
0x289: {  	v15 =	vld [tilespmem:s16+$0x50];
	v18 =	vperm.xlane v11, v0  }
0x28a: {  	v16 =	vmax.f32 v17, v16;
	v17 =	vld [tilespmem:s16+$0x60]  }
0x28b: {  	v12 =	vmax.f32 v16, v12;
	v16 =	vld [tilespmem:s16+$0x70];
	v11 =	vmax.f32 v11, v18  }
0x28c: {  	v12 =	vmax.f32 v12, v13;
	v13 =	vld [tilespmem:s16+$0x400];
	v18 =	vperm.xlane v11, v1  }
0x28d: {  	v12 =	vmax.f32 v12, v14;
	v14 =	vld [tilespmem:s16+$0x410]  }
0x28e: {  	v12 =	vmax.f32 v12, v15;
	v15 =	vld [tilespmem:s16+$0x420];
	v11 =	vmax.f32 v11, v18  }
0x28f: {  	v12 =	vmax.f32 v12, v17;
	v17 =	vld [tilespmem:s16+$0x430];
	v18 =	vperm.xlane v11, v2  }
0x290: {  	v12 =	vmax.f32 v12, v16;
	v16 =	vld [tilespmem:s16+$0x440]  }
0x291: {  	v12 =	vmax.f32 v12, v13;
	v13 =	vld [tilespmem:s16+$0x450];
	v11 =	vmax.f32 v11, v18  }
0x292: {  	v12 =	vmax.f32 v12, v14;
	v14 =	vld [tilespmem:s16+$0x460];
	v18 =	vperm.xlane v11, v3  }
0x293: {  	v12 =	vmax.f32 v12, v15;
	v15 =	vld [tilespmem:s16+$0x470]  }
0x294: {  	v12 =	vmax.f32 v12, v17;
	v17 =	vld [tilespmem:s16+$0x800];
	v11 =	vmax.f32 v11, v18  }
0x295: {  	v12 =	vmax.f32 v12, v16;
	v16 =	vld [tilespmem:s16+$0x810];
	v10 =	vadd.f32 v11, v10  }
0x296: {  	v11 =	vmax.f32 v12, v13;
	v12 =	vld [tilespmem:s16+$0x820]  }
0x297: {  	v11 =	vmax.f32 v11, v14;
	v13 =	vld [tilespmem:s16+$0x830]  }
0x298: {  	v11 =	vmax.f32 v11, v15;
	v14 =	vld [tilespmem:s16+$0x840]  }
0x299: {  	v11 =	vmax.f32 v11, v17;
	v15 =	vld [tilespmem:s16+$0x850]  }
0x29a: {  	v11 =	vmax.f32 v11, v16;
	v16 =	vld [tilespmem:s16+$0x860]  }
0x29b: {  	v11 =	vmax.f32 v11, v12;
	v12 =	vld [tilespmem:s16+$0x870]  }
0x29c: {  	v11 =	vmax.f32 v11, v13;
	v13 =	vld [tilespmem:s16+$0xC00]  }
0x29d: {  	v11 =	vmax.f32 v11, v14;
	v14 =	vld [tilespmem:s16+$0xC10]  }
0x29e: {  	v11 =	vmax.f32 v11, v15;
	v15 =	vld [tilespmem:s16+$0xC20]  }
.Ltmp6:
0x29f: {  	v16 =	vmax.f32 v11, v16;
	v11 =	vld [tilespmem:s16+$0xC30];
	(pc) =	sbr.rel @p0 .LBB2_14-.Ltmp6, $4  }
0x2a0: {  	v16 =	vmax.f32 v16, v12;
	v12 =	vld [tilespmem:s16+$0xC40]  }
0x2a1: {  	s17 =	sadd.s32 $0x80, s17;
	v16 =	vmax.f32 v16, v13;
	v13 =	vld [tilespmem:s16+$0xC50]  }
0x2a2: {  	s19 =	sand.u32 $0x7000, s18;
	s20 =	sand.u32 $0x380, s17;
	v16 =	vmax.f32 v16, v14;
	v14 =	vld [tilespmem:s16+$0xC60]  }
0x2a3: {  	s18 =	sadd.s32 $0x200, s18;
	v16 =	vmax.f32 v16, v15;
	v15 =	vld [tilespmem:s16+$0xC70];
	s16 =	sor.u32 s20, s19  }
0x2a4: {  	v17 =	vld [tilespmem:s16+$0x0]  }
0x2a5: {  	v18 =	vld [tilespmem:s16+$0x10]  }
0x2a6: {  	v19 =	vld [tilespmem:s16+$0x20]  }
0x2a7: {  	v20 =	vld [tilespmem:s16+$0x30]  }
0x2a8: {  	v21 =	vld [tilespmem:s16+$0x40]  }
0x2a9: {  	v22 =	vld [tilespmem:s16+$0x50]  }
0x2aa: {  	v23 =	vld [tilespmem:s16+$0x60]  }
0x2ab: {  	v24 =	vld [tilespmem:s16+$0x70]  }
0x2ac: {  	v25 =	vld [tilespmem:s16+$0x400]  }
0x2ad: {  	v26 =	vld [tilespmem:s16+$0x410]  }
0x2ae: {  	v27 =	vld [tilespmem:s16+$0x420]  }
0x2af: {  	v28 =	vld [tilespmem:s16+$0x430]  }
0x2b0: {  	v29 =	vld [tilespmem:s16+$0x440]  }
0x2b1: {  	v30 =	vld [tilespmem:s16+$0x450]  }
0x2b2: {  	v31 =	vld [tilespmem:s16+$0x460]  }
0x2b3: {  	v32 =	vld [tilespmem:s16+$0x470]  }
0x2b4: {  	v33 =	vld [tilespmem:s16+$0x800]  }
0x2b5: {  	v34 =	vld [tilespmem:s16+$0x810]  }
0x2b6: {  	v35 =	vld [tilespmem:s16+$0x820]  }
0x2b7: {  	v36 =	vld [tilespmem:s16+$0x830]  }
0x2b8: {  	v37 =	vld [tilespmem:s16+$0x840]  }
0x2b9: {  	v38 =	vld [tilespmem:s16+$0x850]  }
0x2ba: {  	v39 =	vld [tilespmem:s16+$0x860]  }
0x2bb: {  	v40 =	vld [tilespmem:s16+$0x870];
	v17 =	vmax.f32 v17, v18  }
0x2bc: {  	v43 =	vld [tilespmem:s16+$0xC20];
	v17 =	vmax.f32 v17, v19  }
0x2bd: {  	v44 =	vld [tilespmem:s16+$0xC30];
	v17 =	vmax.f32 v17, v20  }
0x2be: {  	v45 =	vld [tilespmem:s16+$0xC40];
	v17 =	vmax.f32 v17, v21  }
0x2bf: {  	v46 =	vld [tilespmem:s16+$0xC50];
	v17 =	vmax.f32 v17, v22  }
0x2c0: {  	v47 =	vld [tilespmem:s16+$0xC60];
	v17 =	vmax.f32 v17, v23  }
0x2c1: {  	v48 =	vld [tilespmem:s16+$0xC70];
	v17 =	vmax.f32 v17, v24  }
0x2c2: {  	s30 =	simm.s32 $0x0;
	v18 =	vld [tilespmem:s16+$0xC00];
	v17 =	vmax.f32 v17, v25  }
0x2c3: {  	v19 =	vld [tilespmem:s16+$0xC10];
	[tilespmem:s30], [sflag:$0x1] =	stream.linear.gather [hbm4b:s10+s30], $0x8000, $0x38;
	v17 =	vmax.f32 v17, v26  }
0x2c4: {  	_ =	swait.ge [sflag:s13], $0x8000;
	v17 =	vmax.f32 v17, v27  }
0x2c5: {  	s17 =	sand.u32 $0x7000, s30;
	s16 =	sand.u32 $0x380, s30;
	[sflag:s13] =	ssyncset.done $0x0;
	v17 =	vmax.f32 v17, v28  }
0x2c6: {  	s19 =	sor.u32 s16, s17;
	[sflag:s13] =	ssyncadd.s32 $0xFFFF8000;
	v17 =	vmax.f32 v17, v29  }
0x2c7: {  	v49 =	vld [tilespmem:s19+$0x0];
	v17 =	vmax.f32 v17, v30  }
0x2c8: {  	v50 =	vld [tilespmem:s19+$0x10];
	v17 =	vmax.f32 v17, v31  }
0x2c9: {  	v51 =	vld [tilespmem:s19+$0x20];
	v17 =	vmax.f32 v17, v32  }
0x2ca: {  	v52 =	vld [tilespmem:s19+$0x30];
	v17 =	vmax.f32 v17, v33  }
0x2cb: {  	v53 =	vld [tilespmem:s19+$0x40];
	v17 =	vmax.f32 v17, v34  }
0x2cc: {  	v54 =	vld [tilespmem:s19+$0x50];
	v17 =	vmax.f32 v17, v35  }
0x2cd: {  	v55 =	vld [tilespmem:s19+$0x60];
	v26 =	vmax.f32 v49, v50;
	v17 =	vmax.f32 v17, v36  }
0x2ce: {  	v56 =	vld [tilespmem:s19+$0x70];
	v26 =	vmax.f32 v26, v51;
	v17 =	vmax.f32 v17, v37  }
0x2cf: {  	v57 =	vld [tilespmem:s19+$0x400];
	v26 =	vmax.f32 v26, v52;
	v17 =	vmax.f32 v17, v38  }
0x2d0: {  	v58 =	vld [tilespmem:s19+$0x410];
	v26 =	vmax.f32 v26, v53;
	v17 =	vmax.f32 v17, v39  }
0x2d1: {  	v59 =	vld [tilespmem:s19+$0x420];
	v26 =	vmax.f32 v26, v54;
	v17 =	vmax.f32 v17, v40  }
0x2d2: {  	v60 =	vld [tilespmem:s19+$0x430];
	v17 =	vmax.f32 v17, v18;
	v18 =	vmax.f32 v26, v55  }
0x2d3: {  	v11 =	vmax.f32 v16, v11;
	v16 =	vmax.f32 v17, v19;
	v17 =	vmax.f32 v18, v56;
	v18 =	vld [tilespmem:s19+$0x440]  }
0x2d4: {  	v11 =	vmax.f32 v11, v12;
	v12 =	vmax.f32 v16, v43;
	v16 =	vmax.f32 v17, v57;
	v17 =	vld [tilespmem:s19+$0x450]  }
0x2d5: {  	v11 =	vmax.f32 v11, v13;
	v12 =	vmax.f32 v12, v44;
	v13 =	vmax.f32 v16, v58;
	v16 =	vld [tilespmem:s19+$0x460]  }
0x2d6: {  	v11 =	vmax.f32 v11, v14;
	v14 =	vld [tilespmem:s19+$0x470];
	v12 =	vmax.f32 v12, v45;
	v13 =	vmax.f32 v13, v59  }
0x2d7: {  	v11 =	vmax.f32 v11, v15;
	v15 =	vld [tilespmem:s19+$0x800];
	v12 =	vmax.f32 v12, v46;
	v13 =	vmax.f32 v13, v60  }
0x2d8: {  	v19 =	vperm.xlane v11, v0;
	v12 =	vmax.f32 v12, v47;
	v13 =	vmax.f32 v13, v18;
	v18 =	vld [tilespmem:s19+$0x810]  }
0x2d9: {  	v12 =	vmax.f32 v12, v48;
	v13 =	vmax.f32 v13, v17;
	v17 =	vld [tilespmem:s19+$0x820]  }
0x2da: {  	v11 =	vmax.f32 v11, v19;
	v19 =	vperm.xlane v12, v0;
	v13 =	vmax.f32 v13, v16;
	v16 =	vld [tilespmem:s19+$0x830]  }
0x2db: {  	v61 =	vperm.xlane v11, v1;
	v13 =	vmax.f32 v13, v14;
	v14 =	vld [tilespmem:s19+$0x840]  }
0x2dc: {  	v12 =	vmax.f32 v12, v19;
	v13 =	vmax.f32 v13, v15;
	v15 =	vld [tilespmem:s19+$0x850]  }
0x2dd: {  	v11 =	vmax.f32 v11, v61;
	v19 =	vperm.xlane v12, v1;
	v13 =	vmax.f32 v13, v18;
	v18 =	vld [tilespmem:s19+$0x860]  }
0x2de: {  	v20 =	vperm.xlane v11, v2;
	v13 =	vmax.f32 v13, v17;
	v17 =	vld [tilespmem:s19+$0x870]  }
0x2df: {  	v12 =	vmax.f32 v12, v19;
	v13 =	vmax.f32 v13, v16;
	v16 =	vld [tilespmem:s19+$0xC00]  }
0x2e0: {  	v62 =	vld [tilespmem:s19+$0xC10];
	v11 =	vmax.f32 v11, v20;
	v19 =	vperm.xlane v12, v2;
	v13 =	vmax.f32 v13, v14  }
0x2e1: {  	v63 =	vld [tilespmem:s19+$0xC20];
	v14 =	vperm.xlane v11, v3;
	v13 =	vmax.f32 v13, v15  }
0x2e2: {  	v15 =	vmax.f32 v12, v19;
	v13 =	vmax.f32 v13, v18;
	v12 =	vld [tilespmem:s19+$0xC30]  }
0x2e3: {  	v11 =	vmax.f32 v11, v14;
	v18 =	vperm.xlane v15, v3;
	v14 =	vmax.f32 v13, v17;
	v13 =	vld [tilespmem:s19+$0xC40]  }
0x2e4: {  	s31 =	simm.s32 $0x200;
	s17 =	simm.s32 $0x80;
	v10 =	vadd.f32 v11, v10;
	v11 =	vmax.f32 v14, v16;
	v14 =	vld [tilespmem:s19+$0xC50]  }
0x2e5: {  	s16 =	sand.u32 $0x7000, s31;
	s18 =	sand.u32 $0x380, s17;
	v16 =	vmax.f32 v15, v18;
	v17 =	vmax.f32 v11, v62;
	v15 =	vld [tilespmem:s19+$0xC60]  }
0x2e6: {  	s16 =	sor.u32 s18, s16;
	s18 =	simm.s32 $0x400;
	v11 =	vimm.f32 $0.0e+00;
	v10 =	vadd.f32 v16, v10;
	v17 =	vmax.f32 v17, v63;
	v16 =	vld [tilespmem:s19+$0xC70]  }
.LBB2_16:
0x2e7: {  	p0 =	sne.s32 s18, $0x7E00;
	v18 =	vld [tilespmem:s16+$0x0];
	v12 =	vmax.f32 v17, v12  }
0x2e8: {  	v17 =	vld [tilespmem:s16+$0x10];
	v12 =	vmax.f32 v12, v13  }
0x2e9: {  	v13 =	vld [tilespmem:s16+$0x20];
	v12 =	vmax.f32 v12, v14  }
0x2ea: {  	v14 =	vld [tilespmem:s16+$0x30];
	v12 =	vmax.f32 v12, v15  }
0x2eb: {  	v15 =	vld [tilespmem:s16+$0x40];
	v12 =	vmax.f32 v12, v16  }
0x2ec: {  	v16 =	vld [tilespmem:s16+$0x50];
	v19 =	vperm.xlane v12, v0  }
0x2ed: {  	v17 =	vmax.f32 v18, v17;
	v18 =	vld [tilespmem:s16+$0x60]  }
0x2ee: {  	v13 =	vmax.f32 v17, v13;
	v17 =	vld [tilespmem:s16+$0x70];
	v12 =	vmax.f32 v12, v19  }
0x2ef: {  	v13 =	vmax.f32 v13, v14;
	v14 =	vld [tilespmem:s16+$0x400];
	v19 =	vperm.xlane v12, v1  }
0x2f0: {  	v13 =	vmax.f32 v13, v15;
	v15 =	vld [tilespmem:s16+$0x410]  }
0x2f1: {  	v13 =	vmax.f32 v13, v16;
	v16 =	vld [tilespmem:s16+$0x420];
	v12 =	vmax.f32 v12, v19  }
0x2f2: {  	v13 =	vmax.f32 v13, v18;
	v18 =	vld [tilespmem:s16+$0x430];
	v19 =	vperm.xlane v12, v2  }
0x2f3: {  	v13 =	vmax.f32 v13, v17;
	v17 =	vld [tilespmem:s16+$0x440]  }
0x2f4: {  	v13 =	vmax.f32 v13, v14;
	v14 =	vld [tilespmem:s16+$0x450];
	v12 =	vmax.f32 v12, v19  }
0x2f5: {  	v13 =	vmax.f32 v13, v15;
	v15 =	vld [tilespmem:s16+$0x460];
	v19 =	vperm.xlane v12, v3  }
0x2f6: {  	v13 =	vmax.f32 v13, v16;
	v16 =	vld [tilespmem:s16+$0x470]  }
0x2f7: {  	v13 =	vmax.f32 v13, v18;
	v18 =	vld [tilespmem:s16+$0x800];
	v12 =	vmax.f32 v12, v19  }
0x2f8: {  	v13 =	vmax.f32 v13, v17;
	v17 =	vld [tilespmem:s16+$0x810];
	v11 =	vadd.f32 v12, v11  }
0x2f9: {  	v12 =	vmax.f32 v13, v14;
	v13 =	vld [tilespmem:s16+$0x820]  }
0x2fa: {  	v12 =	vmax.f32 v12, v15;
	v14 =	vld [tilespmem:s16+$0x830]  }
0x2fb: {  	v12 =	vmax.f32 v12, v16;
	v15 =	vld [tilespmem:s16+$0x840]  }
0x2fc: {  	v12 =	vmax.f32 v12, v18;
	v16 =	vld [tilespmem:s16+$0x850]  }
0x2fd: {  	v12 =	vmax.f32 v12, v17;
	v17 =	vld [tilespmem:s16+$0x860]  }
0x2fe: {  	v12 =	vmax.f32 v12, v13;
	v13 =	vld [tilespmem:s16+$0x870]  }
0x2ff: {  	v12 =	vmax.f32 v12, v14;
	v14 =	vld [tilespmem:s16+$0xC00]  }
0x300: {  	v12 =	vmax.f32 v12, v15;
	v15 =	vld [tilespmem:s16+$0xC10]  }
0x301: {  	v12 =	vmax.f32 v12, v16;
	v16 =	vld [tilespmem:s16+$0xC20]  }
.Ltmp7:
0x302: {  	v17 =	vmax.f32 v12, v17;
	v12 =	vld [tilespmem:s16+$0xC30];
	(pc) =	sbr.rel @p0 .LBB2_16-.Ltmp7, $4  }
0x303: {  	v17 =	vmax.f32 v17, v13;
	v13 =	vld [tilespmem:s16+$0xC40]  }
0x304: {  	s17 =	sadd.s32 $0x80, s17;
	v17 =	vmax.f32 v17, v14;
	v14 =	vld [tilespmem:s16+$0xC50]  }
0x305: {  	s19 =	sand.u32 $0x7000, s18;
	s20 =	sand.u32 $0x380, s17;
	v17 =	vmax.f32 v17, v15;
	v15 =	vld [tilespmem:s16+$0xC60]  }
0x306: {  	s18 =	sadd.s32 $0x200, s18;
	v17 =	vmax.f32 v17, v16;
	v16 =	vld [tilespmem:s16+$0xC70];
	s16 =	sor.u32 s20, s19  }
0x307: {  	v18 =	vld [tilespmem:s16+$0x0]  }
0x308: {  	v19 =	vld [tilespmem:s16+$0x10]  }
0x309: {  	v20 =	vld [tilespmem:s16+$0x20]  }
0x30a: {  	v21 =	vld [tilespmem:s16+$0x30]  }
0x30b: {  	v22 =	vld [tilespmem:s16+$0x40]  }
0x30c: {  	v23 =	vld [tilespmem:s16+$0x50]  }
0x30d: {  	v31 =	vld [tilespmem:s16+$0x60];
	v18 =	vmax.f32 v18, v19  }
0x30e: {  	v32 =	vld [tilespmem:s16+$0x70];
	v18 =	vmax.f32 v18, v20  }
0x30f: {  	v33 =	vld [tilespmem:s16+$0x400];
	v18 =	vmax.f32 v18, v21  }
0x310: {  	v34 =	vld [tilespmem:s16+$0x410];
	v18 =	vmax.f32 v18, v22  }
0x311: {  	v35 =	vld [tilespmem:s16+$0x420];
	v18 =	vmax.f32 v18, v23  }
0x312: {  	v36 =	vld [tilespmem:s16+$0x430];
	v18 =	vmax.f32 v18, v31  }
0x313: {  	v37 =	vld [tilespmem:s16+$0x440];
	v18 =	vmax.f32 v18, v32  }
0x314: {  	v38 =	vld [tilespmem:s16+$0x450];
	v18 =	vmax.f32 v18, v33  }
0x315: {  	v39 =	vld [tilespmem:s16+$0x460];
	v18 =	vmax.f32 v18, v34  }
0x316: {  	v40 =	vld [tilespmem:s16+$0x470];
	v18 =	vmax.f32 v18, v35  }
0x317: {  	v41 =	vld [tilespmem:s16+$0x800];
	v18 =	vmax.f32 v18, v36  }
0x318: {  	v42 =	vld [tilespmem:s16+$0x810];
	v18 =	vmax.f32 v18, v37  }
0x319: {  	v43 =	vld [tilespmem:s16+$0x820];
	v18 =	vmax.f32 v18, v38  }
0x31a: {  	v44 =	vld [tilespmem:s16+$0x830];
	v18 =	vmax.f32 v18, v39  }
0x31b: {  	v45 =	vld [tilespmem:s16+$0x840];
	v18 =	vmax.f32 v18, v40  }
0x31c: {  	v46 =	vld [tilespmem:s16+$0x850];
	v18 =	vmax.f32 v18, v41  }
0x31d: {  	v47 =	vld [tilespmem:s16+$0x860];
	v18 =	vmax.f32 v18, v42  }
0x31e: {  	v48 =	vld [tilespmem:s16+$0x870];
	v18 =	vmax.f32 v18, v43  }
0x31f: {  	v49 =	vld [tilespmem:s16+$0xC00];
	v18 =	vmax.f32 v18, v44  }
0x320: {  	v50 =	vld [tilespmem:s16+$0xC10];
	v18 =	vmax.f32 v18, v45  }
0x321: {  	v51 =	vld [tilespmem:s16+$0xC20];
	v18 =	vmax.f32 v18, v46  }
0x322: {  	v52 =	vld [tilespmem:s16+$0xC30];
	v18 =	vmax.f32 v18, v47  }
0x323: {  	v53 =	vld [tilespmem:s16+$0xC40];
	v18 =	vmax.f32 v18, v48  }
0x324: {  	v54 =	vld [tilespmem:s16+$0xC50];
	v18 =	vmax.f32 v18, v49  }
0x325: {  	v12 =	vmax.f32 v17, v12;
	v56 =	vld [tilespmem:s16+$0xC60];
	v55 =	vmax.f32 v18, v50  }
0x326: {  	v58 =	vld [tilespmem:s16+$0xC70];
	v12 =	vmax.f32 v12, v13;
	v57 =	vmax.f32 v55, v51  }
0x327: {  	v12 =	vmax.f32 v12, v14;
	v13 =	vmax.f32 v57, v52  }
0x328: {  	v12 =	vmax.f32 v12, v15;
	v13 =	vmax.f32 v13, v53  }
0x329: {  	v12 =	vmax.f32 v12, v16;
	v13 =	vmax.f32 v13, v54  }
0x32a: {  	v59 =	vperm.xlane v12, v0;
	v13 =	vmax.f32 v13, v56  }
0x32b: {  	v13 =	vmax.f32 v13, v58  }
0x32c: {  	v12 =	vmax.f32 v12, v59;
	v60 =	vperm.xlane v13, v0  }
0x32d: {  	v61 =	vperm.xlane v12, v1  }
0x32e: {  	v13 =	vmax.f32 v13, v60  }
0x32f: {  	v12 =	vmax.f32 v12, v61;
	v14 =	vperm.xlane v13, v1  }
0x330: {  	v15 =	vperm.xlane v12, v2  }
0x331: {  	v13 =	vmax.f32 v13, v14  }
0x332: {  	v12 =	vmax.f32 v12, v15;
	v14 =	vperm.xlane v13, v2  }
0x333: {  	v4 =	vnsel vm0, $0x0, v4;
	v15 =	vperm.xlane v12, v3  }
0x334: {  	v4 =	vsel vm1, v4, v5;
	v13 =	vmax.f32 v13, v14  }
0x335: {  	v4 =	vsel vm2, v4, v6;
	v5 =	vmax.f32 v12, v15;
	v62 =	vperm.xlane v13, v3  }
0x336: {  	v4 =	vsel vm3, v4, v7;
	v5 =	vadd.f32 v5, v11  }
0x337: {  	v4 =	vsel vm4, v4, v8;
	v63 =	vmax.f32 v13, v62  }
0x338: {  	v4 =	vsel vm5, v4, v9;
	v5 =	vadd.f32 v63, v5  }
0x339: {  	s15 =	sadd.s32 $0x1, s15;
	v4 =	vsel vm6, v4, v10  }
0x33a: {  	p0 =	sne.s32 s15, s12;
	v4 =	vsel vm7, v4, v5  }
.Ltmp8:
0x33b: {  	[tilespmem:$0x8000] =	vst v4;
	(pc) =	sbr.rel @p0 .LBB2_1-.Ltmp8, $4  }
0x33c: {  	[hbm4b:s11+s2] =	stream.linear.scatter [tilespmem:s14], [sflag:$0x1], $0x80, $0x38;
	[tilespmem:$0x8080] =	vst v63  }
0x33d: {  	_ =	swait.ge [sflag:s13], $0x80  }
0x33e: {  	[sflag:s13] =	ssyncset.done $0x0  }
0x33f: {  	[sflag:s13] =	ssyncadd.s32 $0xFFFFFF80  }
0x340: {  	_ =	sfence.sel $0x180000  }
0x341: {  	[bflag:$0x0] =	sbarrier.arrive $0xFFFF  }
0x342: {  	p0 =	sne.s32 s0, $0x0;
	_ =	strace $0x90000047  }
0x343: {  	s0 =	sadd.s32 @!p0 $0x100000, s1;
	[bflag:$0x2] =	sbarrier.arrive $0xFFFF  }
0x344: {  	[sflag:s0] =	ssyncadd.tile.s32 @!p0 $0x1;
	_ =	shalt  }
.Lfunc_end2:
_tile_overlayer_lowered:
.L_overlay_start_2:
0x345: {  	(tag) =	ssettag $0x2  }
0x346: {  	s0 =	rddreg [dreg:$0x0];
	s2 =	stileid.u32  }
0x347: {  	s1 =	rddreg [dreg:$0x1];
	p0 =	sne.s32 s2, $0x0  }
0x348: {  	s3 =	rddreg [dreg:$0x2];
	[bflag:$0x3] =	sbarrier.arrive $0xFFFF;
	s2 =	simm.s32 @!p0 $0x1C01  }
0x349: {  	[timem:s3], [sflag:s2] =	dma.local @!p0 [hbm:s0], s1  }
0x34a: {  	s0 =	simm.s32 @!p0 $0x1  }
0x34b: {  	_ =	swait.ge @!p0 [sflag:s0], s1  }
0x34c: {  	s1 =	ssub.s32 @!p0 $0x0, s1;
	[sflag:s0] =	ssyncset.done @!p0 $0x0  }
0x34d: {  	[sflag:s0] =	ssyncadd.s32 @!p0 s1  }
0x34e: {  	[bflag:$0x3] =	sbarrier.arrive $0xFFFF  }
0x34f: {  	_ =	shalt  }

</sc_bundles>
